<compile_context>
chip_gen: v7x
topology: tpu7x:2x2x1
jax: 0.10.2.dev20260603
libtpu: 0.0.44.dev20260713+nightly
codegen_flags: <defaults>
</compile_context>

<pallas_src>
import functools

import jax
import jax.numpy as jnp
from jax import lax
from jax.experimental import pallas as pl
from jax.experimental.pallas import tpu as pltpu
from jax.experimental.pallas import tpu_sc as plsc

N, D, E = 10000, 128, 320000
NC, NS = 2, 16
NW = NC * NS
B = 80
CPT = 125
EP = NW * B * CPT
NBUF = 8
NP = 10016
RPS = NP // NS
DEGW = 16

_mesh = plsc.VectorSubcoreMesh(
    core_axis_name="c", subcore_axis_name="s", num_cores=NC, num_subcores=NS)
_sc_params = pltpu.CompilerParams(use_tc_tiling_on_sc=False)


@functools.partial(
    pl.kernel,
    out_type=jax.ShapeDtypeStruct((NC, NP, DEGW), jnp.float32),
    mesh=_mesh,
    scratch_types=[
        pltpu.VMEM((B, DEGW), jnp.float32),
        pltpu.VMEM((CPT, B), jnp.int32),
        pltpu.VMEM_SHARED((NP, DEGW), jnp.float32),
        pltpu.SemaphoreType.DMA,
    ],
    compiler_params=_sc_params,
)
def _deg_sc(dst_hbm, ones_hbm, zeros_hbm, out_hbm, ones_v, dst_v, acc, sem):
    c = lax.axis_index("c")
    s = lax.axis_index("s")
    wid = c * NS + s
    pltpu.sync_copy(zeros_hbm.at[pl.ds(s * RPS, RPS)], acc.at[pl.ds(s * RPS, RPS)])
    pltpu.sync_copy(ones_hbm, ones_v)
    pltpu.sync_copy(dst_hbm.at[pl.ds(wid * CPT, CPT)], dst_v)
    plsc.subcore_barrier()

    LAG = 8

    def body(j, carry):
        @pl.when(j < CPT)
        def _():
            pltpu.async_copy(ones_v, acc.at[dst_v.at[j]], sem, add=True)

        @pl.when(j >= LAG)
        def _():
            pltpu.make_async_copy(ones_v, acc.at[dst_v.at[j - LAG]], sem).wait()

        return carry

    lax.fori_loop(0, CPT + LAG, body, 0)
    plsc.subcore_barrier()
    pltpu.sync_copy(acc.at[pl.ds(s * RPS, RPS)],
                    out_hbm.at[c, pl.ds(s * RPS, RPS)])


@functools.partial(
    pl.kernel,
    out_type=jax.ShapeDtypeStruct((NC, NP, D), jnp.bfloat16),
    mesh=_mesh,
    scratch_types=(
        [pltpu.VMEM((CPT, B), jnp.int32),
         pltpu.VMEM((CPT, B), jnp.int32)]
        + [pltpu.VMEM((B, D), jnp.bfloat16) for _ in range(NBUF)]
        + [pltpu.VMEM_SHARED((NP, D), jnp.bfloat16)]
        + [pltpu.SemaphoreType.DMA for _ in range(2 * NBUF)]
    ),
    compiler_params=_sc_params,
)
def _agg_sc(g_hbm, src_hbm, dst_hbm, zeros_hbm, out_hbm,
            src_v, dst_v, *rest):
    bufs = rest[:NBUF]
    acc = rest[NBUF]
    gsem = rest[NBUF + 1:NBUF + 1 + NBUF]
    ssem = rest[NBUF + 1 + NBUF:]
    c = lax.axis_index("c")
    s = lax.axis_index("s")
    wid = c * NS + s
    d0 = pltpu.async_copy(
        zeros_hbm.at[pl.ds(s * RPS, RPS)], acc.at[pl.ds(s * RPS, RPS)], gsem[0])
    d1 = pltpu.async_copy(src_hbm.at[pl.ds(wid * CPT, CPT)], src_v, gsem[1])
    d2 = pltpu.async_copy(dst_hbm.at[pl.ds(wid * CPT, CPT)], dst_v, ssem[0])
    d0.wait()
    d1.wait()
    d2.wait()
    plsc.subcore_barrier()

    def issue_gather(j, b):
        pltpu.async_copy(g_hbm.at[src_v.at[j]], bufs[b], gsem[b])

    def wait_gather(j, b):
        pltpu.make_async_copy(g_hbm.at[src_v.at[j]], bufs[b], gsem[b]).wait()

    def issue_scatter(j, b):
        pltpu.async_copy(bufs[b], acc.at[dst_v.at[j]], ssem[b], add=True)

    def wait_scatter(j, b):
        pltpu.make_async_copy(bufs[b], acc.at[dst_v.at[j]], ssem[b]).wait()

    A = NBUF - 1
    for j in range(A):
        issue_gather(j, j)

    def body(o, carry):
        for b in range(NBUF):
            j = o * NBUF + b

            @pl.when(j < CPT)
            def _():
                wait_gather(j, b)
                issue_scatter(j, b)

            @pl.when(jnp.logical_and(j >= 1, j <= CPT))
            def _():
                wait_scatter(j - 1, (b + A) % NBUF)

            @pl.when(j + A < CPT)
            def _():
                issue_gather(j + A, (b + A) % NBUF)
        return carry

    lax.fori_loop(0, (CPT + NBUF) // NBUF, body, 0)

    plsc.subcore_barrier()
    pltpu.sync_copy(acc.at[pl.ds(s * RPS, RPS)],
                    out_hbm.at[c, pl.ds(s * RPS, RPS)])


NB = 5
RB = N // NB

_blk = pl.BlockSpec((RB, D), lambda i: (i, 0))
_blks = pl.BlockSpec((NC, RB, D), lambda i: (0, i, 0))
_blkdeg0 = pl.BlockSpec((1, RB, DEGW), lambda i: (0, i, 0))
_blkdeg1 = pl.BlockSpec((1, RB, DEGW), lambda i: (1, i, 0))
_blkw = pl.BlockSpec((D, D), lambda i: (0, 0))
_blkb = pl.BlockSpec((1, D), lambda i: (0, 0))
_tc_params = pltpu.CompilerParams(dimension_semantics=("parallel",))


def _dinv_of(dp0_ref, dp1_ref):
    return lax.rsqrt(1.0 + dp0_ref[0, :, 0:1] + dp1_ref[0, :, 0:1])


def _tc_first_body(dp0_ref, dp1_ref, x_ref, w_ref, o_ref, ob_ref):
    dinv = _dinv_of(dp0_ref, dp1_ref)
    h = jnp.dot(x_ref[...], w_ref[...], preferred_element_type=jnp.float32)
    g = h * dinv
    o_ref[...] = g
    ob_ref[...] = g.astype(jnp.bfloat16)


def _tc_mid_body(dp0_ref, dp1_ref, g_ref, s_ref, w_ref, b_ref, o_ref, ob_ref):
    dinv = _dinv_of(dp0_ref, dp1_ref)
    sagg = s_ref[0].astype(jnp.float32) + s_ref[1].astype(jnp.float32)
    z = dinv * (g_ref[...] + sagg) + b_ref[...]
    z = jnp.maximum(z, 0.0)
    h = jnp.dot(z, w_ref[...], preferred_element_type=jnp.float32)
    g = h * dinv
    o_ref[...] = g
    ob_ref[...] = g.astype(jnp.bfloat16)


def _tc_last_body(dp0_ref, dp1_ref, g_ref, s_ref, w_ref, b_ref, bh_ref, o_ref):
    dinv = _dinv_of(dp0_ref, dp1_ref)
    sagg = s_ref[0].astype(jnp.float32) + s_ref[1].astype(jnp.float32)
    z = dinv * (g_ref[...] + sagg) + b_ref[...]
    h = jnp.dot(z, w_ref[...], preferred_element_type=jnp.float32)
    o_ref[...] = h + bh_ref[...]


_out_f32 = jax.ShapeDtypeStruct((N, D), jnp.float32)
_out_bf16 = jax.ShapeDtypeStruct((N, D), jnp.bfloat16)

_tc_first = pl.pallas_call(
    _tc_first_body,
    grid=(NB,),
    in_specs=[_blkdeg0, _blkdeg1, _blk, _blkw],
    out_specs=[_blk, _blk],
    out_shape=[_out_f32, _out_bf16],
    compiler_params=_tc_params,
)

_tc_mid = pl.pallas_call(
    _tc_mid_body,
    grid=(NB,),
    in_specs=[_blkdeg0, _blkdeg1, _blk, _blks, _blkw, _blkb],
    out_specs=[_blk, _blk],
    out_shape=[_out_f32, _out_bf16],
    compiler_params=_tc_params,
)

_tc_last = pl.pallas_call(
    _tc_last_body,
    grid=(NB,),
    in_specs=[_blkdeg0, _blkdeg1, _blk, _blks, _blkw, _blkb, _blkb],
    out_specs=_blk,
    out_shape=_out_f32,
    compiler_params=_tc_params,
)


def kernel(x, edge_index, W1, b1, W2, b2, W3, b3, Wh, bh):
    src2 = edge_index[0].reshape(EP // B, B)
    dst2 = edge_index[1].reshape(EP // B, B)
    zeros_d = jnp.zeros((NP, D), jnp.bfloat16)
    zeros_w = jnp.zeros((NP, DEGW), jnp.float32)
    ones_w = jnp.ones((B, DEGW), jnp.float32)
    b1r = b1.reshape(1, D)
    b2r = b2.reshape(1, D)
    b3r = b3.reshape(1, D)
    bhr = bh.reshape(1, D)

    degp = _deg_sc(dst2, ones_w, zeros_w)

    g1, g1b = _tc_first(degp, degp, x, W1)
    s1 = _agg_sc(g1b, src2, dst2, zeros_d)
    g2, g2b = _tc_mid(degp, degp, g1, s1, W2, b1r)
    s2 = _agg_sc(g2b, src2, dst2, zeros_d)
    g3, g3b = _tc_mid(degp, degp, g2, s2, W3, b2r)
    s3 = _agg_sc(g3b, src2, dst2, zeros_d)
    out = _tc_last(degp, degp, g3, s3, Wh, b3r, bhr)
    return out

# --- scband reference (transcript-rebuilt; emitter-appended) ---
"""Pipeline reference for scband-gcn-22308060136220 (READ-ONLY COPY).

The authoritative reference and input builder live on the scoring server;
editing this copy changes nothing except your own understanding.
"""

import jax, jax.numpy as jnp
import numpy as np

N, D, E = 10000, 128, 320000

def setup_inputs(seed: int = 0) -> dict:
    key = jax.random.key(seed)
    ks = jax.random.split(key, 12)
    x = jax.random.normal(ks[0], (N, D), dtype=jnp.float32)
    edge_index = jax.random.randint(ks[1], (2, E), 0, N, dtype=jnp.int32)
    s = 1.0 / np.sqrt(D)
    W1 = jax.random.normal(ks[2], (D, D), dtype=jnp.float32) * s
    b1 = jnp.zeros((D,), dtype=jnp.float32)
    W2 = jax.random.normal(ks[3], (D, D), dtype=jnp.float32) * s
    b2 = jnp.zeros((D,), dtype=jnp.float32)
    W3 = jax.random.normal(ks[4], (D, D), dtype=jnp.float32) * s
    b3 = jnp.zeros((D,), dtype=jnp.float32)
    Wh = jax.random.normal(ks[5], (D, D), dtype=jnp.float32) * s
    bh = jnp.zeros((D,), dtype=jnp.float32)
    return {"x": x, "edge_index": edge_index, "W1": W1, "b1": b1, "W2": W2, "b2": b2, "W3": W3, "b3": b3, "Wh": Wh, "bh": bh}


def gcn_conv(x, edge_index, W, b):
    n = x.shape[0]
    loop = jnp.arange(n, dtype=edge_index.dtype)
    src = jnp.concatenate([edge_index[0], loop])
    dst = jnp.concatenate([edge_index[1], loop])
    deg = jnp.zeros((n,), dtype=x.dtype).at[dst].add(1.0)
    dinv = 1.0 / jnp.sqrt(deg)
    norm = dinv[src] * dinv[dst]
    h = x @ W
    msg = h[src] * norm[:, None]
    out = jnp.zeros_like(h).at[dst].add(msg)
    return out + b


def reference(x, edge_index, W1, b1, W2, b2, W3, b3, Wh, bh):
    # GCNConv -> ReLU -> Dropout(eval: identity) x2, final GCNConv, then linear head
    h = gcn_conv(x, edge_index, W1, b1)
    h = jax.nn.relu(h)
    h = gcn_conv(h, edge_index, W2, b2)
    h = jax.nn.relu(h)
    h = gcn_conv(h, edge_index, W3, b3)
    h = h @ Wh + bh
    return h

if __name__ == "__main__":
    import jax
    _d = setup_inputs()
    print(jax.jit(kernel)(*tuple(_d.values())))

</pallas_src>

<mosaic_0001>
#map = affine_map<(d0, d1) -> (0, 0)>
#map1 = affine_map<(d0, d1) -> (0, 0, 0)>
module attributes {stable_mosaic.version = 14 : i64} {
  func.func @_deg_sc(%arg0: i32, %arg1: i32, %arg2: memref<4000x80xi32, #tpu.memory_space<hbm>>, %arg3: memref<80x16xf32, #tpu.memory_space<hbm>>, %arg4: memref<10016x16xf32, #tpu.memory_space<hbm>>, %arg5: memref<2x10016x16xf32, #tpu.memory_space<hbm>>, %arg6: memref<80x16xf32, #tpu.memory_space<vmem>>, %arg7: memref<125x80xi32, #tpu.memory_space<vmem>>, %arg8: memref<10016x16xf32, #tpu.memory_space<vmem_shared>>, %arg9: memref<!tpu.dma_semaphore, #tpu.memory_space<semaphore_mem>>) attributes {dimension_semantics = [#tpu.dimension_semantics<core_parallel>, #tpu.dimension_semantics<subcore_parallel>], iteration_bounds = array<i64: 2, 16>, scalar_prefetch = 0 : i64, scratch_operands = 4 : i64, tpu.core_type = #tpu.core_type<sc_vector_subcore>, window_params = [{transform_indices = #map}, {transform_indices = #map}, {transform_indices = #map}, {transform_indices = #map1}]} {
    %mul3A = arith.constant 16 : i32
    %mul3A_0 = arith.muli %arg0, %mul3A : i32
    %add3A = arith.addi %mul3A_0, %arg1 : i32
    %mul3A_1 = arith.constant 626 : i32
    %mul3A_2 = arith.muli %arg1, %mul3A_1 : i32
    %mul3A_3 = arith.constant 626 : i32
    %mul3A_4 = arith.muli %arg1, %mul3A_3 : i32
    "tpu.region"() ({
      %run_scoped3A = tpu.sem_alloc : memref<!tpu.dma_semaphore, #tpu.memory_space<semaphore_mem>>
      %dma_start3A = arith.constant 0 : i32
      %dma_start3A_17 = tpu.memref_slice %arg8[%mul3A_4, %dma_start3A] : memref<10016x16xf32, #tpu.memory_space<vmem_shared>> -> memref<626x16xf32, #tpu.memory_space<vmem_shared>>
      %dma_start3A_18 = arith.constant 0 : i32
      %dma_start3A_19 = tpu.memref_slice %arg4[%mul3A_2, %dma_start3A_18] : memref<10016x16xf32, #tpu.memory_space<hbm>> -> memref<626x16xf32, #tpu.memory_space<hbm>>
      tpu.enqueue_dma source(%dma_start3A_19 : memref<626x16xf32, #tpu.memory_space<hbm>>) target(%dma_start3A_17 : memref<626x16xf32, #tpu.memory_space<vmem_shared>>) target_semaphore(%run_scoped3A : memref<!tpu.dma_semaphore, #tpu.memory_space<semaphore_mem>>)
      %dma_wait3A = arith.constant 0 : i32
      %dma_wait3A_20 = tpu.memref_slice %arg8[%mul3A_4, %dma_wait3A] : memref<10016x16xf32, #tpu.memory_space<vmem_shared>> -> memref<626x16xf32, #tpu.memory_space<vmem_shared>>
      %dma_wait3A_21 = arith.constant 0 : i32
      %dma_wait3A_22 = tpu.memref_slice %arg4[%mul3A_2, %dma_wait3A_21] : memref<10016x16xf32, #tpu.memory_space<hbm>> -> memref<626x16xf32, #tpu.memory_space<hbm>>
      tpu.wait_dma2 semaphore(%run_scoped3A : memref<!tpu.dma_semaphore, #tpu.memory_space<semaphore_mem>>) src(%dma_wait3A_22 : memref<626x16xf32, #tpu.memory_space<hbm>>) dst(%dma_wait3A_20 : memref<626x16xf32, #tpu.memory_space<vmem_shared>>)
      tpu.yield
    }) : () -> ()
    "tpu.region"() ({
      %run_scoped3A = tpu.sem_alloc : memref<!tpu.dma_semaphore, #tpu.memory_space<semaphore_mem>>
      tpu.enqueue_dma source(%arg3 : memref<80x16xf32, #tpu.memory_space<hbm>>) target(%arg6 : memref<80x16xf32, #tpu.memory_space<vmem>>) target_semaphore(%run_scoped3A : memref<!tpu.dma_semaphore, #tpu.memory_space<semaphore_mem>>)
      tpu.wait_dma2 semaphore(%run_scoped3A : memref<!tpu.dma_semaphore, #tpu.memory_space<semaphore_mem>>) src(%arg3 : memref<80x16xf32, #tpu.memory_space<hbm>>) dst(%arg6 : memref<80x16xf32, #tpu.memory_space<vmem>>)
      tpu.yield
    }) : () -> ()
    %mul3A_5 = arith.constant 125 : i32
    %mul3A_6 = arith.muli %add3A, %mul3A_5 : i32
    "tpu.region"() ({
      %run_scoped3A = tpu.sem_alloc : memref<!tpu.dma_semaphore, #tpu.memory_space<semaphore_mem>>
      %dma_start3A = arith.constant 0 : i32
      %dma_start3A_17 = tpu.memref_slice %arg2[%mul3A_6, %dma_start3A] : memref<4000x80xi32, #tpu.memory_space<hbm>> -> memref<125x80xi32, #tpu.memory_space<hbm>>
      %dma_start3A_18 = arith.constant 0 : i32
      %dma_start3A_19 = tpu.memref_slice %arg2[%mul3A_6, %dma_start3A_18] : memref<4000x80xi32, #tpu.memory_space<hbm>> -> memref<125x80xi32, #tpu.memory_space<hbm>>
      tpu.enqueue_dma source(%dma_start3A_19 : memref<125x80xi32, #tpu.memory_space<hbm>>) target(%arg7 : memref<125x80xi32, #tpu.memory_space<vmem>>) target_semaphore(%run_scoped3A : memref<!tpu.dma_semaphore, #tpu.memory_space<semaphore_mem>>)
      %dma_wait3A = arith.constant 0 : i32
      %dma_wait3A_20 = tpu.memref_slice %arg2[%mul3A_6, %dma_wait3A] : memref<4000x80xi32, #tpu.memory_space<hbm>> -> memref<125x80xi32, #tpu.memory_space<hbm>>
      %dma_wait3A_21 = arith.constant 0 : i32
      %dma_wait3A_22 = tpu.memref_slice %arg2[%mul3A_6, %dma_wait3A_21] : memref<4000x80xi32, #tpu.memory_space<hbm>> -> memref<125x80xi32, #tpu.memory_space<hbm>>
      tpu.wait_dma2 semaphore(%run_scoped3A : memref<!tpu.dma_semaphore, #tpu.memory_space<semaphore_mem>>) src(%dma_wait3A_22 : memref<125x80xi32, #tpu.memory_space<hbm>>) dst(%arg7 : memref<125x80xi32, #tpu.memory_space<vmem>>)
      tpu.yield
    }) : () -> ()
    %barrier3A = arith.constant 0 : index
    tpu.barrier barrier_id(%barrier3A)
    %scan3A = arith.constant 0 : i32
    %scan3A_7 = arith.constant 0 : i32
    %scan3A_8 = arith.constant 133 : i32
    %scan3A_9 = arith.addi %scan3A_7, %scan3A_8 : i32
    %scan3A_10 = arith.constant 1 : i32
    scf.for %scan3A_17 = %scan3A_7 to %scan3A_9 step %scan3A_10  : i32 {
      %lt3A = arith.constant 125 : i32
      %lt3A_18 = arith.cmpi slt, %scan3A_17, %lt3A : i32
      %convert_element_type3A = arith.extui %lt3A_18 : i1 to i32
      %cond3A = arith.constant 0 : i32
      %cond3A_19 = arith.cmpi ne, %convert_element_type3A, %cond3A : i32
      scf.if %cond3A_19 {
        %dma_start3A = arith.constant 0 : i32
        %dma_start3A_24 = tpu.memref_slice %arg7[%scan3A_17, %dma_start3A] : memref<125x80xi32, #tpu.memory_space<vmem>> -> memref<1x80xi32, #tpu.memory_space<vmem>>
        %dma_start3A_25 = tpu.memref_squeeze %dma_start3A_24 : memref<1x80xi32, #tpu.memory_space<vmem>> -> memref<80xi32, #tpu.memory_space<vmem>>
        %dma_start3A_26 = arith.constant 0 : i32
        %dma_start3A_27 = arith.constant 0 : i32
        %dma_start3A_28 = tpu.memref_slice %arg8[%dma_start3A_26, %dma_start3A_27] : memref<10016x16xf32, #tpu.memory_space<vmem_shared>> -> memref<10016x16xf32, #tpu.memory_space<vmem_shared>>
        tpu.enqueue_indirect_dma source(%arg6 : memref<80x16xf32, #tpu.memory_space<vmem>>) target(%dma_start3A_28 : memref<10016x16xf32, #tpu.memory_space<vmem_shared>>) offsets(%dma_start3A_25 : memref<80xi32, #tpu.memory_space<vmem>>) semaphore(%arg9 : memref<!tpu.dma_semaphore, #tpu.memory_space<semaphore_mem>>) {add = true}
      } else {
      }
      %ge3A = arith.constant 8 : i32
      %ge3A_20 = arith.cmpi sge, %scan3A_17, %ge3A : i32
      %convert_element_type3A_21 = arith.extui %ge3A_20 : i1 to i32
      %cond3A_22 = arith.constant 0 : i32
      %cond3A_23 = arith.cmpi ne, %convert_element_type3A_21, %cond3A_22 : i32
      scf.if %cond3A_23 {
        %sub3A = arith.constant 8 : i32
        %sub3A_24 = arith.subi %scan3A_17, %sub3A : i32
        %dma_wait3A = arith.constant 0 : i32
        %dma_wait3A_25 = tpu.memref_slice %arg7[%sub3A_24, %dma_wait3A] : memref<125x80xi32, #tpu.memory_space<vmem>> -> memref<1x80xi32, #tpu.memory_space<vmem>>
        %dma_wait3A_26 = tpu.memref_squeeze %dma_wait3A_25 : memref<1x80xi32, #tpu.memory_space<vmem>> -> memref<80xi32, #tpu.memory_space<vmem>>
        %dma_wait3A_27 = arith.constant 0 : i32
        %dma_wait3A_28 = arith.constant 0 : i32
        %dma_wait3A_29 = tpu.memref_slice %arg8[%dma_wait3A_27, %dma_wait3A_28] : memref<10016x16xf32, #tpu.memory_space<vmem_shared>> -> memref<10016x16xf32, #tpu.memory_space<vmem_shared>>
        tpu.wait_indirect_dma semaphore(%arg9 : memref<!tpu.dma_semaphore, #tpu.memory_space<semaphore_mem>>) src(%arg6 : memref<80x16xf32, #tpu.memory_space<vmem>>) dst(%dma_wait3A_29 : memref<10016x16xf32, #tpu.memory_space<vmem_shared>>)
      } else {
      }
    }
    %scan3A_11 = arith.constant 133 : i32
    %barrier3A_12 = arith.constant 0 : index
    tpu.barrier barrier_id(%barrier3A_12)
    %mul3A_13 = arith.constant 626 : i32
    %mul3A_14 = arith.muli %arg1, %mul3A_13 : i32
    %mul3A_15 = arith.constant 626 : i32
    %mul3A_16 = arith.muli %arg1, %mul3A_15 : i32
    "tpu.region"() ({
      %run_scoped3A = tpu.sem_alloc : memref<!tpu.dma_semaphore, #tpu.memory_space<semaphore_mem>>
      %dma_start3A = arith.constant 0 : i32
      %dma_start3A_17 = tpu.memref_slice %arg5[%arg0, %mul3A_16, %dma_start3A] : memref<2x10016x16xf32, #tpu.memory_space<hbm>> -> memref<1x626x16xf32, #tpu.memory_space<hbm>>
      %dma_start3A_18 = tpu.memref_squeeze %dma_start3A_17 : memref<1x626x16xf32, #tpu.memory_space<hbm>> -> memref<626x16xf32, #tpu.memory_space<hbm>>
      %dma_start3A_19 = arith.constant 0 : i32
      %dma_start3A_20 = tpu.memref_slice %arg8[%mul3A_14, %dma_start3A_19] : memref<10016x16xf32, #tpu.memory_space<vmem_shared>> -> memref<626x16xf32, #tpu.memory_space<vmem_shared>>
      tpu.enqueue_dma source(%dma_start3A_20 : memref<626x16xf32, #tpu.memory_space<vmem_shared>>) target(%dma_start3A_18 : memref<626x16xf32, #tpu.memory_space<hbm>>) target_semaphore(%run_scoped3A : memref<!tpu.dma_semaphore, #tpu.memory_space<semaphore_mem>>)
      %dma_wait3A = arith.constant 0 : i32
      %dma_wait3A_21 = tpu.memref_slice %arg5[%arg0, %mul3A_16, %dma_wait3A] : memref<2x10016x16xf32, #tpu.memory_space<hbm>> -> memref<1x626x16xf32, #tpu.memory_space<hbm>>
      %dma_wait3A_22 = tpu.memref_squeeze %dma_wait3A_21 : memref<1x626x16xf32, #tpu.memory_space<hbm>> -> memref<626x16xf32, #tpu.memory_space<hbm>>
      %dma_wait3A_23 = arith.constant 0 : i32
      %dma_wait3A_24 = tpu.memref_slice %arg8[%mul3A_14, %dma_wait3A_23] : memref<10016x16xf32, #tpu.memory_space<vmem_shared>> -> memref<626x16xf32, #tpu.memory_space<vmem_shared>>
      tpu.wait_dma2 semaphore(%run_scoped3A : memref<!tpu.dma_semaphore, #tpu.memory_space<semaphore_mem>>) src(%dma_wait3A_24 : memref<626x16xf32, #tpu.memory_space<vmem_shared>>) dst(%dma_wait3A_22 : memref<626x16xf32, #tpu.memory_space<hbm>>)
      tpu.yield
    }) : () -> ()
    return
  }
}

#map = affine_map<(d0, d1) -> (0, 0)>
#map1 = affine_map<(d0, d1) -> (0, 0, 0)>
module attributes {stable_mosaic.version = 14 : i64} {
  func.func @_agg_sc(%arg0: i32, %arg1: i32, %arg2: memref<10000x128xbf16, #tpu.memory_space<hbm>>, %arg3: memref<4000x80xi32, #tpu.memory_space<hbm>>, %arg4: memref<4000x80xi32, #tpu.memory_space<hbm>>, %arg5: memref<10016x128xbf16, #tpu.memory_space<hbm>>, %arg6: memref<2x10016x128xbf16, #tpu.memory_space<hbm>>, %arg7: memref<125x80xi32, #tpu.memory_space<vmem>>, %arg8: memref<125x80xi32, #tpu.memory_space<vmem>>, %arg9: memref<80x128xbf16, #tpu.memory_space<vmem>>, %arg10: memref<80x128xbf16, #tpu.memory_space<vmem>>, %arg11: memref<80x128xbf16, #tpu.memory_space<vmem>>, %arg12: memref<80x128xbf16, #tpu.memory_space<vmem>>, %arg13: memref<80x128xbf16, #tpu.memory_space<vmem>>, %arg14: memref<80x128xbf16, #tpu.memory_space<vmem>>, %arg15: memref<80x128xbf16, #tpu.memory_space<vmem>>, %arg16: memref<80x128xbf16, #tpu.memory_space<vmem>>, %arg17: memref<10016x128xbf16, #tpu.memory_space<vmem_shared>>, %arg18: memref<!tpu.dma_semaphore, #tpu.memory_space<semaphore_mem>>, %arg19: memref<!tpu.dma_semaphore, #tpu.memory_space<semaphore_mem>>, %arg20: memref<!tpu.dma_semaphore, #tpu.memory_space<semaphore_mem>>, %arg21: memref<!tpu.dma_semaphore, #tpu.memory_space<semaphore_mem>>, %arg22: memref<!tpu.dma_semaphore, #tpu.memory_space<semaphore_mem>>, %arg23: memref<!tpu.dma_semaphore, #tpu.memory_space<semaphore_mem>>, %arg24: memref<!tpu.dma_semaphore, #tpu.memory_space<semaphore_mem>>, %arg25: memref<!tpu.dma_semaphore, #tpu.memory_space<semaphore_mem>>, %arg26: memref<!tpu.dma_semaphore, #tpu.memory_space<semaphore_mem>>, %arg27: memref<!tpu.dma_semaphore, #tpu.memory_space<semaphore_mem>>, %arg28: memref<!tpu.dma_semaphore, #tpu.memory_space<semaphore_mem>>, %arg29: memref<!tpu.dma_semaphore, #tpu.memory_space<semaphore_mem>>, %arg30: memref<!tpu.dma_semaphore, #tpu.memory_space<semaphore_mem>>, %arg31: memref<!tpu.dma_semaphore, #tpu.memory_space<semaphore_mem>>, %arg32: memref<!tpu.dma_semaphore, #tpu.memory_space<semaphore_mem>>, %arg33: memref<!tpu.dma_semaphore, #tpu.memory_space<semaphore_mem>>) attributes {dimension_semantics = [#tpu.dimension_semantics<core_parallel>, #tpu.dimension_semantics<subcore_parallel>], iteration_bounds = array<i64: 2, 16>, scalar_prefetch = 0 : i64, scratch_operands = 27 : i64, tpu.core_type = #tpu.core_type<sc_vector_subcore>, window_params = [{transform_indices = #map}, {transform_indices = #map}, {transform_indices = #map}, {transform_indices = #map}, {transform_indices = #map1}]} {
    %mul3A = arith.constant 16 : i32
    %mul3A_0 = arith.muli %arg0, %mul3A : i32
    %add3A = arith.addi %mul3A_0, %arg1 : i32
    %mul3A_1 = arith.constant 626 : i32
    %mul3A_2 = arith.muli %arg1, %mul3A_1 : i32
    %mul3A_3 = arith.constant 626 : i32
    %mul3A_4 = arith.muli %arg1, %mul3A_3 : i32
    %dma_start3A = arith.constant 0 : i32
    %dma_start3A_5 = tpu.memref_slice %arg17[%mul3A_4, %dma_start3A] : memref<10016x128xbf16, #tpu.memory_space<vmem_shared>> -> memref<626x128xbf16, #tpu.memory_space<vmem_shared>>
    %dma_start3A_6 = arith.constant 0 : i32
    %dma_start3A_7 = tpu.memref_slice %arg5[%mul3A_2, %dma_start3A_6] : memref<10016x128xbf16, #tpu.memory_space<hbm>> -> memref<626x128xbf16, #tpu.memory_space<hbm>>
    tpu.enqueue_dma source(%dma_start3A_7 : memref<626x128xbf16, #tpu.memory_space<hbm>>) target(%dma_start3A_5 : memref<626x128xbf16, #tpu.memory_space<vmem_shared>>) target_semaphore(%arg18 : memref<!tpu.dma_semaphore, #tpu.memory_space<semaphore_mem>>)
    %mul3A_8 = arith.constant 125 : i32
    %mul3A_9 = arith.muli %add3A, %mul3A_8 : i32
    %dma_start3A_10 = arith.constant 0 : i32
    %dma_start3A_11 = tpu.memref_slice %arg3[%mul3A_9, %dma_start3A_10] : memref<4000x80xi32, #tpu.memory_space<hbm>> -> memref<125x80xi32, #tpu.memory_space<hbm>>
    %dma_start3A_12 = arith.constant 0 : i32
    %dma_start3A_13 = tpu.memref_slice %arg3[%mul3A_9, %dma_start3A_12] : memref<4000x80xi32, #tpu.memory_space<hbm>> -> memref<125x80xi32, #tpu.memory_space<hbm>>
    tpu.enqueue_dma source(%dma_start3A_13 : memref<125x80xi32, #tpu.memory_space<hbm>>) target(%arg7 : memref<125x80xi32, #tpu.memory_space<vmem>>) target_semaphore(%arg19 : memref<!tpu.dma_semaphore, #tpu.memory_space<semaphore_mem>>)
    %mul3A_14 = arith.constant 125 : i32
    %mul3A_15 = arith.muli %add3A, %mul3A_14 : i32
    %dma_start3A_16 = arith.constant 0 : i32
    %dma_start3A_17 = tpu.memref_slice %arg4[%mul3A_15, %dma_start3A_16] : memref<4000x80xi32, #tpu.memory_space<hbm>> -> memref<125x80xi32, #tpu.memory_space<hbm>>
    %dma_start3A_18 = arith.constant 0 : i32
    %dma_start3A_19 = tpu.memref_slice %arg4[%mul3A_15, %dma_start3A_18] : memref<4000x80xi32, #tpu.memory_space<hbm>> -> memref<125x80xi32, #tpu.memory_space<hbm>>
    tpu.enqueue_dma source(%dma_start3A_19 : memref<125x80xi32, #tpu.memory_space<hbm>>) target(%arg8 : memref<125x80xi32, #tpu.memory_space<vmem>>) target_semaphore(%arg26 : memref<!tpu.dma_semaphore, #tpu.memory_space<semaphore_mem>>)
    %dma_wait3A = arith.constant 0 : i32
    %dma_wait3A_20 = tpu.memref_slice %arg17[%mul3A_4, %dma_wait3A] : memref<10016x128xbf16, #tpu.memory_space<vmem_shared>> -> memref<626x128xbf16, #tpu.memory_space<vmem_shared>>
    %dma_wait3A_21 = arith.constant 0 : i32
    %dma_wait3A_22 = tpu.memref_slice %arg5[%mul3A_2, %dma_wait3A_21] : memref<10016x128xbf16, #tpu.memory_space<hbm>> -> memref<626x128xbf16, #tpu.memory_space<hbm>>
    tpu.wait_dma2 semaphore(%arg18 : memref<!tpu.dma_semaphore, #tpu.memory_space<semaphore_mem>>) src(%dma_wait3A_22 : memref<626x128xbf16, #tpu.memory_space<hbm>>) dst(%dma_wait3A_20 : memref<626x128xbf16, #tpu.memory_space<vmem_shared>>)
    %dma_wait3A_23 = arith.constant 0 : i32
    %dma_wait3A_24 = tpu.memref_slice %arg3[%mul3A_9, %dma_wait3A_23] : memref<4000x80xi32, #tpu.memory_space<hbm>> -> memref<125x80xi32, #tpu.memory_space<hbm>>
    %dma_wait3A_25 = arith.constant 0 : i32
    %dma_wait3A_26 = tpu.memref_slice %arg3[%mul3A_9, %dma_wait3A_25] : memref<4000x80xi32, #tpu.memory_space<hbm>> -> memref<125x80xi32, #tpu.memory_space<hbm>>
    tpu.wait_dma2 semaphore(%arg19 : memref<!tpu.dma_semaphore, #tpu.memory_space<semaphore_mem>>) src(%dma_wait3A_26 : memref<125x80xi32, #tpu.memory_space<hbm>>) dst(%arg7 : memref<125x80xi32, #tpu.memory_space<vmem>>)
    %dma_wait3A_27 = arith.constant 0 : i32
    %dma_wait3A_28 = tpu.memref_slice %arg4[%mul3A_15, %dma_wait3A_27] : memref<4000x80xi32, #tpu.memory_space<hbm>> -> memref<125x80xi32, #tpu.memory_space<hbm>>
    %dma_wait3A_29 = arith.constant 0 : i32
    %dma_wait3A_30 = tpu.memref_slice %arg4[%mul3A_15, %dma_wait3A_29] : memref<4000x80xi32, #tpu.memory_space<hbm>> -> memref<125x80xi32, #tpu.memory_space<hbm>>
    tpu.wait_dma2 semaphore(%arg26 : memref<!tpu.dma_semaphore, #tpu.memory_space<semaphore_mem>>) src(%dma_wait3A_30 : memref<125x80xi32, #tpu.memory_space<hbm>>) dst(%arg8 : memref<125x80xi32, #tpu.memory_space<vmem>>)
    %barrier3A = arith.constant 0 : index
    tpu.barrier barrier_id(%barrier3A)
    %dma_start3A_31 = arith.constant 0 : i32
    %dma_start3A_32 = arith.constant 0 : i32
    %dma_start3A_33 = tpu.memref_slice %arg7[%dma_start3A_31, %dma_start3A_32] : memref<125x80xi32, #tpu.memory_space<vmem>> -> memref<1x80xi32, #tpu.memory_space<vmem>>
    %dma_start3A_34 = tpu.memref_squeeze %dma_start3A_33 : memref<1x80xi32, #tpu.memory_space<vmem>> -> memref<80xi32, #tpu.memory_space<vmem>>
    %dma_start3A_35 = arith.constant 0 : i32
    %dma_start3A_36 = arith.constant 0 : i32
    %dma_start3A_37 = tpu.memref_slice %arg2[%dma_start3A_35, %dma_start3A_36] : memref<10000x128xbf16, #tpu.memory_space<hbm>> -> memref<10000x128xbf16, #tpu.memory_space<hbm>>
    tpu.enqueue_indirect_dma source(%dma_start3A_37 : memref<10000x128xbf16, #tpu.memory_space<hbm>>) target(%arg9 : memref<80x128xbf16, #tpu.memory_space<vmem>>) offsets(%dma_start3A_34 : memref<80xi32, #tpu.memory_space<vmem>>) semaphore(%arg18 : memref<!tpu.dma_semaphore, #tpu.memory_space<semaphore_mem>>)
    %dma_start3A_38 = arith.constant 1 : i32
    %dma_start3A_39 = arith.constant 0 : i32
    %dma_start3A_40 = tpu.memref_slice %arg7[%dma_start3A_38, %dma_start3A_39] : memref<125x80xi32, #tpu.memory_space<vmem>> -> memref<1x80xi32, #tpu.memory_space<vmem>>
    %dma_start3A_41 = tpu.memref_squeeze %dma_start3A_40 : memref<1x80xi32, #tpu.memory_space<vmem>> -> memref<80xi32, #tpu.memory_space<vmem>>
    %dma_start3A_42 = arith.constant 0 : i32
    %dma_start3A_43 = arith.constant 0 : i32
    %dma_start3A_44 = tpu.memref_slice %arg2[%dma_start3A_42, %dma_start3A_43] : memref<10000x128xbf16, #tpu.memory_space<hbm>> -> memref<10000x128xbf16, #tpu.memory_space<hbm>>
    tpu.enqueue_indirect_dma source(%dma_start3A_44 : memref<10000x128xbf16, #tpu.memory_space<hbm>>) target(%arg10 : memref<80x128xbf16, #tpu.memory_space<vmem>>) offsets(%dma_start3A_41 : memref<80xi32, #tpu.memory_space<vmem>>) semaphore(%arg19 : memref<!tpu.dma_semaphore, #tpu.memory_space<semaphore_mem>>)
    %dma_start3A_45 = arith.constant 2 : i32
    %dma_start3A_46 = arith.constant 0 : i32
    %dma_start3A_47 = tpu.memref_slice %arg7[%dma_start3A_45, %dma_start3A_46] : memref<125x80xi32, #tpu.memory_space<vmem>> -> memref<1x80xi32, #tpu.memory_space<vmem>>
    %dma_start3A_48 = tpu.memref_squeeze %dma_start3A_47 : memref<1x80xi32, #tpu.memory_space<vmem>> -> memref<80xi32, #tpu.memory_space<vmem>>
    %dma_start3A_49 = arith.constant 0 : i32
    %dma_start3A_50 = arith.constant 0 : i32
    %dma_start3A_51 = tpu.memref_slice %arg2[%dma_start3A_49, %dma_start3A_50] : memref<10000x128xbf16, #tpu.memory_space<hbm>> -> memref<10000x128xbf16, #tpu.memory_space<hbm>>
    tpu.enqueue_indirect_dma source(%dma_start3A_51 : memref<10000x128xbf16, #tpu.memory_space<hbm>>) target(%arg11 : memref<80x128xbf16, #tpu.memory_space<vmem>>) offsets(%dma_start3A_48 : memref<80xi32, #tpu.memory_space<vmem>>) semaphore(%arg20 : memref<!tpu.dma_semaphore, #tpu.memory_space<semaphore_mem>>)
    %dma_start3A_52 = arith.constant 3 : i32
    %dma_start3A_53 = arith.constant 0 : i32
    %dma_start3A_54 = tpu.memref_slice %arg7[%dma_start3A_52, %dma_start3A_53] : memref<125x80xi32, #tpu.memory_space<vmem>> -> memref<1x80xi32, #tpu.memory_space<vmem>>
    %dma_start3A_55 = tpu.memref_squeeze %dma_start3A_54 : memref<1x80xi32, #tpu.memory_space<vmem>> -> memref<80xi32, #tpu.memory_space<vmem>>
    %dma_start3A_56 = arith.constant 0 : i32
    %dma_start3A_57 = arith.constant 0 : i32
    %dma_start3A_58 = tpu.memref_slice %arg2[%dma_start3A_56, %dma_start3A_57] : memref<10000x128xbf16, #tpu.memory_space<hbm>> -> memref<10000x128xbf16, #tpu.memory_space<hbm>>
    tpu.enqueue_indirect_dma source(%dma_start3A_58 : memref<10000x128xbf16, #tpu.memory_space<hbm>>) target(%arg12 : memref<80x128xbf16, #tpu.memory_space<vmem>>) offsets(%dma_start3A_55 : memref<80xi32, #tpu.memory_space<vmem>>) semaphore(%arg21 : memref<!tpu.dma_semaphore, #tpu.memory_space<semaphore_mem>>)
    %dma_start3A_59 = arith.constant 4 : i32
    %dma_start3A_60 = arith.constant 0 : i32
    %dma_start3A_61 = tpu.memref_slice %arg7[%dma_start3A_59, %dma_start3A_60] : memref<125x80xi32, #tpu.memory_space<vmem>> -> memref<1x80xi32, #tpu.memory_space<vmem>>
    %dma_start3A_62 = tpu.memref_squeeze %dma_start3A_61 : memref<1x80xi32, #tpu.memory_space<vmem>> -> memref<80xi32, #tpu.memory_space<vmem>>
    %dma_start3A_63 = arith.constant 0 : i32
    %dma_start3A_64 = arith.constant 0 : i32
    %dma_start3A_65 = tpu.memref_slice %arg2[%dma_start3A_63, %dma_start3A_64] : memref<10000x128xbf16, #tpu.memory_space<hbm>> -> memref<10000x128xbf16, #tpu.memory_space<hbm>>
    tpu.enqueue_indirect_dma source(%dma_start3A_65 : memref<10000x128xbf16, #tpu.memory_space<hbm>>) target(%arg13 : memref<80x128xbf16, #tpu.memory_space<vmem>>) offsets(%dma_start3A_62 : memref<80xi32, #tpu.memory_space<vmem>>) semaphore(%arg22 : memref<!tpu.dma_semaphore, #tpu.memory_space<semaphore_mem>>)
    %dma_start3A_66 = arith.constant 5 : i32
    %dma_start3A_67 = arith.constant 0 : i32
    %dma_start3A_68 = tpu.memref_slice %arg7[%dma_start3A_66, %dma_start3A_67] : memref<125x80xi32, #tpu.memory_space<vmem>> -> memref<1x80xi32, #tpu.memory_space<vmem>>
    %dma_start3A_69 = tpu.memref_squeeze %dma_start3A_68 : memref<1x80xi32, #tpu.memory_space<vmem>> -> memref<80xi32, #tpu.memory_space<vmem>>
    %dma_start3A_70 = arith.constant 0 : i32
    %dma_start3A_71 = arith.constant 0 : i32
    %dma_start3A_72 = tpu.memref_slice %arg2[%dma_start3A_70, %dma_start3A_71] : memref<10000x128xbf16, #tpu.memory_space<hbm>> -> memref<10000x128xbf16, #tpu.memory_space<hbm>>
    tpu.enqueue_indirect_dma source(%dma_start3A_72 : memref<10000x128xbf16, #tpu.memory_space<hbm>>) target(%arg14 : memref<80x128xbf16, #tpu.memory_space<vmem>>) offsets(%dma_start3A_69 : memref<80xi32, #tpu.memory_space<vmem>>) semaphore(%arg23 : memref<!tpu.dma_semaphore, #tpu.memory_space<semaphore_mem>>)
    %dma_start3A_73 = arith.constant 6 : i32
    %dma_start3A_74 = arith.constant 0 : i32
    %dma_start3A_75 = tpu.memref_slice %arg7[%dma_start3A_73, %dma_start3A_74] : memref<125x80xi32, #tpu.memory_space<vmem>> -> memref<1x80xi32, #tpu.memory_space<vmem>>
    %dma_start3A_76 = tpu.memref_squeeze %dma_start3A_75 : memref<1x80xi32, #tpu.memory_space<vmem>> -> memref<80xi32, #tpu.memory_space<vmem>>
    %dma_start3A_77 = arith.constant 0 : i32
    %dma_start3A_78 = arith.constant 0 : i32
    %dma_start3A_79 = tpu.memref_slice %arg2[%dma_start3A_77, %dma_start3A_78] : memref<10000x128xbf16, #tpu.memory_space<hbm>> -> memref<10000x128xbf16, #tpu.memory_space<hbm>>
    tpu.enqueue_indirect_dma source(%dma_start3A_79 : memref<10000x128xbf16, #tpu.memory_space<hbm>>) target(%arg15 : memref<80x128xbf16, #tpu.memory_space<vmem>>) offsets(%dma_start3A_76 : memref<80xi32, #tpu.memory_space<vmem>>) semaphore(%arg24 : memref<!tpu.dma_semaphore, #tpu.memory_space<semaphore_mem>>)
    %scan3A = arith.constant 0 : i32
    %scan3A_80 = arith.constant 0 : i32
    %scan3A_81 = arith.constant 16 : i32
    %scan3A_82 = arith.addi %scan3A_80, %scan3A_81 : i32
    %scan3A_83 = arith.constant 1 : i32
    scf.for %scan3A_90 = %scan3A_80 to %scan3A_82 step %scan3A_83  : i32 {
      %mul3A_91 = arith.constant 8 : i32
      %mul3A_92 = arith.muli %scan3A_90, %mul3A_91 : i32
      %add3A_93 = arith.constant 0 : i32
      %add3A_94 = arith.addi %mul3A_92, %add3A_93 : i32
      %lt3A = arith.constant 125 : i32
      %lt3A_95 = arith.cmpi slt, %add3A_94, %lt3A : i32
      %convert_element_type3A = arith.extui %lt3A_95 : i1 to i32
      %cond3A = arith.constant 0 : i32
      %cond3A_96 = arith.cmpi ne, %convert_element_type3A, %cond3A : i32
      scf.if %cond3A_96 {
        %dma_wait3A_277 = arith.constant 0 : i32
        %dma_wait3A_278 = tpu.memref_slice %arg7[%add3A_94, %dma_wait3A_277] : memref<125x80xi32, #tpu.memory_space<vmem>> -> memref<1x80xi32, #tpu.memory_space<vmem>>
        %dma_wait3A_279 = tpu.memref_squeeze %dma_wait3A_278 : memref<1x80xi32, #tpu.memory_space<vmem>> -> memref<80xi32, #tpu.memory_space<vmem>>
        %dma_wait3A_280 = arith.constant 0 : i32
        %dma_wait3A_281 = arith.constant 0 : i32
        %dma_wait3A_282 = tpu.memref_slice %arg2[%dma_wait3A_280, %dma_wait3A_281] : memref<10000x128xbf16, #tpu.memory_space<hbm>> -> memref<10000x128xbf16, #tpu.memory_space<hbm>>
        tpu.wait_indirect_dma semaphore(%arg18 : memref<!tpu.dma_semaphore, #tpu.memory_space<semaphore_mem>>) src(%dma_wait3A_282 : memref<10000x128xbf16, #tpu.memory_space<hbm>>) dst(%arg9 : memref<80x128xbf16, #tpu.memory_space<vmem>>)
        %dma_start3A_283 = arith.constant 0 : i32
        %dma_start3A_284 = tpu.memref_slice %arg8[%add3A_94, %dma_start3A_283] : memref<125x80xi32, #tpu.memory_space<vmem>> -> memref<1x80xi32, #tpu.memory_space<vmem>>
        %dma_start3A_285 = tpu.memref_squeeze %dma_start3A_284 : memref<1x80xi32, #tpu.memory_space<vmem>> -> memref<80xi32, #tpu.memory_space<vmem>>
        %dma_start3A_286 = arith.constant 0 : i32
        %dma_start3A_287 = arith.constant 0 : i32
        %dma_start3A_288 = tpu.memref_slice %arg17[%dma_start3A_286, %dma_start3A_287] : memref<10016x128xbf16, #tpu.memory_space<vmem_shared>> -> memref<10016x128xbf16, #tpu.memory_space<vmem_shared>>
        tpu.enqueue_indirect_dma source(%arg9 : memref<80x128xbf16, #tpu.memory_space<vmem>>) target(%dma_start3A_288 : memref<10016x128xbf16, #tpu.memory_space<vmem_shared>>) offsets(%dma_start3A_285 : memref<80xi32, #tpu.memory_space<vmem>>) semaphore(%arg26 : memref<!tpu.dma_semaphore, #tpu.memory_space<semaphore_mem>>) {add = true}
      } else {
      }
      %ge3A = arith.constant 1 : i32
      %ge3A_97 = arith.cmpi sge, %add3A_94, %ge3A : i32
      %le3A = arith.constant 125 : i32
      %le3A_98 = arith.cmpi sle, %add3A_94, %le3A : i32
      %and3A = arith.andi %ge3A_97, %le3A_98 : i1
      %convert_element_type3A_99 = arith.extui %and3A : i1 to i32
      %cond3A_100 = arith.constant 0 : i32
      %cond3A_101 = arith.cmpi ne, %convert_element_type3A_99, %cond3A_100 : i32
      scf.if %cond3A_101 {
        %sub3A = arith.constant 1 : i32
        %sub3A_277 = arith.subi %add3A_94, %sub3A : i32
        %dma_wait3A_278 = arith.constant 0 : i32
        %dma_wait3A_279 = tpu.memref_slice %arg8[%sub3A_277, %dma_wait3A_278] : memref<125x80xi32, #tpu.memory_space<vmem>> -> memref<1x80xi32, #tpu.memory_space<vmem>>
        %dma_wait3A_280 = tpu.memref_squeeze %dma_wait3A_279 : memref<1x80xi32, #tpu.memory_space<vmem>> -> memref<80xi32, #tpu.memory_space<vmem>>
        %dma_wait3A_281 = arith.constant 0 : i32
        %dma_wait3A_282 = arith.constant 0 : i32
        %dma_wait3A_283 = tpu.memref_slice %arg17[%dma_wait3A_281, %dma_wait3A_282] : memref<10016x128xbf16, #tpu.memory_space<vmem_shared>> -> memref<10016x128xbf16, #tpu.memory_space<vmem_shared>>
        tpu.wait_indirect_dma semaphore(%arg33 : memref<!tpu.dma_semaphore, #tpu.memory_space<semaphore_mem>>) src(%arg16 : memref<80x128xbf16, #tpu.memory_space<vmem>>) dst(%dma_wait3A_283 : memref<10016x128xbf16, #tpu.memory_space<vmem_shared>>)
      } else {
      }
      %add3A_102 = arith.constant 7 : i32
      %add3A_103 = arith.addi %add3A_94, %add3A_102 : i32
      %lt3A_104 = arith.constant 125 : i32
      %lt3A_105 = arith.cmpi slt, %add3A_103, %lt3A_104 : i32
      %convert_element_type3A_106 = arith.extui %lt3A_105 : i1 to i32
      %cond3A_107 = arith.constant 0 : i32
      %cond3A_108 = arith.cmpi ne, %convert_element_type3A_106, %cond3A_107 : i32
      scf.if %cond3A_108 {
        %add3A_277 = arith.constant 7 : i32
        %add3A_278 = arith.addi %add3A_94, %add3A_277 : i32
        %dma_start3A_279 = arith.constant 0 : i32
        %dma_start3A_280 = tpu.memref_slice %arg7[%add3A_278, %dma_start3A_279] : memref<125x80xi32, #tpu.memory_space<vmem>> -> memref<1x80xi32, #tpu.memory_space<vmem>>
        %dma_start3A_281 = tpu.memref_squeeze %dma_start3A_280 : memref<1x80xi32, #tpu.memory_space<vmem>> -> memref<80xi32, #tpu.memory_space<vmem>>
        %dma_start3A_282 = arith.constant 0 : i32
        %dma_start3A_283 = arith.constant 0 : i32
        %dma_start3A_284 = tpu.memref_slice %arg2[%dma_start3A_282, %dma_start3A_283] : memref<10000x128xbf16, #tpu.memory_space<hbm>> -> memref<10000x128xbf16, #tpu.memory_space<hbm>>
        tpu.enqueue_indirect_dma source(%dma_start3A_284 : memref<10000x128xbf16, #tpu.memory_space<hbm>>) target(%arg16 : memref<80x128xbf16, #tpu.memory_space<vmem>>) offsets(%dma_start3A_281 : memref<80xi32, #tpu.memory_space<vmem>>) semaphore(%arg25 : memref<!tpu.dma_semaphore, #tpu.memory_space<semaphore_mem>>)
      } else {
      }
      %mul3A_109 = arith.constant 8 : i32
      %mul3A_110 = arith.muli %scan3A_90, %mul3A_109 : i32
      %add3A_111 = arith.constant 1 : i32
      %add3A_112 = arith.addi %mul3A_110, %add3A_111 : i32
      %lt3A_113 = arith.constant 125 : i32
      %lt3A_114 = arith.cmpi slt, %add3A_112, %lt3A_113 : i32
      %convert_element_type3A_115 = arith.extui %lt3A_114 : i1 to i32
      %cond3A_116 = arith.constant 0 : i32
      %cond3A_117 = arith.cmpi ne, %convert_element_type3A_115, %cond3A_116 : i32
      scf.if %cond3A_117 {
        %dma_wait3A_277 = arith.constant 0 : i32
        %dma_wait3A_278 = tpu.memref_slice %arg7[%add3A_112, %dma_wait3A_277] : memref<125x80xi32, #tpu.memory_space<vmem>> -> memref<1x80xi32, #tpu.memory_space<vmem>>
        %dma_wait3A_279 = tpu.memref_squeeze %dma_wait3A_278 : memref<1x80xi32, #tpu.memory_space<vmem>> -> memref<80xi32, #tpu.memory_space<vmem>>
        %dma_wait3A_280 = arith.constant 0 : i32
        %dma_wait3A_281 = arith.constant 0 : i32
        %dma_wait3A_282 = tpu.memref_slice %arg2[%dma_wait3A_280, %dma_wait3A_281] : memref<10000x128xbf16, #tpu.memory_space<hbm>> -> memref<10000x128xbf16, #tpu.memory_space<hbm>>
        tpu.wait_indirect_dma semaphore(%arg19 : memref<!tpu.dma_semaphore, #tpu.memory_space<semaphore_mem>>) src(%dma_wait3A_282 : memref<10000x128xbf16, #tpu.memory_space<hbm>>) dst(%arg10 : memref<80x128xbf16, #tpu.memory_space<vmem>>)
        %dma_start3A_283 = arith.constant 0 : i32
        %dma_start3A_284 = tpu.memref_slice %arg8[%add3A_112, %dma_start3A_283] : memref<125x80xi32, #tpu.memory_space<vmem>> -> memref<1x80xi32, #tpu.memory_space<vmem>>
        %dma_start3A_285 = tpu.memref_squeeze %dma_start3A_284 : memref<1x80xi32, #tpu.memory_space<vmem>> -> memref<80xi32, #tpu.memory_space<vmem>>
        %dma_start3A_286 = arith.constant 0 : i32
        %dma_start3A_287 = arith.constant 0 : i32
        %dma_start3A_288 = tpu.memref_slice %arg17[%dma_start3A_286, %dma_start3A_287] : memref<10016x128xbf16, #tpu.memory_space<vmem_shared>> -> memref<10016x128xbf16, #tpu.memory_space<vmem_shared>>
        tpu.enqueue_indirect_dma source(%arg10 : memref<80x128xbf16, #tpu.memory_space<vmem>>) target(%dma_start3A_288 : memref<10016x128xbf16, #tpu.memory_space<vmem_shared>>) offsets(%dma_start3A_285 : memref<80xi32, #tpu.memory_space<vmem>>) semaphore(%arg27 : memref<!tpu.dma_semaphore, #tpu.memory_space<semaphore_mem>>) {add = true}
      } else {
      }
      %ge3A_118 = arith.constant 1 : i32
      %ge3A_119 = arith.cmpi sge, %add3A_112, %ge3A_118 : i32
      %le3A_120 = arith.constant 125 : i32
      %le3A_121 = arith.cmpi sle, %add3A_112, %le3A_120 : i32
      %and3A_122 = arith.andi %ge3A_119, %le3A_121 : i1
      %convert_element_type3A_123 = arith.extui %and3A_122 : i1 to i32
      %cond3A_124 = arith.constant 0 : i32
      %cond3A_125 = arith.cmpi ne, %convert_element_type3A_123, %cond3A_124 : i32
      scf.if %cond3A_125 {
        %sub3A = arith.constant 1 : i32
        %sub3A_277 = arith.subi %add3A_112, %sub3A : i32
        %dma_wait3A_278 = arith.constant 0 : i32
        %dma_wait3A_279 = tpu.memref_slice %arg8[%sub3A_277, %dma_wait3A_278] : memref<125x80xi32, #tpu.memory_space<vmem>> -> memref<1x80xi32, #tpu.memory_space<vmem>>
        %dma_wait3A_280 = tpu.memref_squeeze %dma_wait3A_279 : memref<1x80xi32, #tpu.memory_space<vmem>> -> memref<80xi32, #tpu.memory_space<vmem>>
        %dma_wait3A_281 = arith.constant 0 : i32
        %dma_wait3A_282 = arith.constant 0 : i32
        %dma_wait3A_283 = tpu.memref_slice %arg17[%dma_wait3A_281, %dma_wait3A_282] : memref<10016x128xbf16, #tpu.memory_space<vmem_shared>> -> memref<10016x128xbf16, #tpu.memory_space<vmem_shared>>
        tpu.wait_indirect_dma semaphore(%arg26 : memref<!tpu.dma_semaphore, #tpu.memory_space<semaphore_mem>>) src(%arg9 : memref<80x128xbf16, #tpu.memory_space<vmem>>) dst(%dma_wait3A_283 : memref<10016x128xbf16, #tpu.memory_space<vmem_shared>>)
      } else {
      }
      %add3A_126 = arith.constant 7 : i32
      %add3A_127 = arith.addi %add3A_112, %add3A_126 : i32
      %lt3A_128 = arith.constant 125 : i32
      %lt3A_129 = arith.cmpi slt, %add3A_127, %lt3A_128 : i32
      %convert_element_type3A_130 = arith.extui %lt3A_129 : i1 to i32
      %cond3A_131 = arith.constant 0 : i32
      %cond3A_132 = arith.cmpi ne, %convert_element_type3A_130, %cond3A_131 : i32
      scf.if %cond3A_132 {
        %add3A_277 = arith.constant 7 : i32
        %add3A_278 = arith.addi %add3A_112, %add3A_277 : i32
        %dma_start3A_279 = arith.constant 0 : i32
        %dma_start3A_280 = tpu.memref_slice %arg7[%add3A_278, %dma_start3A_279] : memref<125x80xi32, #tpu.memory_space<vmem>> -> memref<1x80xi32, #tpu.memory_space<vmem>>
        %dma_start3A_281 = tpu.memref_squeeze %dma_start3A_280 : memref<1x80xi32, #tpu.memory_space<vmem>> -> memref<80xi32, #tpu.memory_space<vmem>>
        %dma_start3A_282 = arith.constant 0 : i32
        %dma_start3A_283 = arith.constant 0 : i32
        %dma_start3A_284 = tpu.memref_slice %arg2[%dma_start3A_282, %dma_start3A_283] : memref<10000x128xbf16, #tpu.memory_space<hbm>> -> memref<10000x128xbf16, #tpu.memory_space<hbm>>
        tpu.enqueue_indirect_dma source(%dma_start3A_284 : memref<10000x128xbf16, #tpu.memory_space<hbm>>) target(%arg9 : memref<80x128xbf16, #tpu.memory_space<vmem>>) offsets(%dma_start3A_281 : memref<80xi32, #tpu.memory_space<vmem>>) semaphore(%arg18 : memref<!tpu.dma_semaphore, #tpu.memory_space<semaphore_mem>>)
      } else {
      }
      %mul3A_133 = arith.constant 8 : i32
      %mul3A_134 = arith.muli %scan3A_90, %mul3A_133 : i32
      %add3A_135 = arith.constant 2 : i32
      %add3A_136 = arith.addi %mul3A_134, %add3A_135 : i32
      %lt3A_137 = arith.constant 125 : i32
      %lt3A_138 = arith.cmpi slt, %add3A_136, %lt3A_137 : i32
      %convert_element_type3A_139 = arith.extui %lt3A_138 : i1 to i32
      %cond3A_140 = arith.constant 0 : i32
      %cond3A_141 = arith.cmpi ne, %convert_element_type3A_139, %cond3A_140 : i32
      scf.if %cond3A_141 {
        %dma_wait3A_277 = arith.constant 0 : i32
        %dma_wait3A_278 = tpu.memref_slice %arg7[%add3A_136, %dma_wait3A_277] : memref<125x80xi32, #tpu.memory_space<vmem>> -> memref<1x80xi32, #tpu.memory_space<vmem>>
        %dma_wait3A_279 = tpu.memref_squeeze %dma_wait3A_278 : memref<1x80xi32, #tpu.memory_space<vmem>> -> memref<80xi32, #tpu.memory_space<vmem>>
        %dma_wait3A_280 = arith.constant 0 : i32
        %dma_wait3A_281 = arith.constant 0 : i32
        %dma_wait3A_282 = tpu.memref_slice %arg2[%dma_wait3A_280, %dma_wait3A_281] : memref<10000x128xbf16, #tpu.memory_space<hbm>> -> memref<10000x128xbf16, #tpu.memory_space<hbm>>
        tpu.wait_indirect_dma semaphore(%arg20 : memref<!tpu.dma_semaphore, #tpu.memory_space<semaphore_mem>>) src(%dma_wait3A_282 : memref<10000x128xbf16, #tpu.memory_space<hbm>>) dst(%arg11 : memref<80x128xbf16, #tpu.memory_space<vmem>>)
        %dma_start3A_283 = arith.constant 0 : i32
        %dma_start3A_284 = tpu.memref_slice %arg8[%add3A_136, %dma_start3A_283] : memref<125x80xi32, #tpu.memory_space<vmem>> -> memref<1x80xi32, #tpu.memory_space<vmem>>
        %dma_start3A_285 = tpu.memref_squeeze %dma_start3A_284 : memref<1x80xi32, #tpu.memory_space<vmem>> -> memref<80xi32, #tpu.memory_space<vmem>>
        %dma_start3A_286 = arith.constant 0 : i32
        %dma_start3A_287 = arith.constant 0 : i32
        %dma_start3A_288 = tpu.memref_slice %arg17[%dma_start3A_286, %dma_start3A_287] : memref<10016x128xbf16, #tpu.memory_space<vmem_shared>> -> memref<10016x128xbf16, #tpu.memory_space<vmem_shared>>
        tpu.enqueue_indirect_dma source(%arg11 : memref<80x128xbf16, #tpu.memory_space<vmem>>) target(%dma_start3A_288 : memref<10016x128xbf16, #tpu.memory_space<vmem_shared>>) offsets(%dma_start3A_285 : memref<80xi32, #tpu.memory_space<vmem>>) semaphore(%arg28 : memref<!tpu.dma_semaphore, #tpu.memory_space<semaphore_mem>>) {add = true}
      } else {
      }
      %ge3A_142 = arith.constant 1 : i32
      %ge3A_143 = arith.cmpi sge, %add3A_136, %ge3A_142 : i32
      %le3A_144 = arith.constant 125 : i32
      %le3A_145 = arith.cmpi sle, %add3A_136, %le3A_144 : i32
      %and3A_146 = arith.andi %ge3A_143, %le3A_145 : i1
      %convert_element_type3A_147 = arith.extui %and3A_146 : i1 to i32
      %cond3A_148 = arith.constant 0 : i32
      %cond3A_149 = arith.cmpi ne, %convert_element_type3A_147, %cond3A_148 : i32
      scf.if %cond3A_149 {
        %sub3A = arith.constant 1 : i32
        %sub3A_277 = arith.subi %add3A_136, %sub3A : i32
        %dma_wait3A_278 = arith.constant 0 : i32
        %dma_wait3A_279 = tpu.memref_slice %arg8[%sub3A_277, %dma_wait3A_278] : memref<125x80xi32, #tpu.memory_space<vmem>> -> memref<1x80xi32, #tpu.memory_space<vmem>>
        %dma_wait3A_280 = tpu.memref_squeeze %dma_wait3A_279 : memref<1x80xi32, #tpu.memory_space<vmem>> -> memref<80xi32, #tpu.memory_space<vmem>>
        %dma_wait3A_281 = arith.constant 0 : i32
        %dma_wait3A_282 = arith.constant 0 : i32
        %dma_wait3A_283 = tpu.memref_slice %arg17[%dma_wait3A_281, %dma_wait3A_282] : memref<10016x128xbf16, #tpu.memory_space<vmem_shared>> -> memref<10016x128xbf16, #tpu.memory_space<vmem_shared>>
        tpu.wait_indirect_dma semaphore(%arg27 : memref<!tpu.dma_semaphore, #tpu.memory_space<semaphore_mem>>) src(%arg10 : memref<80x128xbf16, #tpu.memory_space<vmem>>) dst(%dma_wait3A_283 : memref<10016x128xbf16, #tpu.memory_space<vmem_shared>>)
      } else {
      }
      %add3A_150 = arith.constant 7 : i32
      %add3A_151 = arith.addi %add3A_136, %add3A_150 : i32
      %lt3A_152 = arith.constant 125 : i32
      %lt3A_153 = arith.cmpi slt, %add3A_151, %lt3A_152 : i32
      %convert_element_type3A_154 = arith.extui %lt3A_153 : i1 to i32
      %cond3A_155 = arith.constant 0 : i32
      %cond3A_156 = arith.cmpi ne, %convert_element_type3A_154, %cond3A_155 : i32
      scf.if %cond3A_156 {
        %add3A_277 = arith.constant 7 : i32
        %add3A_278 = arith.addi %add3A_136, %add3A_277 : i32
        %dma_start3A_279 = arith.constant 0 : i32
        %dma_start3A_280 = tpu.memref_slice %arg7[%add3A_278, %dma_start3A_279] : memref<125x80xi32, #tpu.memory_space<vmem>> -> memref<1x80xi32, #tpu.memory_space<vmem>>
        %dma_start3A_281 = tpu.memref_squeeze %dma_start3A_280 : memref<1x80xi32, #tpu.memory_space<vmem>> -> memref<80xi32, #tpu.memory_space<vmem>>
        %dma_start3A_282 = arith.constant 0 : i32
        %dma_start3A_283 = arith.constant 0 : i32
        %dma_start3A_284 = tpu.memref_slice %arg2[%dma_start3A_282, %dma_start3A_283] : memref<10000x128xbf16, #tpu.memory_space<hbm>> -> memref<10000x128xbf16, #tpu.memory_space<hbm>>
        tpu.enqueue_indirect_dma source(%dma_start3A_284 : memref<10000x128xbf16, #tpu.memory_space<hbm>>) target(%arg10 : memref<80x128xbf16, #tpu.memory_space<vmem>>) offsets(%dma_start3A_281 : memref<80xi32, #tpu.memory_space<vmem>>) semaphore(%arg19 : memref<!tpu.dma_semaphore, #tpu.memory_space<semaphore_mem>>)
      } else {
      }
      %mul3A_157 = arith.constant 8 : i32
      %mul3A_158 = arith.muli %scan3A_90, %mul3A_157 : i32
      %add3A_159 = arith.constant 3 : i32
      %add3A_160 = arith.addi %mul3A_158, %add3A_159 : i32
      %lt3A_161 = arith.constant 125 : i32
      %lt3A_162 = arith.cmpi slt, %add3A_160, %lt3A_161 : i32
      %convert_element_type3A_163 = arith.extui %lt3A_162 : i1 to i32
      %cond3A_164 = arith.constant 0 : i32
      %cond3A_165 = arith.cmpi ne, %convert_element_type3A_163, %cond3A_164 : i32
      scf.if %cond3A_165 {
        %dma_wait3A_277 = arith.constant 0 : i32
        %dma_wait3A_278 = tpu.memref_slice %arg7[%add3A_160, %dma_wait3A_277] : memref<125x80xi32, #tpu.memory_space<vmem>> -> memref<1x80xi32, #tpu.memory_space<vmem>>
        %dma_wait3A_279 = tpu.memref_squeeze %dma_wait3A_278 : memref<1x80xi32, #tpu.memory_space<vmem>> -> memref<80xi32, #tpu.memory_space<vmem>>
        %dma_wait3A_280 = arith.constant 0 : i32
        %dma_wait3A_281 = arith.constant 0 : i32
        %dma_wait3A_282 = tpu.memref_slice %arg2[%dma_wait3A_280, %dma_wait3A_281] : memref<10000x128xbf16, #tpu.memory_space<hbm>> -> memref<10000x128xbf16, #tpu.memory_space<hbm>>
        tpu.wait_indirect_dma semaphore(%arg21 : memref<!tpu.dma_semaphore, #tpu.memory_space<semaphore_mem>>) src(%dma_wait3A_282 : memref<10000x128xbf16, #tpu.memory_space<hbm>>) dst(%arg12 : memref<80x128xbf16, #tpu.memory_space<vmem>>)
        %dma_start3A_283 = arith.constant 0 : i32
        %dma_start3A_284 = tpu.memref_slice %arg8[%add3A_160, %dma_start3A_283] : memref<125x80xi32, #tpu.memory_space<vmem>> -> memref<1x80xi32, #tpu.memory_space<vmem>>
        %dma_start3A_285 = tpu.memref_squeeze %dma_start3A_284 : memref<1x80xi32, #tpu.memory_space<vmem>> -> memref<80xi32, #tpu.memory_space<vmem>>
        %dma_start3A_286 = arith.constant 0 : i32
        %dma_start3A_287 = arith.constant 0 : i32
        %dma_start3A_288 = tpu.memref_slice %arg17[%dma_start3A_286, %dma_start3A_287] : memref<10016x128xbf16, #tpu.memory_space<vmem_shared>> -> memref<10016x128xbf16, #tpu.memory_space<vmem_shared>>
        tpu.enqueue_indirect_dma source(%arg12 : memref<80x128xbf16, #tpu.memory_space<vmem>>) target(%dma_start3A_288 : memref<10016x128xbf16, #tpu.memory_space<vmem_shared>>) offsets(%dma_start3A_285 : memref<80xi32, #tpu.memory_space<vmem>>) semaphore(%arg29 : memref<!tpu.dma_semaphore, #tpu.memory_space<semaphore_mem>>) {add = true}
      } else {
      }
      %ge3A_166 = arith.constant 1 : i32
      %ge3A_167 = arith.cmpi sge, %add3A_160, %ge3A_166 : i32
      %le3A_168 = arith.constant 125 : i32
      %le3A_169 = arith.cmpi sle, %add3A_160, %le3A_168 : i32
      %and3A_170 = arith.andi %ge3A_167, %le3A_169 : i1
      %convert_element_type3A_171 = arith.extui %and3A_170 : i1 to i32
      %cond3A_172 = arith.constant 0 : i32
      %cond3A_173 = arith.cmpi ne, %convert_element_type3A_171, %cond3A_172 : i32
      scf.if %cond3A_173 {
        %sub3A = arith.constant 1 : i32
        %sub3A_277 = arith.subi %add3A_160, %sub3A : i32
        %dma_wait3A_278 = arith.constant 0 : i32
        %dma_wait3A_279 = tpu.memref_slice %arg8[%sub3A_277, %dma_wait3A_278] : memref<125x80xi32, #tpu.memory_space<vmem>> -> memref<1x80xi32, #tpu.memory_space<vmem>>
        %dma_wait3A_280 = tpu.memref_squeeze %dma_wait3A_279 : memref<1x80xi32, #tpu.memory_space<vmem>> -> memref<80xi32, #tpu.memory_space<vmem>>
        %dma_wait3A_281 = arith.constant 0 : i32
        %dma_wait3A_282 = arith.constant 0 : i32
        %dma_wait3A_283 = tpu.memref_slice %arg17[%dma_wait3A_281, %dma_wait3A_282] : memref<10016x128xbf16, #tpu.memory_space<vmem_shared>> -> memref<10016x128xbf16, #tpu.memory_space<vmem_shared>>
        tpu.wait_indirect_dma semaphore(%arg28 : memref<!tpu.dma_semaphore, #tpu.memory_space<semaphore_mem>>) src(%arg11 : memref<80x128xbf16, #tpu.memory_space<vmem>>) dst(%dma_wait3A_283 : memref<10016x128xbf16, #tpu.memory_space<vmem_shared>>)
      } else {
      }
      %add3A_174 = arith.constant 7 : i32
      %add3A_175 = arith.addi %add3A_160, %add3A_174 : i32
      %lt3A_176 = arith.constant 125 : i32
      %lt3A_177 = arith.cmpi slt, %add3A_175, %lt3A_176 : i32
      %convert_element_type3A_178 = arith.extui %lt3A_177 : i1 to i32
      %cond3A_179 = arith.constant 0 : i32
      %cond3A_180 = arith.cmpi ne, %convert_element_type3A_178, %cond3A_179 : i32
      scf.if %cond3A_180 {
        %add3A_277 = arith.constant 7 : i32
        %add3A_278 = arith.addi %add3A_160, %add3A_277 : i32
        %dma_start3A_279 = arith.constant 0 : i32
        %dma_start3A_280 = tpu.memref_slice %arg7[%add3A_278, %dma_start3A_279] : memref<125x80xi32, #tpu.memory_space<vmem>> -> memref<1x80xi32, #tpu.memory_space<vmem>>
        %dma_start3A_281 = tpu.memref_squeeze %dma_start3A_280 : memref<1x80xi32, #tpu.memory_space<vmem>> -> memref<80xi32, #tpu.memory_space<vmem>>
        %dma_start3A_282 = arith.constant 0 : i32
        %dma_start3A_283 = arith.constant 0 : i32
        %dma_start3A_284 = tpu.memref_slice %arg2[%dma_start3A_282, %dma_start3A_283] : memref<10000x128xbf16, #tpu.memory_space<hbm>> -> memref<10000x128xbf16, #tpu.memory_space<hbm>>
        tpu.enqueue_indirect_dma source(%dma_start3A_284 : memref<10000x128xbf16, #tpu.memory_space<hbm>>) target(%arg11 : memref<80x128xbf16, #tpu.memory_space<vmem>>) offsets(%dma_start3A_281 : memref<80xi32, #tpu.memory_space<vmem>>) semaphore(%arg20 : memref<!tpu.dma_semaphore, #tpu.memory_space<semaphore_mem>>)
      } else {
      }
      %mul3A_181 = arith.constant 8 : i32
      %mul3A_182 = arith.muli %scan3A_90, %mul3A_181 : i32
      %add3A_183 = arith.constant 4 : i32
      %add3A_184 = arith.addi %mul3A_182, %add3A_183 : i32
      %lt3A_185 = arith.constant 125 : i32
      %lt3A_186 = arith.cmpi slt, %add3A_184, %lt3A_185 : i32
      %convert_element_type3A_187 = arith.extui %lt3A_186 : i1 to i32
      %cond3A_188 = arith.constant 0 : i32
      %cond3A_189 = arith.cmpi ne, %convert_element_type3A_187, %cond3A_188 : i32
      scf.if %cond3A_189 {
        %dma_wait3A_277 = arith.constant 0 : i32
        %dma_wait3A_278 = tpu.memref_slice %arg7[%add3A_184, %dma_wait3A_277] : memref<125x80xi32, #tpu.memory_space<vmem>> -> memref<1x80xi32, #tpu.memory_space<vmem>>
        %dma_wait3A_279 = tpu.memref_squeeze %dma_wait3A_278 : memref<1x80xi32, #tpu.memory_space<vmem>> -> memref<80xi32, #tpu.memory_space<vmem>>
        %dma_wait3A_280 = arith.constant 0 : i32
        %dma_wait3A_281 = arith.constant 0 : i32
        %dma_wait3A_282 = tpu.memref_slice %arg2[%dma_wait3A_280, %dma_wait3A_281] : memref<10000x128xbf16, #tpu.memory_space<hbm>> -> memref<10000x128xbf16, #tpu.memory_space<hbm>>
        tpu.wait_indirect_dma semaphore(%arg22 : memref<!tpu.dma_semaphore, #tpu.memory_space<semaphore_mem>>) src(%dma_wait3A_282 : memref<10000x128xbf16, #tpu.memory_space<hbm>>) dst(%arg13 : memref<80x128xbf16, #tpu.memory_space<vmem>>)
        %dma_start3A_283 = arith.constant 0 : i32
        %dma_start3A_284 = tpu.memref_slice %arg8[%add3A_184, %dma_start3A_283] : memref<125x80xi32, #tpu.memory_space<vmem>> -> memref<1x80xi32, #tpu.memory_space<vmem>>
        %dma_start3A_285 = tpu.memref_squeeze %dma_start3A_284 : memref<1x80xi32, #tpu.memory_space<vmem>> -> memref<80xi32, #tpu.memory_space<vmem>>
        %dma_start3A_286 = arith.constant 0 : i32
        %dma_start3A_287 = arith.constant 0 : i32
        %dma_start3A_288 = tpu.memref_slice %arg17[%dma_start3A_286, %dma_start3A_287] : memref<10016x128xbf16, #tpu.memory_space<vmem_shared>> -> memref<10016x128xbf16, #tpu.memory_space<vmem_shared>>
        tpu.enqueue_indirect_dma source(%arg13 : memref<80x128xbf16, #tpu.memory_space<vmem>>) target(%dma_start3A_288 : memref<10016x128xbf16, #tpu.memory_space<vmem_shared>>) offsets(%dma_start3A_285 : memref<80xi32, #tpu.memory_space<vmem>>) semaphore(%arg30 : memref<!tpu.dma_semaphore, #tpu.memory_space<semaphore_mem>>) {add = true}
      } else {
      }
      %ge3A_190 = arith.constant 1 : i32
      %ge3A_191 = arith.cmpi sge, %add3A_184, %ge3A_190 : i32
      %le3A_192 = arith.constant 125 : i32
      %le3A_193 = arith.cmpi sle, %add3A_184, %le3A_192 : i32
      %and3A_194 = arith.andi %ge3A_191, %le3A_193 : i1
      %convert_element_type3A_195 = arith.extui %and3A_194 : i1 to i32
      %cond3A_196 = arith.constant 0 : i32
      %cond3A_197 = arith.cmpi ne, %convert_element_type3A_195, %cond3A_196 : i32
      scf.if %cond3A_197 {
        %sub3A = arith.constant 1 : i32
        %sub3A_277 = arith.subi %add3A_184, %sub3A : i32
        %dma_wait3A_278 = arith.constant 0 : i32
        %dma_wait3A_279 = tpu.memref_slice %arg8[%sub3A_277, %dma_wait3A_278] : memref<125x80xi32, #tpu.memory_space<vmem>> -> memref<1x80xi32, #tpu.memory_space<vmem>>
        %dma_wait3A_280 = tpu.memref_squeeze %dma_wait3A_279 : memref<1x80xi32, #tpu.memory_space<vmem>> -> memref<80xi32, #tpu.memory_space<vmem>>
        %dma_wait3A_281 = arith.constant 0 : i32
        %dma_wait3A_282 = arith.constant 0 : i32
        %dma_wait3A_283 = tpu.memref_slice %arg17[%dma_wait3A_281, %dma_wait3A_282] : memref<10016x128xbf16, #tpu.memory_space<vmem_shared>> -> memref<10016x128xbf16, #tpu.memory_space<vmem_shared>>
        tpu.wait_indirect_dma semaphore(%arg29 : memref<!tpu.dma_semaphore, #tpu.memory_space<semaphore_mem>>) src(%arg12 : memref<80x128xbf16, #tpu.memory_space<vmem>>) dst(%dma_wait3A_283 : memref<10016x128xbf16, #tpu.memory_space<vmem_shared>>)
      } else {
      }
      %add3A_198 = arith.constant 7 : i32
      %add3A_199 = arith.addi %add3A_184, %add3A_198 : i32
      %lt3A_200 = arith.constant 125 : i32
      %lt3A_201 = arith.cmpi slt, %add3A_199, %lt3A_200 : i32
      %convert_element_type3A_202 = arith.extui %lt3A_201 : i1 to i32
      %cond3A_203 = arith.constant 0 : i32
      %cond3A_204 = arith.cmpi ne, %convert_element_type3A_202, %cond3A_203 : i32
      scf.if %cond3A_204 {
        %add3A_277 = arith.constant 7 : i32
        %add3A_278 = arith.addi %add3A_184, %add3A_277 : i32
        %dma_start3A_279 = arith.constant 0 : i32
        %dma_start3A_280 = tpu.memref_slice %arg7[%add3A_278, %dma_start3A_279] : memref<125x80xi32, #tpu.memory_space<vmem>> -> memref<1x80xi32, #tpu.memory_space<vmem>>
        %dma_start3A_281 = tpu.memref_squeeze %dma_start3A_280 : memref<1x80xi32, #tpu.memory_space<vmem>> -> memref<80xi32, #tpu.memory_space<vmem>>
        %dma_start3A_282 = arith.constant 0 : i32
        %dma_start3A_283 = arith.constant 0 : i32
        %dma_start3A_284 = tpu.memref_slice %arg2[%dma_start3A_282, %dma_start3A_283] : memref<10000x128xbf16, #tpu.memory_space<hbm>> -> memref<10000x128xbf16, #tpu.memory_space<hbm>>
        tpu.enqueue_indirect_dma source(%dma_start3A_284 : memref<10000x128xbf16, #tpu.memory_space<hbm>>) target(%arg12 : memref<80x128xbf16, #tpu.memory_space<vmem>>) offsets(%dma_start3A_281 : memref<80xi32, #tpu.memory_space<vmem>>) semaphore(%arg21 : memref<!tpu.dma_semaphore, #tpu.memory_space<semaphore_mem>>)
      } else {
      }
      %mul3A_205 = arith.constant 8 : i32
      %mul3A_206 = arith.muli %scan3A_90, %mul3A_205 : i32
      %add3A_207 = arith.constant 5 : i32
      %add3A_208 = arith.addi %mul3A_206, %add3A_207 : i32
      %lt3A_209 = arith.constant 125 : i32
      %lt3A_210 = arith.cmpi slt, %add3A_208, %lt3A_209 : i32
      %convert_element_type3A_211 = arith.extui %lt3A_210 : i1 to i32
      %cond3A_212 = arith.constant 0 : i32
      %cond3A_213 = arith.cmpi ne, %convert_element_type3A_211, %cond3A_212 : i32
      scf.if %cond3A_213 {
        %dma_wait3A_277 = arith.constant 0 : i32
        %dma_wait3A_278 = tpu.memref_slice %arg7[%add3A_208, %dma_wait3A_277] : memref<125x80xi32, #tpu.memory_space<vmem>> -> memref<1x80xi32, #tpu.memory_space<vmem>>
        %dma_wait3A_279 = tpu.memref_squeeze %dma_wait3A_278 : memref<1x80xi32, #tpu.memory_space<vmem>> -> memref<80xi32, #tpu.memory_space<vmem>>
        %dma_wait3A_280 = arith.constant 0 : i32
        %dma_wait3A_281 = arith.constant 0 : i32
        %dma_wait3A_282 = tpu.memref_slice %arg2[%dma_wait3A_280, %dma_wait3A_281] : memref<10000x128xbf16, #tpu.memory_space<hbm>> -> memref<10000x128xbf16, #tpu.memory_space<hbm>>
        tpu.wait_indirect_dma semaphore(%arg23 : memref<!tpu.dma_semaphore, #tpu.memory_space<semaphore_mem>>) src(%dma_wait3A_282 : memref<10000x128xbf16, #tpu.memory_space<hbm>>) dst(%arg14 : memref<80x128xbf16, #tpu.memory_space<vmem>>)
        %dma_start3A_283 = arith.constant 0 : i32
        %dma_start3A_284 = tpu.memref_slice %arg8[%add3A_208, %dma_start3A_283] : memref<125x80xi32, #tpu.memory_space<vmem>> -> memref<1x80xi32, #tpu.memory_space<vmem>>
        %dma_start3A_285 = tpu.memref_squeeze %dma_start3A_284 : memref<1x80xi32, #tpu.memory_space<vmem>> -> memref<80xi32, #tpu.memory_space<vmem>>
        %dma_start3A_286 = arith.constant 0 : i32
        %dma_start3A_287 = arith.constant 0 : i32
        %dma_start3A_288 = tpu.memref_slice %arg17[%dma_start3A_286, %dma_start3A_287] : memref<10016x128xbf16, #tpu.memory_space<vmem_shared>> -> memref<10016x128xbf16, #tpu.memory_space<vmem_shared>>
        tpu.enqueue_indirect_dma source(%arg14 : memref<80x128xbf16, #tpu.memory_space<vmem>>) target(%dma_start3A_288 : memref<10016x128xbf16, #tpu.memory_space<vmem_shared>>) offsets(%dma_start3A_285 : memref<80xi32, #tpu.memory_space<vmem>>) semaphore(%arg31 : memref<!tpu.dma_semaphore, #tpu.memory_space<semaphore_mem>>) {add = true}
      } else {
      }
      %ge3A_214 = arith.constant 1 : i32
      %ge3A_215 = arith.cmpi sge, %add3A_208, %ge3A_214 : i32
      %le3A_216 = arith.constant 125 : i32
      %le3A_217 = arith.cmpi sle, %add3A_208, %le3A_216 : i32
      %and3A_218 = arith.andi %ge3A_215, %le3A_217 : i1
      %convert_element_type3A_219 = arith.extui %and3A_218 : i1 to i32
      %cond3A_220 = arith.constant 0 : i32
      %cond3A_221 = arith.cmpi ne, %convert_element_type3A_219, %cond3A_220 : i32
      scf.if %cond3A_221 {
        %sub3A = arith.constant 1 : i32
        %sub3A_277 = arith.subi %add3A_208, %sub3A : i32
        %dma_wait3A_278 = arith.constant 0 : i32
        %dma_wait3A_279 = tpu.memref_slice %arg8[%sub3A_277, %dma_wait3A_278] : memref<125x80xi32, #tpu.memory_space<vmem>> -> memref<1x80xi32, #tpu.memory_space<vmem>>
        %dma_wait3A_280 = tpu.memref_squeeze %dma_wait3A_279 : memref<1x80xi32, #tpu.memory_space<vmem>> -> memref<80xi32, #tpu.memory_space<vmem>>
        %dma_wait3A_281 = arith.constant 0 : i32
        %dma_wait3A_282 = arith.constant 0 : i32
        %dma_wait3A_283 = tpu.memref_slice %arg17[%dma_wait3A_281, %dma_wait3A_282] : memref<10016x128xbf16, #tpu.memory_space<vmem_shared>> -> memref<10016x128xbf16, #tpu.memory_space<vmem_shared>>
        tpu.wait_indirect_dma semaphore(%arg30 : memref<!tpu.dma_semaphore, #tpu.memory_space<semaphore_mem>>) src(%arg13 : memref<80x128xbf16, #tpu.memory_space<vmem>>) dst(%dma_wait3A_283 : memref<10016x128xbf16, #tpu.memory_space<vmem_shared>>)
      } else {
      }
      %add3A_222 = arith.constant 7 : i32
      %add3A_223 = arith.addi %add3A_208, %add3A_222 : i32
      %lt3A_224 = arith.constant 125 : i32
      %lt3A_225 = arith.cmpi slt, %add3A_223, %lt3A_224 : i32
      %convert_element_type3A_226 = arith.extui %lt3A_225 : i1 to i32
      %cond3A_227 = arith.constant 0 : i32
      %cond3A_228 = arith.cmpi ne, %convert_element_type3A_226, %cond3A_227 : i32
      scf.if %cond3A_228 {
        %add3A_277 = arith.constant 7 : i32
        %add3A_278 = arith.addi %add3A_208, %add3A_277 : i32
        %dma_start3A_279 = arith.constant 0 : i32
        %dma_start3A_280 = tpu.memref_slice %arg7[%add3A_278, %dma_start3A_279] : memref<125x80xi32, #tpu.memory_space<vmem>> -> memref<1x80xi32, #tpu.memory_space<vmem>>
        %dma_start3A_281 = tpu.memref_squeeze %dma_start3A_280 : memref<1x80xi32, #tpu.memory_space<vmem>> -> memref<80xi32, #tpu.memory_space<vmem>>
        %dma_start3A_282 = arith.constant 0 : i32
        %dma_start3A_283 = arith.constant 0 : i32
        %dma_start3A_284 = tpu.memref_slice %arg2[%dma_start3A_282, %dma_start3A_283] : memref<10000x128xbf16, #tpu.memory_space<hbm>> -> memref<10000x128xbf16, #tpu.memory_space<hbm>>
        tpu.enqueue_indirect_dma source(%dma_start3A_284 : memref<10000x128xbf16, #tpu.memory_space<hbm>>) target(%arg13 : memref<80x128xbf16, #tpu.memory_space<vmem>>) offsets(%dma_start3A_281 : memref<80xi32, #tpu.memory_space<vmem>>) semaphore(%arg22 : memref<!tpu.dma_semaphore, #tpu.memory_space<semaphore_mem>>)
      } else {
      }
      %mul3A_229 = arith.constant 8 : i32
      %mul3A_230 = arith.muli %scan3A_90, %mul3A_229 : i32
      %add3A_231 = arith.constant 6 : i32
      %add3A_232 = arith.addi %mul3A_230, %add3A_231 : i32
      %lt3A_233 = arith.constant 125 : i32
      %lt3A_234 = arith.cmpi slt, %add3A_232, %lt3A_233 : i32
      %convert_element_type3A_235 = arith.extui %lt3A_234 : i1 to i32
      %cond3A_236 = arith.constant 0 : i32
      %cond3A_237 = arith.cmpi ne, %convert_element_type3A_235, %cond3A_236 : i32
      scf.if %cond3A_237 {
        %dma_wait3A_277 = arith.constant 0 : i32
        %dma_wait3A_278 = tpu.memref_slice %arg7[%add3A_232, %dma_wait3A_277] : memref<125x80xi32, #tpu.memory_space<vmem>> -> memref<1x80xi32, #tpu.memory_space<vmem>>
        %dma_wait3A_279 = tpu.memref_squeeze %dma_wait3A_278 : memref<1x80xi32, #tpu.memory_space<vmem>> -> memref<80xi32, #tpu.memory_space<vmem>>
        %dma_wait3A_280 = arith.constant 0 : i32
        %dma_wait3A_281 = arith.constant 0 : i32
        %dma_wait3A_282 = tpu.memref_slice %arg2[%dma_wait3A_280, %dma_wait3A_281] : memref<10000x128xbf16, #tpu.memory_space<hbm>> -> memref<10000x128xbf16, #tpu.memory_space<hbm>>
        tpu.wait_indirect_dma semaphore(%arg24 : memref<!tpu.dma_semaphore, #tpu.memory_space<semaphore_mem>>) src(%dma_wait3A_282 : memref<10000x128xbf16, #tpu.memory_space<hbm>>) dst(%arg15 : memref<80x128xbf16, #tpu.memory_space<vmem>>)
        %dma_start3A_283 = arith.constant 0 : i32
        %dma_start3A_284 = tpu.memref_slice %arg8[%add3A_232, %dma_start3A_283] : memref<125x80xi32, #tpu.memory_space<vmem>> -> memref<1x80xi32, #tpu.memory_space<vmem>>
        %dma_start3A_285 = tpu.memref_squeeze %dma_start3A_284 : memref<1x80xi32, #tpu.memory_space<vmem>> -> memref<80xi32, #tpu.memory_space<vmem>>
        %dma_start3A_286 = arith.constant 0 : i32
        %dma_start3A_287 = arith.constant 0 : i32
        %dma_start3A_288 = tpu.memref_slice %arg17[%dma_start3A_286, %dma_start3A_287] : memref<10016x128xbf16, #tpu.memory_space<vmem_shared>> -> memref<10016x128xbf16, #tpu.memory_space<vmem_shared>>
        tpu.enqueue_indirect_dma source(%arg15 : memref<80x128xbf16, #tpu.memory_space<vmem>>) target(%dma_start3A_288 : memref<10016x128xbf16, #tpu.memory_space<vmem_shared>>) offsets(%dma_start3A_285 : memref<80xi32, #tpu.memory_space<vmem>>) semaphore(%arg32 : memref<!tpu.dma_semaphore, #tpu.memory_space<semaphore_mem>>) {add = true}
      } else {
      }
      %ge3A_238 = arith.constant 1 : i32
      %ge3A_239 = arith.cmpi sge, %add3A_232, %ge3A_238 : i32
      %le3A_240 = arith.constant 125 : i32
      %le3A_241 = arith.cmpi sle, %add3A_232, %le3A_240 : i32
      %and3A_242 = arith.andi %ge3A_239, %le3A_241 : i1
      %convert_element_type3A_243 = arith.extui %and3A_242 : i1 to i32
      %cond3A_244 = arith.constant 0 : i32
      %cond3A_245 = arith.cmpi ne, %convert_element_type3A_243, %cond3A_244 : i32
      scf.if %cond3A_245 {
        %sub3A = arith.constant 1 : i32
        %sub3A_277 = arith.subi %add3A_232, %sub3A : i32
        %dma_wait3A_278 = arith.constant 0 : i32
        %dma_wait3A_279 = tpu.memref_slice %arg8[%sub3A_277, %dma_wait3A_278] : memref<125x80xi32, #tpu.memory_space<vmem>> -> memref<1x80xi32, #tpu.memory_space<vmem>>
        %dma_wait3A_280 = tpu.memref_squeeze %dma_wait3A_279 : memref<1x80xi32, #tpu.memory_space<vmem>> -> memref<80xi32, #tpu.memory_space<vmem>>
        %dma_wait3A_281 = arith.constant 0 : i32
        %dma_wait3A_282 = arith.constant 0 : i32
        %dma_wait3A_283 = tpu.memref_slice %arg17[%dma_wait3A_281, %dma_wait3A_282] : memref<10016x128xbf16, #tpu.memory_space<vmem_shared>> -> memref<10016x128xbf16, #tpu.memory_space<vmem_shared>>
        tpu.wait_indirect_dma semaphore(%arg31 : memref<!tpu.dma_semaphore, #tpu.memory_space<semaphore_mem>>) src(%arg14 : memref<80x128xbf16, #tpu.memory_space<vmem>>) dst(%dma_wait3A_283 : memref<10016x128xbf16, #tpu.memory_space<vmem_shared>>)
      } else {
      }
      %add3A_246 = arith.constant 7 : i32
      %add3A_247 = arith.addi %add3A_232, %add3A_246 : i32
      %lt3A_248 = arith.constant 125 : i32
      %lt3A_249 = arith.cmpi slt, %add3A_247, %lt3A_248 : i32
      %convert_element_type3A_250 = arith.extui %lt3A_249 : i1 to i32
      %cond3A_251 = arith.constant 0 : i32
      %cond3A_252 = arith.cmpi ne, %convert_element_type3A_250, %cond3A_251 : i32
      scf.if %cond3A_252 {
        %add3A_277 = arith.constant 7 : i32
        %add3A_278 = arith.addi %add3A_232, %add3A_277 : i32
        %dma_start3A_279 = arith.constant 0 : i32
        %dma_start3A_280 = tpu.memref_slice %arg7[%add3A_278, %dma_start3A_279] : memref<125x80xi32, #tpu.memory_space<vmem>> -> memref<1x80xi32, #tpu.memory_space<vmem>>
        %dma_start3A_281 = tpu.memref_squeeze %dma_start3A_280 : memref<1x80xi32, #tpu.memory_space<vmem>> -> memref<80xi32, #tpu.memory_space<vmem>>
        %dma_start3A_282 = arith.constant 0 : i32
        %dma_start3A_283 = arith.constant 0 : i32
        %dma_start3A_284 = tpu.memref_slice %arg2[%dma_start3A_282, %dma_start3A_283] : memref<10000x128xbf16, #tpu.memory_space<hbm>> -> memref<10000x128xbf16, #tpu.memory_space<hbm>>
        tpu.enqueue_indirect_dma source(%dma_start3A_284 : memref<10000x128xbf16, #tpu.memory_space<hbm>>) target(%arg14 : memref<80x128xbf16, #tpu.memory_space<vmem>>) offsets(%dma_start3A_281 : memref<80xi32, #tpu.memory_space<vmem>>) semaphore(%arg23 : memref<!tpu.dma_semaphore, #tpu.memory_space<semaphore_mem>>)
      } else {
      }
      %mul3A_253 = arith.constant 8 : i32
      %mul3A_254 = arith.muli %scan3A_90, %mul3A_253 : i32
      %add3A_255 = arith.constant 7 : i32
      %add3A_256 = arith.addi %mul3A_254, %add3A_255 : i32
      %lt3A_257 = arith.constant 125 : i32
      %lt3A_258 = arith.cmpi slt, %add3A_256, %lt3A_257 : i32
      %convert_element_type3A_259 = arith.extui %lt3A_258 : i1 to i32
      %cond3A_260 = arith.constant 0 : i32
      %cond3A_261 = arith.cmpi ne, %convert_element_type3A_259, %cond3A_260 : i32
      scf.if %cond3A_261 {
        %dma_wait3A_277 = arith.constant 0 : i32
        %dma_wait3A_278 = tpu.memref_slice %arg7[%add3A_256, %dma_wait3A_277] : memref<125x80xi32, #tpu.memory_space<vmem>> -> memref<1x80xi32, #tpu.memory_space<vmem>>
        %dma_wait3A_279 = tpu.memref_squeeze %dma_wait3A_278 : memref<1x80xi32, #tpu.memory_space<vmem>> -> memref<80xi32, #tpu.memory_space<vmem>>
        %dma_wait3A_280 = arith.constant 0 : i32
        %dma_wait3A_281 = arith.constant 0 : i32
        %dma_wait3A_282 = tpu.memref_slice %arg2[%dma_wait3A_280, %dma_wait3A_281] : memref<10000x128xbf16, #tpu.memory_space<hbm>> -> memref<10000x128xbf16, #tpu.memory_space<hbm>>
        tpu.wait_indirect_dma semaphore(%arg25 : memref<!tpu.dma_semaphore, #tpu.memory_space<semaphore_mem>>) src(%dma_wait3A_282 : memref<10000x128xbf16, #tpu.memory_space<hbm>>) dst(%arg16 : memref<80x128xbf16, #tpu.memory_space<vmem>>)
        %dma_start3A_283 = arith.constant 0 : i32
        %dma_start3A_284 = tpu.memref_slice %arg8[%add3A_256, %dma_start3A_283] : memref<125x80xi32, #tpu.memory_space<vmem>> -> memref<1x80xi32, #tpu.memory_space<vmem>>
        %dma_start3A_285 = tpu.memref_squeeze %dma_start3A_284 : memref<1x80xi32, #tpu.memory_space<vmem>> -> memref<80xi32, #tpu.memory_space<vmem>>
        %dma_start3A_286 = arith.constant 0 : i32
        %dma_start3A_287 = arith.constant 0 : i32
        %dma_start3A_288 = tpu.memref_slice %arg17[%dma_start3A_286, %dma_start3A_287] : memref<10016x128xbf16, #tpu.memory_space<vmem_shared>> -> memref<10016x128xbf16, #tpu.memory_space<vmem_shared>>
        tpu.enqueue_indirect_dma source(%arg16 : memref<80x128xbf16, #tpu.memory_space<vmem>>) target(%dma_start3A_288 : memref<10016x128xbf16, #tpu.memory_space<vmem_shared>>) offsets(%dma_start3A_285 : memref<80xi32, #tpu.memory_space<vmem>>) semaphore(%arg33 : memref<!tpu.dma_semaphore, #tpu.memory_space<semaphore_mem>>) {add = true}
      } else {
      }
      %ge3A_262 = arith.constant 1 : i32
      %ge3A_263 = arith.cmpi sge, %add3A_256, %ge3A_262 : i32
      %le3A_264 = arith.constant 125 : i32
      %le3A_265 = arith.cmpi sle, %add3A_256, %le3A_264 : i32
      %and3A_266 = arith.andi %ge3A_263, %le3A_265 : i1
      %convert_element_type3A_267 = arith.extui %and3A_266 : i1 to i32
      %cond3A_268 = arith.constant 0 : i32
      %cond3A_269 = arith.cmpi ne, %convert_element_type3A_267, %cond3A_268 : i32
      scf.if %cond3A_269 {
        %sub3A = arith.constant 1 : i32
        %sub3A_277 = arith.subi %add3A_256, %sub3A : i32
        %dma_wait3A_278 = arith.constant 0 : i32
        %dma_wait3A_279 = tpu.memref_slice %arg8[%sub3A_277, %dma_wait3A_278] : memref<125x80xi32, #tpu.memory_space<vmem>> -> memref<1x80xi32, #tpu.memory_space<vmem>>
        %dma_wait3A_280 = tpu.memref_squeeze %dma_wait3A_279 : memref<1x80xi32, #tpu.memory_space<vmem>> -> memref<80xi32, #tpu.memory_space<vmem>>
        %dma_wait3A_281 = arith.constant 0 : i32
        %dma_wait3A_282 = arith.constant 0 : i32
        %dma_wait3A_283 = tpu.memref_slice %arg17[%dma_wait3A_281, %dma_wait3A_282] : memref<10016x128xbf16, #tpu.memory_space<vmem_shared>> -> memref<10016x128xbf16, #tpu.memory_space<vmem_shared>>
        tpu.wait_indirect_dma semaphore(%arg32 : memref<!tpu.dma_semaphore, #tpu.memory_space<semaphore_mem>>) src(%arg15 : memref<80x128xbf16, #tpu.memory_space<vmem>>) dst(%dma_wait3A_283 : memref<10016x128xbf16, #tpu.memory_space<vmem_shared>>)
      } else {
      }
      %add3A_270 = arith.constant 7 : i32
      %add3A_271 = arith.addi %add3A_256, %add3A_270 : i32
      %lt3A_272 = arith.constant 125 : i32
      %lt3A_273 = arith.cmpi slt, %add3A_271, %lt3A_272 : i32
      %convert_element_type3A_274 = arith.extui %lt3A_273 : i1 to i32
      %cond3A_275 = arith.constant 0 : i32
      %cond3A_276 = arith.cmpi ne, %convert_element_type3A_274, %cond3A_275 : i32
      scf.if %cond3A_276 {
        %add3A_277 = arith.constant 7 : i32
        %add3A_278 = arith.addi %add3A_256, %add3A_277 : i32
        %dma_start3A_279 = arith.constant 0 : i32
        %dma_start3A_280 = tpu.memref_slice %arg7[%add3A_278, %dma_start3A_279] : memref<125x80xi32, #tpu.memory_space<vmem>> -> memref<1x80xi32, #tpu.memory_space<vmem>>
        %dma_start3A_281 = tpu.memref_squeeze %dma_start3A_280 : memref<1x80xi32, #tpu.memory_space<vmem>> -> memref<80xi32, #tpu.memory_space<vmem>>
        %dma_start3A_282 = arith.constant 0 : i32
        %dma_start3A_283 = arith.constant 0 : i32
        %dma_start3A_284 = tpu.memref_slice %arg2[%dma_start3A_282, %dma_start3A_283] : memref<10000x128xbf16, #tpu.memory_space<hbm>> -> memref<10000x128xbf16, #tpu.memory_space<hbm>>
        tpu.enqueue_indirect_dma source(%dma_start3A_284 : memref<10000x128xbf16, #tpu.memory_space<hbm>>) target(%arg15 : memref<80x128xbf16, #tpu.memory_space<vmem>>) offsets(%dma_start3A_281 : memref<80xi32, #tpu.memory_space<vmem>>) semaphore(%arg24 : memref<!tpu.dma_semaphore, #tpu.memory_space<semaphore_mem>>)
      } else {
      }
    }
    %scan3A_84 = arith.constant 16 : i32
    %barrier3A_85 = arith.constant 0 : index
    tpu.barrier barrier_id(%barrier3A_85)
    %mul3A_86 = arith.constant 626 : i32
    %mul3A_87 = arith.muli %arg1, %mul3A_86 : i32
    %mul3A_88 = arith.constant 626 : i32
    %mul3A_89 = arith.muli %arg1, %mul3A_88 : i32
    "tpu.region"() ({
      %run_scoped3A = tpu.sem_alloc : memref<!tpu.dma_semaphore, #tpu.memory_space<semaphore_mem>>
      %dma_start3A_90 = arith.constant 0 : i32
      %dma_start3A_91 = tpu.memref_slice %arg6[%arg0, %mul3A_89, %dma_start3A_90] : memref<2x10016x128xbf16, #tpu.memory_space<hbm>> -> memref<1x626x128xbf16, #tpu.memory_space<hbm>>
      %dma_start3A_92 = tpu.memref_squeeze %dma_start3A_91 : memref<1x626x128xbf16, #tpu.memory_space<hbm>> -> memref<626x128xbf16, #tpu.memory_space<hbm>>
      %dma_start3A_93 = arith.constant 0 : i32
      %dma_start3A_94 = tpu.memref_slice %arg17[%mul3A_87, %dma_start3A_93] : memref<10016x128xbf16, #tpu.memory_space<vmem_shared>> -> memref<626x128xbf16, #tpu.memory_space<vmem_shared>>
      tpu.enqueue_dma source(%dma_start3A_94 : memref<626x128xbf16, #tpu.memory_space<vmem_shared>>) target(%dma_start3A_92 : memref<626x128xbf16, #tpu.memory_space<hbm>>) target_semaphore(%run_scoped3A : memref<!tpu.dma_semaphore, #tpu.memory_space<semaphore_mem>>)
      %dma_wait3A_95 = arith.constant 0 : i32
      %dma_wait3A_96 = tpu.memref_slice %arg6[%arg0, %mul3A_89, %dma_wait3A_95] : memref<2x10016x128xbf16, #tpu.memory_space<hbm>> -> memref<1x626x128xbf16, #tpu.memory_space<hbm>>
      %dma_wait3A_97 = tpu.memref_squeeze %dma_wait3A_96 : memref<1x626x128xbf16, #tpu.memory_space<hbm>> -> memref<626x128xbf16, #tpu.memory_space<hbm>>
      %dma_wait3A_98 = arith.constant 0 : i32
      %dma_wait3A_99 = tpu.memref_slice %arg17[%mul3A_87, %dma_wait3A_98] : memref<10016x128xbf16, #tpu.memory_space<vmem_shared>> -> memref<626x128xbf16, #tpu.memory_space<vmem_shared>>
      tpu.wait_dma2 semaphore(%run_scoped3A : memref<!tpu.dma_semaphore, #tpu.memory_space<semaphore_mem>>) src(%dma_wait3A_99 : memref<626x128xbf16, #tpu.memory_space<vmem_shared>>) dst(%dma_wait3A_97 : memref<626x128xbf16, #tpu.memory_space<hbm>>)
      tpu.yield
    }) : () -> ()
    return
  }
}

#map = affine_map<(d0, d1) -> (0, 0)>
#map1 = affine_map<(d0, d1) -> (0, 0, 0)>
module attributes {stable_mosaic.version = 14 : i64} {
  func.func @_agg_sc(%arg0: i32, %arg1: i32, %arg2: memref<10000x128xbf16, #tpu.memory_space<hbm>>, %arg3: memref<4000x80xi32, #tpu.memory_space<hbm>>, %arg4: memref<4000x80xi32, #tpu.memory_space<hbm>>, %arg5: memref<10016x128xbf16, #tpu.memory_space<hbm>>, %arg6: memref<2x10016x128xbf16, #tpu.memory_space<hbm>>, %arg7: memref<125x80xi32, #tpu.memory_space<vmem>>, %arg8: memref<125x80xi32, #tpu.memory_space<vmem>>, %arg9: memref<80x128xbf16, #tpu.memory_space<vmem>>, %arg10: memref<80x128xbf16, #tpu.memory_space<vmem>>, %arg11: memref<80x128xbf16, #tpu.memory_space<vmem>>, %arg12: memref<80x128xbf16, #tpu.memory_space<vmem>>, %arg13: memref<80x128xbf16, #tpu.memory_space<vmem>>, %arg14: memref<80x128xbf16, #tpu.memory_space<vmem>>, %arg15: memref<80x128xbf16, #tpu.memory_space<vmem>>, %arg16: memref<80x128xbf16, #tpu.memory_space<vmem>>, %arg17: memref<10016x128xbf16, #tpu.memory_space<vmem_shared>>, %arg18: memref<!tpu.dma_semaphore, #tpu.memory_space<semaphore_mem>>, %arg19: memref<!tpu.dma_semaphore, #tpu.memory_space<semaphore_mem>>, %arg20: memref<!tpu.dma_semaphore, #tpu.memory_space<semaphore_mem>>, %arg21: memref<!tpu.dma_semaphore, #tpu.memory_space<semaphore_mem>>, %arg22: memref<!tpu.dma_semaphore, #tpu.memory_space<semaphore_mem>>, %arg23: memref<!tpu.dma_semaphore, #tpu.memory_space<semaphore_mem>>, %arg24: memref<!tpu.dma_semaphore, #tpu.memory_space<semaphore_mem>>, %arg25: memref<!tpu.dma_semaphore, #tpu.memory_space<semaphore_mem>>, %arg26: memref<!tpu.dma_semaphore, #tpu.memory_space<semaphore_mem>>, %arg27: memref<!tpu.dma_semaphore, #tpu.memory_space<semaphore_mem>>, %arg28: memref<!tpu.dma_semaphore, #tpu.memory_space<semaphore_mem>>, %arg29: memref<!tpu.dma_semaphore, #tpu.memory_space<semaphore_mem>>, %arg30: memref<!tpu.dma_semaphore, #tpu.memory_space<semaphore_mem>>, %arg31: memref<!tpu.dma_semaphore, #tpu.memory_space<semaphore_mem>>, %arg32: memref<!tpu.dma_semaphore, #tpu.memory_space<semaphore_mem>>, %arg33: memref<!tpu.dma_semaphore, #tpu.memory_space<semaphore_mem>>) attributes {dimension_semantics = [#tpu.dimension_semantics<core_parallel>, #tpu.dimension_semantics<subcore_parallel>], iteration_bounds = array<i64: 2, 16>, scalar_prefetch = 0 : i64, scratch_operands = 27 : i64, tpu.core_type = #tpu.core_type<sc_vector_subcore>, window_params = [{transform_indices = #map}, {transform_indices = #map}, {transform_indices = #map}, {transform_indices = #map}, {transform_indices = #map1}]} {
    %mul3A = arith.constant 16 : i32
    %mul3A_0 = arith.muli %arg0, %mul3A : i32
    %add3A = arith.addi %mul3A_0, %arg1 : i32
    %mul3A_1 = arith.constant 626 : i32
    %mul3A_2 = arith.muli %arg1, %mul3A_1 : i32
    %mul3A_3 = arith.constant 626 : i32
    %mul3A_4 = arith.muli %arg1, %mul3A_3 : i32
    %dma_start3A = arith.constant 0 : i32
    %dma_start3A_5 = tpu.memref_slice %arg17[%mul3A_4, %dma_start3A] : memref<10016x128xbf16, #tpu.memory_space<vmem_shared>> -> memref<626x128xbf16, #tpu.memory_space<vmem_shared>>
    %dma_start3A_6 = arith.constant 0 : i32
    %dma_start3A_7 = tpu.memref_slice %arg5[%mul3A_2, %dma_start3A_6] : memref<10016x128xbf16, #tpu.memory_space<hbm>> -> memref<626x128xbf16, #tpu.memory_space<hbm>>
    tpu.enqueue_dma source(%dma_start3A_7 : memref<626x128xbf16, #tpu.memory_space<hbm>>) target(%dma_start3A_5 : memref<626x128xbf16, #tpu.memory_space<vmem_shared>>) target_semaphore(%arg18 : memref<!tpu.dma_semaphore, #tpu.memory_space<semaphore_mem>>)
    %mul3A_8 = arith.constant 125 : i32
    %mul3A_9 = arith.muli %add3A, %mul3A_8 : i32
    %dma_start3A_10 = arith.constant 0 : i32
    %dma_start3A_11 = tpu.memref_slice %arg3[%mul3A_9, %dma_start3A_10] : memref<4000x80xi32, #tpu.memory_space<hbm>> -> memref<125x80xi32, #tpu.memory_space<hbm>>
    %dma_start3A_12 = arith.constant 0 : i32
    %dma_start3A_13 = tpu.memref_slice %arg3[%mul3A_9, %dma_start3A_12] : memref<4000x80xi32, #tpu.memory_space<hbm>> -> memref<125x80xi32, #tpu.memory_space<hbm>>
    tpu.enqueue_dma source(%dma_start3A_13 : memref<125x80xi32, #tpu.memory_space<hbm>>) target(%arg7 : memref<125x80xi32, #tpu.memory_space<vmem>>) target_semaphore(%arg19 : memref<!tpu.dma_semaphore, #tpu.memory_space<semaphore_mem>>)
    %mul3A_14 = arith.constant 125 : i32
    %mul3A_15 = arith.muli %add3A, %mul3A_14 : i32
    %dma_start3A_16 = arith.constant 0 : i32
    %dma_start3A_17 = tpu.memref_slice %arg4[%mul3A_15, %dma_start3A_16] : memref<4000x80xi32, #tpu.memory_space<hbm>> -> memref<125x80xi32, #tpu.memory_space<hbm>>
    %dma_start3A_18 = arith.constant 0 : i32
    %dma_start3A_19 = tpu.memref_slice %arg4[%mul3A_15, %dma_start3A_18] : memref<4000x80xi32, #tpu.memory_space<hbm>> -> memref<125x80xi32, #tpu.memory_space<hbm>>
    tpu.enqueue_dma source(%dma_start3A_19 : memref<125x80xi32, #tpu.memory_space<hbm>>) target(%arg8 : memref<125x80xi32, #tpu.memory_space<vmem>>) target_semaphore(%arg26 : memref<!tpu.dma_semaphore, #tpu.memory_space<semaphore_mem>>)
    %dma_wait3A = arith.constant 0 : i32
    %dma_wait3A_20 = tpu.memref_slice %arg17[%mul3A_4, %dma_wait3A] : memref<10016x128xbf16, #tpu.memory_space<vmem_shared>> -> memref<626x128xbf16, #tpu.memory_space<vmem_shared>>
    %dma_wait3A_21 = arith.constant 0 : i32
    %dma_wait3A_22 = tpu.memref_slice %arg5[%mul3A_2, %dma_wait3A_21] : memref<10016x128xbf16, #tpu.memory_space<hbm>> -> memref<626x128xbf16, #tpu.memory_space<hbm>>
    tpu.wait_dma2 semaphore(%arg18 : memref<!tpu.dma_semaphore, #tpu.memory_space<semaphore_mem>>) src(%dma_wait3A_22 : memref<626x128xbf16, #tpu.memory_space<hbm>>) dst(%dma_wait3A_20 : memref<626x128xbf16, #tpu.memory_space<vmem_shared>>)
    %dma_wait3A_23 = arith.constant 0 : i32
    %dma_wait3A_24 = tpu.memref_slice %arg3[%mul3A_9, %dma_wait3A_23] : memref<4000x80xi32, #tpu.memory_space<hbm>> -> memref<125x80xi32, #tpu.memory_space<hbm>>
    %dma_wait3A_25 = arith.constant 0 : i32
    %dma_wait3A_26 = tpu.memref_slice %arg3[%mul3A_9, %dma_wait3A_25] : memref<4000x80xi32, #tpu.memory_space<hbm>> -> memref<125x80xi32, #tpu.memory_space<hbm>>
    tpu.wait_dma2 semaphore(%arg19 : memref<!tpu.dma_semaphore, #tpu.memory_space<semaphore_mem>>) src(%dma_wait3A_26 : memref<125x80xi32, #tpu.memory_space<hbm>>) dst(%arg7 : memref<125x80xi32, #tpu.memory_space<vmem>>)
    %dma_wait3A_27 = arith.constant 0 : i32
    %dma_wait3A_28 = tpu.memref_slice %arg4[%mul3A_15, %dma_wait3A_27] : memref<4000x80xi32, #tpu.memory_space<hbm>> -> memref<125x80xi32, #tpu.memory_space<hbm>>
    %dma_wait3A_29 = arith.constant 0 : i32
    %dma_wait3A_30 = tpu.memref_slice %arg4[%mul3A_15, %dma_wait3A_29] : memref<4000x80xi32, #tpu.memory_space<hbm>> -> memref<125x80xi32, #tpu.memory_space<hbm>>
    tpu.wait_dma2 semaphore(%arg26 : memref<!tpu.dma_semaphore, #tpu.memory_space<semaphore_mem>>) src(%dma_wait3A_30 : memref<125x80xi32, #tpu.memory_space<hbm>>) dst(%arg8 : memref<125x80xi32, #tpu.memory_space<vmem>>)
    %barrier3A = arith.constant 0 : index
    tpu.barrier barrier_id(%barrier3A)
    %dma_start3A_31 = arith.constant 0 : i32
    %dma_start3A_32 = arith.constant 0 : i32
    %dma_start3A_33 = tpu.memref_slice %arg7[%dma_start3A_31, %dma_start3A_32] : memref<125x80xi32, #tpu.memory_space<vmem>> -> memref<1x80xi32, #tpu.memory_space<vmem>>
    %dma_start3A_34 = tpu.memref_squeeze %dma_start3A_33 : memref<1x80xi32, #tpu.memory_space<vmem>> -> memref<80xi32, #tpu.memory_space<vmem>>
    %dma_start3A_35 = arith.constant 0 : i32
    %dma_start3A_36 = arith.constant 0 : i32
    %dma_start3A_37 = tpu.memref_slice %arg2[%dma_start3A_35, %dma_start3A_36] : memref<10000x128xbf16, #tpu.memory_space<hbm>> -> memref<10000x128xbf16, #tpu.memory_space<hbm>>
    tpu.enqueue_indirect_dma source(%dma_start3A_37 : memref<10000x128xbf16, #tpu.memory_space<hbm>>) target(%arg9 : memref<80x128xbf16, #tpu.memory_space<vmem>>) offsets(%dma_start3A_34 : memref<80xi32, #tpu.memory_space<vmem>>) semaphore(%arg18 : memref<!tpu.dma_semaphore, #tpu.memory_space<semaphore_mem>>)
    %dma_start3A_38 = arith.constant 1 : i32
    %dma_start3A_39 = arith.constant 0 : i32
    %dma_start3A_40 = tpu.memref_slice %arg7[%dma_start3A_38, %dma_start3A_39] : memref<125x80xi32, #tpu.memory_space<vmem>> -> memref<1x80xi32, #tpu.memory_space<vmem>>
    %dma_start3A_41 = tpu.memref_squeeze %dma_start3A_40 : memref<1x80xi32, #tpu.memory_space<vmem>> -> memref<80xi32, #tpu.memory_space<vmem>>
    %dma_start3A_42 = arith.constant 0 : i32
    %dma_start3A_43 = arith.constant 0 : i32
    %dma_start3A_44 = tpu.memref_slice %arg2[%dma_start3A_42, %dma_start3A_43] : memref<10000x128xbf16, #tpu.memory_space<hbm>> -> memref<10000x128xbf16, #tpu.memory_space<hbm>>
    tpu.enqueue_indirect_dma source(%dma_start3A_44 : memref<10000x128xbf16, #tpu.memory_space<hbm>>) target(%arg10 : memref<80x128xbf16, #tpu.memory_space<vmem>>) offsets(%dma_start3A_41 : memref<80xi32, #tpu.memory_space<vmem>>) semaphore(%arg19 : memref<!tpu.dma_semaphore, #tpu.memory_space<semaphore_mem>>)
    %dma_start3A_45 = arith.constant 2 : i32
    %dma_start3A_46 = arith.constant 0 : i32
    %dma_start3A_47 = tpu.memref_slice %arg7[%dma_start3A_45, %dma_start3A_46] : memref<125x80xi32, #tpu.memory_space<vmem>> -> memref<1x80xi32, #tpu.memory_space<vmem>>
    %dma_start3A_48 = tpu.memref_squeeze %dma_start3A_47 : memref<1x80xi32, #tpu.memory_space<vmem>> -> memref<80xi32, #tpu.memory_space<vmem>>
    %dma_start3A_49 = arith.constant 0 : i32
    %dma_start3A_50 = arith.constant 0 : i32
    %dma_start3A_51 = tpu.memref_slice %arg2[%dma_start3A_49, %dma_start3A_50] : memref<10000x128xbf16, #tpu.memory_space<hbm>> -> memref<10000x128xbf16, #tpu.memory_space<hbm>>
    tpu.enqueue_indirect_dma source(%dma_start3A_51 : memref<10000x128xbf16, #tpu.memory_space<hbm>>) target(%arg11 : memref<80x128xbf16, #tpu.memory_space<vmem>>) offsets(%dma_start3A_48 : memref<80xi32, #tpu.memory_space<vmem>>) semaphore(%arg20 : memref<!tpu.dma_semaphore, #tpu.memory_space<semaphore_mem>>)
    %dma_start3A_52 = arith.constant 3 : i32
    %dma_start3A_53 = arith.constant 0 : i32
    %dma_start3A_54 = tpu.memref_slice %arg7[%dma_start3A_52, %dma_start3A_53] : memref<125x80xi32, #tpu.memory_space<vmem>> -> memref<1x80xi32, #tpu.memory_space<vmem>>
    %dma_start3A_55 = tpu.memref_squeeze %dma_start3A_54 : memref<1x80xi32, #tpu.memory_space<vmem>> -> memref<80xi32, #tpu.memory_space<vmem>>
    %dma_start3A_56 = arith.constant 0 : i32
    %dma_start3A_57 = arith.constant 0 : i32
    %dma_start3A_58 = tpu.memref_slice %arg2[%dma_start3A_56, %dma_start3A_57] : memref<10000x128xbf16, #tpu.memory_space<hbm>> -> memref<10000x128xbf16, #tpu.memory_space<hbm>>
    tpu.enqueue_indirect_dma source(%dma_start3A_58 : memref<10000x128xbf16, #tpu.memory_space<hbm>>) target(%arg12 : memref<80x128xbf16, #tpu.memory_space<vmem>>) offsets(%dma_start3A_55 : memref<80xi32, #tpu.memory_space<vmem>>) semaphore(%arg21 : memref<!tpu.dma_semaphore, #tpu.memory_space<semaphore_mem>>)
    %dma_start3A_59 = arith.constant 4 : i32
    %dma_start3A_60 = arith.constant 0 : i32
    %dma_start3A_61 = tpu.memref_slice %arg7[%dma_start3A_59, %dma_start3A_60] : memref<125x80xi32, #tpu.memory_space<vmem>> -> memref<1x80xi32, #tpu.memory_space<vmem>>
    %dma_start3A_62 = tpu.memref_squeeze %dma_start3A_61 : memref<1x80xi32, #tpu.memory_space<vmem>> -> memref<80xi32, #tpu.memory_space<vmem>>
    %dma_start3A_63 = arith.constant 0 : i32
    %dma_start3A_64 = arith.constant 0 : i32
    %dma_start3A_65 = tpu.memref_slice %arg2[%dma_start3A_63, %dma_start3A_64] : memref<10000x128xbf16, #tpu.memory_space<hbm>> -> memref<10000x128xbf16, #tpu.memory_space<hbm>>
    tpu.enqueue_indirect_dma source(%dma_start3A_65 : memref<10000x128xbf16, #tpu.memory_space<hbm>>) target(%arg13 : memref<80x128xbf16, #tpu.memory_space<vmem>>) offsets(%dma_start3A_62 : memref<80xi32, #tpu.memory_space<vmem>>) semaphore(%arg22 : memref<!tpu.dma_semaphore, #tpu.memory_space<semaphore_mem>>)
    %dma_start3A_66 = arith.constant 5 : i32
    %dma_start3A_67 = arith.constant 0 : i32
    %dma_start3A_68 = tpu.memref_slice %arg7[%dma_start3A_66, %dma_start3A_67] : memref<125x80xi32, #tpu.memory_space<vmem>> -> memref<1x80xi32, #tpu.memory_space<vmem>>
    %dma_start3A_69 = tpu.memref_squeeze %dma_start3A_68 : memref<1x80xi32, #tpu.memory_space<vmem>> -> memref<80xi32, #tpu.memory_space<vmem>>
    %dma_start3A_70 = arith.constant 0 : i32
    %dma_start3A_71 = arith.constant 0 : i32
    %dma_start3A_72 = tpu.memref_slice %arg2[%dma_start3A_70, %dma_start3A_71] : memref<10000x128xbf16, #tpu.memory_space<hbm>> -> memref<10000x128xbf16, #tpu.memory_space<hbm>>
    tpu.enqueue_indirect_dma source(%dma_start3A_72 : memref<10000x128xbf16, #tpu.memory_space<hbm>>) target(%arg14 : memref<80x128xbf16, #tpu.memory_space<vmem>>) offsets(%dma_start3A_69 : memref<80xi32, #tpu.memory_space<vmem>>) semaphore(%arg23 : memref<!tpu.dma_semaphore, #tpu.memory_space<semaphore_mem>>)
    %dma_start3A_73 = arith.constant 6 : i32
    %dma_start3A_74 = arith.constant 0 : i32
    %dma_start3A_75 = tpu.memref_slice %arg7[%dma_start3A_73, %dma_start3A_74] : memref<125x80xi32, #tpu.memory_space<vmem>> -> memref<1x80xi32, #tpu.memory_space<vmem>>
    %dma_start3A_76 = tpu.memref_squeeze %dma_start3A_75 : memref<1x80xi32, #tpu.memory_space<vmem>> -> memref<80xi32, #tpu.memory_space<vmem>>
    %dma_start3A_77 = arith.constant 0 : i32
    %dma_start3A_78 = arith.constant 0 : i32
    %dma_start3A_79 = tpu.memref_slice %arg2[%dma_start3A_77, %dma_start3A_78] : memref<10000x128xbf16, #tpu.memory_space<hbm>> -> memref<10000x128xbf16, #tpu.memory_space<hbm>>
    tpu.enqueue_indirect_dma source(%dma_start3A_79 : memref<10000x128xbf16, #tpu.memory_space<hbm>>) target(%arg15 : memref<80x128xbf16, #tpu.memory_space<vmem>>) offsets(%dma_start3A_76 : memref<80xi32, #tpu.memory_space<vmem>>) semaphore(%arg24 : memref<!tpu.dma_semaphore, #tpu.memory_space<semaphore_mem>>)
    %scan3A = arith.constant 0 : i32
    %scan3A_80 = arith.constant 0 : i32
    %scan3A_81 = arith.constant 16 : i32
    %scan3A_82 = arith.addi %scan3A_80, %scan3A_81 : i32
    %scan3A_83 = arith.constant 1 : i32
    scf.for %scan3A_90 = %scan3A_80 to %scan3A_82 step %scan3A_83  : i32 {
      %mul3A_91 = arith.constant 8 : i32
      %mul3A_92 = arith.muli %scan3A_90, %mul3A_91 : i32
      %add3A_93 = arith.constant 0 : i32
      %add3A_94 = arith.addi %mul3A_92, %add3A_93 : i32
      %lt3A = arith.constant 125 : i32
      %lt3A_95 = arith.cmpi slt, %add3A_94, %lt3A : i32
      %convert_element_type3A = arith.extui %lt3A_95 : i1 to i32
      %cond3A = arith.constant 0 : i32
      %cond3A_96 = arith.cmpi ne, %convert_element_type3A, %cond3A : i32
      scf.if %cond3A_96 {
        %dma_wait3A_277 = arith.constant 0 : i32
        %dma_wait3A_278 = tpu.memref_slice %arg7[%add3A_94, %dma_wait3A_277] : memref<125x80xi32, #tpu.memory_space<vmem>> -> memref<1x80xi32, #tpu.memory_space<vmem>>
        %dma_wait3A_279 = tpu.memref_squeeze %dma_wait3A_278 : memref<1x80xi32, #tpu.memory_space<vmem>> -> memref<80xi32, #tpu.memory_space<vmem>>
        %dma_wait3A_280 = arith.constant 0 : i32
        %dma_wait3A_281 = arith.constant 0 : i32
        %dma_wait3A_282 = tpu.memref_slice %arg2[%dma_wait3A_280, %dma_wait3A_281] : memref<10000x128xbf16, #tpu.memory_space<hbm>> -> memref<10000x128xbf16, #tpu.memory_space<hbm>>
        tpu.wait_indirect_dma semaphore(%arg18 : memref<!tpu.dma_semaphore, #tpu.memory_space<semaphore_mem>>) src(%dma_wait3A_282 : memref<10000x128xbf16, #tpu.memory_space<hbm>>) dst(%arg9 : memref<80x128xbf16, #tpu.memory_space<vmem>>)
        %dma_start3A_283 = arith.constant 0 : i32
        %dma_start3A_284 = tpu.memref_slice %arg8[%add3A_94, %dma_start3A_283] : memref<125x80xi32, #tpu.memory_space<vmem>> -> memref<1x80xi32, #tpu.memory_space<vmem>>
        %dma_start3A_285 = tpu.memref_squeeze %dma_start3A_284 : memref<1x80xi32, #tpu.memory_space<vmem>> -> memref<80xi32, #tpu.memory_space<vmem>>
        %dma_start3A_286 = arith.constant 0 : i32
        %dma_start3A_287 = arith.constant 0 : i32
        %dma_start3A_288 = tpu.memref_slice %arg17[%dma_start3A_286, %dma_start3A_287] : memref<10016x128xbf16, #tpu.memory_space<vmem_shared>> -> memref<10016x128xbf16, #tpu.memory_space<vmem_shared>>
        tpu.enqueue_indirect_dma source(%arg9 : memref<80x128xbf16, #tpu.memory_space<vmem>>) target(%dma_start3A_288 : memref<10016x128xbf16, #tpu.memory_space<vmem_shared>>) offsets(%dma_start3A_285 : memref<80xi32, #tpu.memory_space<vmem>>) semaphore(%arg26 : memref<!tpu.dma_semaphore, #tpu.memory_space<semaphore_mem>>) {add = true}
      } else {
      }
      %ge3A = arith.constant 1 : i32
      %ge3A_97 = arith.cmpi sge, %add3A_94, %ge3A : i32
      %le3A = arith.constant 125 : i32
      %le3A_98 = arith.cmpi sle, %add3A_94, %le3A : i32
      %and3A = arith.andi %ge3A_97, %le3A_98 : i1
      %convert_element_type3A_99 = arith.extui %and3A : i1 to i32
      %cond3A_100 = arith.constant 0 : i32
      %cond3A_101 = arith.cmpi ne, %convert_element_type3A_99, %cond3A_100 : i32
      scf.if %cond3A_101 {
        %sub3A = arith.constant 1 : i32
        %sub3A_277 = arith.subi %add3A_94, %sub3A : i32
        %dma_wait3A_278 = arith.constant 0 : i32
        %dma_wait3A_279 = tpu.memref_slice %arg8[%sub3A_277, %dma_wait3A_278] : memref<125x80xi32, #tpu.memory_space<vmem>> -> memref<1x80xi32, #tpu.memory_space<vmem>>
        %dma_wait3A_280 = tpu.memref_squeeze %dma_wait3A_279 : memref<1x80xi32, #tpu.memory_space<vmem>> -> memref<80xi32, #tpu.memory_space<vmem>>
        %dma_wait3A_281 = arith.constant 0 : i32
        %dma_wait3A_282 = arith.constant 0 : i32
        %dma_wait3A_283 = tpu.memref_slice %arg17[%dma_wait3A_281, %dma_wait3A_282] : memref<10016x128xbf16, #tpu.memory_space<vmem_shared>> -> memref<10016x128xbf16, #tpu.memory_space<vmem_shared>>
        tpu.wait_indirect_dma semaphore(%arg33 : memref<!tpu.dma_semaphore, #tpu.memory_space<semaphore_mem>>) src(%arg16 : memref<80x128xbf16, #tpu.memory_space<vmem>>) dst(%dma_wait3A_283 : memref<10016x128xbf16, #tpu.memory_space<vmem_shared>>)
      } else {
      }
      %add3A_102 = arith.constant 7 : i32
      %add3A_103 = arith.addi %add3A_94, %add3A_102 : i32
      %lt3A_104 = arith.constant 125 : i32
      %lt3A_105 = arith.cmpi slt, %add3A_103, %lt3A_104 : i32
      %convert_element_type3A_106 = arith.extui %lt3A_105 : i1 to i32
      %cond3A_107 = arith.constant 0 : i32
      %cond3A_108 = arith.cmpi ne, %convert_element_type3A_106, %cond3A_107 : i32
      scf.if %cond3A_108 {
        %add3A_277 = arith.constant 7 : i32
        %add3A_278 = arith.addi %add3A_94, %add3A_277 : i32
        %dma_start3A_279 = arith.constant 0 : i32
        %dma_start3A_280 = tpu.memref_slice %arg7[%add3A_278, %dma_start3A_279] : memref<125x80xi32, #tpu.memory_space<vmem>> -> memref<1x80xi32, #tpu.memory_space<vmem>>
        %dma_start3A_281 = tpu.memref_squeeze %dma_start3A_280 : memref<1x80xi32, #tpu.memory_space<vmem>> -> memref<80xi32, #tpu.memory_space<vmem>>
        %dma_start3A_282 = arith.constant 0 : i32
        %dma_start3A_283 = arith.constant 0 : i32
        %dma_start3A_284 = tpu.memref_slice %arg2[%dma_start3A_282, %dma_start3A_283] : memref<10000x128xbf16, #tpu.memory_space<hbm>> -> memref<10000x128xbf16, #tpu.memory_space<hbm>>
        tpu.enqueue_indirect_dma source(%dma_start3A_284 : memref<10000x128xbf16, #tpu.memory_space<hbm>>) target(%arg16 : memref<80x128xbf16, #tpu.memory_space<vmem>>) offsets(%dma_start3A_281 : memref<80xi32, #tpu.memory_space<vmem>>) semaphore(%arg25 : memref<!tpu.dma_semaphore, #tpu.memory_space<semaphore_mem>>)
      } else {
      }
      %mul3A_109 = arith.constant 8 : i32
      %mul3A_110 = arith.muli %scan3A_90, %mul3A_109 : i32
      %add3A_111 = arith.constant 1 : i32
      %add3A_112 = arith.addi %mul3A_110, %add3A_111 : i32
      %lt3A_113 = arith.constant 125 : i32
      %lt3A_114 = arith.cmpi slt, %add3A_112, %lt3A_113 : i32
      %convert_element_type3A_115 = arith.extui %lt3A_114 : i1 to i32
      %cond3A_116 = arith.constant 0 : i32
      %cond3A_117 = arith.cmpi ne, %convert_element_type3A_115, %cond3A_116 : i32
      scf.if %cond3A_117 {
        %dma_wait3A_277 = arith.constant 0 : i32
        %dma_wait3A_278 = tpu.memref_slice %arg7[%add3A_112, %dma_wait3A_277] : memref<125x80xi32, #tpu.memory_space<vmem>> -> memref<1x80xi32, #tpu.memory_space<vmem>>
        %dma_wait3A_279 = tpu.memref_squeeze %dma_wait3A_278 : memref<1x80xi32, #tpu.memory_space<vmem>> -> memref<80xi32, #tpu.memory_space<vmem>>
        %dma_wait3A_280 = arith.constant 0 : i32
        %dma_wait3A_281 = arith.constant 0 : i32
        %dma_wait3A_282 = tpu.memref_slice %arg2[%dma_wait3A_280, %dma_wait3A_281] : memref<10000x128xbf16, #tpu.memory_space<hbm>> -> memref<10000x128xbf16, #tpu.memory_space<hbm>>
        tpu.wait_indirect_dma semaphore(%arg19 : memref<!tpu.dma_semaphore, #tpu.memory_space<semaphore_mem>>) src(%dma_wait3A_282 : memref<10000x128xbf16, #tpu.memory_space<hbm>>) dst(%arg10 : memref<80x128xbf16, #tpu.memory_space<vmem>>)
        %dma_start3A_283 = arith.constant 0 : i32
        %dma_start3A_284 = tpu.memref_slice %arg8[%add3A_112, %dma_start3A_283] : memref<125x80xi32, #tpu.memory_space<vmem>> -> memref<1x80xi32, #tpu.memory_space<vmem>>
        %dma_start3A_285 = tpu.memref_squeeze %dma_start3A_284 : memref<1x80xi32, #tpu.memory_space<vmem>> -> memref<80xi32, #tpu.memory_space<vmem>>
        %dma_start3A_286 = arith.constant 0 : i32
        %dma_start3A_287 = arith.constant 0 : i32
        %dma_start3A_288 = tpu.memref_slice %arg17[%dma_start3A_286, %dma_start3A_287] : memref<10016x128xbf16, #tpu.memory_space<vmem_shared>> -> memref<10016x128xbf16, #tpu.memory_space<vmem_shared>>
        tpu.enqueue_indirect_dma source(%arg10 : memref<80x128xbf16, #tpu.memory_space<vmem>>) target(%dma_start3A_288 : memref<10016x128xbf16, #tpu.memory_space<vmem_shared>>) offsets(%dma_start3A_285 : memref<80xi32, #tpu.memory_space<vmem>>) semaphore(%arg27 : memref<!tpu.dma_semaphore, #tpu.memory_space<semaphore_mem>>) {add = true}
      } else {
      }
      %ge3A_118 = arith.constant 1 : i32
      %ge3A_119 = arith.cmpi sge, %add3A_112, %ge3A_118 : i32
      %le3A_120 = arith.constant 125 : i32
      %le3A_121 = arith.cmpi sle, %add3A_112, %le3A_120 : i32
      %and3A_122 = arith.andi %ge3A_119, %le3A_121 : i1
      %convert_element_type3A_123 = arith.extui %and3A_122 : i1 to i32
      %cond3A_124 = arith.constant 0 : i32
      %cond3A_125 = arith.cmpi ne, %convert_element_type3A_123, %cond3A_124 : i32
      scf.if %cond3A_125 {
        %sub3A = arith.constant 1 : i32
        %sub3A_277 = arith.subi %add3A_112, %sub3A : i32
        %dma_wait3A_278 = arith.constant 0 : i32
        %dma_wait3A_279 = tpu.memref_slice %arg8[%sub3A_277, %dma_wait3A_278] : memref<125x80xi32, #tpu.memory_space<vmem>> -> memref<1x80xi32, #tpu.memory_space<vmem>>
        %dma_wait3A_280 = tpu.memref_squeeze %dma_wait3A_279 : memref<1x80xi32, #tpu.memory_space<vmem>> -> memref<80xi32, #tpu.memory_space<vmem>>
        %dma_wait3A_281 = arith.constant 0 : i32
        %dma_wait3A_282 = arith.constant 0 : i32
        %dma_wait3A_283 = tpu.memref_slice %arg17[%dma_wait3A_281, %dma_wait3A_282] : memref<10016x128xbf16, #tpu.memory_space<vmem_shared>> -> memref<10016x128xbf16, #tpu.memory_space<vmem_shared>>
        tpu.wait_indirect_dma semaphore(%arg26 : memref<!tpu.dma_semaphore, #tpu.memory_space<semaphore_mem>>) src(%arg9 : memref<80x128xbf16, #tpu.memory_space<vmem>>) dst(%dma_wait3A_283 : memref<10016x128xbf16, #tpu.memory_space<vmem_shared>>)
      } else {
      }
      %add3A_126 = arith.constant 7 : i32
      %add3A_127 = arith.addi %add3A_112, %add3A_126 : i32
      %lt3A_128 = arith.constant 125 : i32
      %lt3A_129 = arith.cmpi slt, %add3A_127, %lt3A_128 : i32
      %convert_element_type3A_130 = arith.extui %lt3A_129 : i1 to i32
      %cond3A_131 = arith.constant 0 : i32
      %cond3A_132 = arith.cmpi ne, %convert_element_type3A_130, %cond3A_131 : i32
      scf.if %cond3A_132 {
        %add3A_277 = arith.constant 7 : i32
        %add3A_278 = arith.addi %add3A_112, %add3A_277 : i32
        %dma_start3A_279 = arith.constant 0 : i32
        %dma_start3A_280 = tpu.memref_slice %arg7[%add3A_278, %dma_start3A_279] : memref<125x80xi32, #tpu.memory_space<vmem>> -> memref<1x80xi32, #tpu.memory_space<vmem>>
        %dma_start3A_281 = tpu.memref_squeeze %dma_start3A_280 : memref<1x80xi32, #tpu.memory_space<vmem>> -> memref<80xi32, #tpu.memory_space<vmem>>
        %dma_start3A_282 = arith.constant 0 : i32
        %dma_start3A_283 = arith.constant 0 : i32
        %dma_start3A_284 = tpu.memref_slice %arg2[%dma_start3A_282, %dma_start3A_283] : memref<10000x128xbf16, #tpu.memory_space<hbm>> -> memref<10000x128xbf16, #tpu.memory_space<hbm>>
        tpu.enqueue_indirect_dma source(%dma_start3A_284 : memref<10000x128xbf16, #tpu.memory_space<hbm>>) target(%arg9 : memref<80x128xbf16, #tpu.memory_space<vmem>>) offsets(%dma_start3A_281 : memref<80xi32, #tpu.memory_space<vmem>>) semaphore(%arg18 : memref<!tpu.dma_semaphore, #tpu.memory_space<semaphore_mem>>)
      } else {
      }
      %mul3A_133 = arith.constant 8 : i32
      %mul3A_134 = arith.muli %scan3A_90, %mul3A_133 : i32
      %add3A_135 = arith.constant 2 : i32
      %add3A_136 = arith.addi %mul3A_134, %add3A_135 : i32
      %lt3A_137 = arith.constant 125 : i32
      %lt3A_138 = arith.cmpi slt, %add3A_136, %lt3A_137 : i32
      %convert_element_type3A_139 = arith.extui %lt3A_138 : i1 to i32
      %cond3A_140 = arith.constant 0 : i32
      %cond3A_141 = arith.cmpi ne, %convert_element_type3A_139, %cond3A_140 : i32
      scf.if %cond3A_141 {
        %dma_wait3A_277 = arith.constant 0 : i32
        %dma_wait3A_278 = tpu.memref_slice %arg7[%add3A_136, %dma_wait3A_277] : memref<125x80xi32, #tpu.memory_space<vmem>> -> memref<1x80xi32, #tpu.memory_space<vmem>>
        %dma_wait3A_279 = tpu.memref_squeeze %dma_wait3A_278 : memref<1x80xi32, #tpu.memory_space<vmem>> -> memref<80xi32, #tpu.memory_space<vmem>>
        %dma_wait3A_280 = arith.constant 0 : i32
        %dma_wait3A_281 = arith.constant 0 : i32
        %dma_wait3A_282 = tpu.memref_slice %arg2[%dma_wait3A_280, %dma_wait3A_281] : memref<10000x128xbf16, #tpu.memory_space<hbm>> -> memref<10000x128xbf16, #tpu.memory_space<hbm>>
        tpu.wait_indirect_dma semaphore(%arg20 : memref<!tpu.dma_semaphore, #tpu.memory_space<semaphore_mem>>) src(%dma_wait3A_282 : memref<10000x128xbf16, #tpu.memory_space<hbm>>) dst(%arg11 : memref<80x128xbf16, #tpu.memory_space<vmem>>)
        %dma_start3A_283 = arith.constant 0 : i32
        %dma_start3A_284 = tpu.memref_slice %arg8[%add3A_136, %dma_start3A_283] : memref<125x80xi32, #tpu.memory_space<vmem>> -> memref<1x80xi32, #tpu.memory_space<vmem>>
        %dma_start3A_285 = tpu.memref_squeeze %dma_start3A_284 : memref<1x80xi32, #tpu.memory_space<vmem>> -> memref<80xi32, #tpu.memory_space<vmem>>
        %dma_start3A_286 = arith.constant 0 : i32
        %dma_start3A_287 = arith.constant 0 : i32
        %dma_start3A_288 = tpu.memref_slice %arg17[%dma_start3A_286, %dma_start3A_287] : memref<10016x128xbf16, #tpu.memory_space<vmem_shared>> -> memref<10016x128xbf16, #tpu.memory_space<vmem_shared>>
        tpu.enqueue_indirect_dma source(%arg11 : memref<80x128xbf16, #tpu.memory_space<vmem>>) target(%dma_start3A_288 : memref<10016x128xbf16, #tpu.memory_space<vmem_shared>>) offsets(%dma_start3A_285 : memref<80xi32, #tpu.memory_space<vmem>>) semaphore(%arg28 : memref<!tpu.dma_semaphore, #tpu.memory_space<semaphore_mem>>) {add = true}
      } else {
      }
      %ge3A_142 = arith.constant 1 : i32
      %ge3A_143 = arith.cmpi sge, %add3A_136, %ge3A_142 : i32
      %le3A_144 = arith.constant 125 : i32
      %le3A_145 = arith.cmpi sle, %add3A_136, %le3A_144 : i32
      %and3A_146 = arith.andi %ge3A_143, %le3A_145 : i1
      %convert_element_type3A_147 = arith.extui %and3A_146 : i1 to i32
      %cond3A_148 = arith.constant 0 : i32
      %cond3A_149 = arith.cmpi ne, %convert_element_type3A_147, %cond3A_148 : i32
      scf.if %cond3A_149 {
        %sub3A = arith.constant 1 : i32
        %sub3A_277 = arith.subi %add3A_136, %sub3A : i32
        %dma_wait3A_278 = arith.constant 0 : i32
        %dma_wait3A_279 = tpu.memref_slice %arg8[%sub3A_277, %dma_wait3A_278] : memref<125x80xi32, #tpu.memory_space<vmem>> -> memref<1x80xi32, #tpu.memory_space<vmem>>
        %dma_wait3A_280 = tpu.memref_squeeze %dma_wait3A_279 : memref<1x80xi32, #tpu.memory_space<vmem>> -> memref<80xi32, #tpu.memory_space<vmem>>
        %dma_wait3A_281 = arith.constant 0 : i32
        %dma_wait3A_282 = arith.constant 0 : i32
        %dma_wait3A_283 = tpu.memref_slice %arg17[%dma_wait3A_281, %dma_wait3A_282] : memref<10016x128xbf16, #tpu.memory_space<vmem_shared>> -> memref<10016x128xbf16, #tpu.memory_space<vmem_shared>>
        tpu.wait_indirect_dma semaphore(%arg27 : memref<!tpu.dma_semaphore, #tpu.memory_space<semaphore_mem>>) src(%arg10 : memref<80x128xbf16, #tpu.memory_space<vmem>>) dst(%dma_wait3A_283 : memref<10016x128xbf16, #tpu.memory_space<vmem_shared>>)
      } else {
      }
      %add3A_150 = arith.constant 7 : i32
      %add3A_151 = arith.addi %add3A_136, %add3A_150 : i32
      %lt3A_152 = arith.constant 125 : i32
      %lt3A_153 = arith.cmpi slt, %add3A_151, %lt3A_152 : i32
      %convert_element_type3A_154 = arith.extui %lt3A_153 : i1 to i32
      %cond3A_155 = arith.constant 0 : i32
      %cond3A_156 = arith.cmpi ne, %convert_element_type3A_154, %cond3A_155 : i32
      scf.if %cond3A_156 {
        %add3A_277 = arith.constant 7 : i32
        %add3A_278 = arith.addi %add3A_136, %add3A_277 : i32
        %dma_start3A_279 = arith.constant 0 : i32
        %dma_start3A_280 = tpu.memref_slice %arg7[%add3A_278, %dma_start3A_279] : memref<125x80xi32, #tpu.memory_space<vmem>> -> memref<1x80xi32, #tpu.memory_space<vmem>>
        %dma_start3A_281 = tpu.memref_squeeze %dma_start3A_280 : memref<1x80xi32, #tpu.memory_space<vmem>> -> memref<80xi32, #tpu.memory_space<vmem>>
        %dma_start3A_282 = arith.constant 0 : i32
        %dma_start3A_283 = arith.constant 0 : i32
        %dma_start3A_284 = tpu.memref_slice %arg2[%dma_start3A_282, %dma_start3A_283] : memref<10000x128xbf16, #tpu.memory_space<hbm>> -> memref<10000x128xbf16, #tpu.memory_space<hbm>>
        tpu.enqueue_indirect_dma source(%dma_start3A_284 : memref<10000x128xbf16, #tpu.memory_space<hbm>>) target(%arg10 : memref<80x128xbf16, #tpu.memory_space<vmem>>) offsets(%dma_start3A_281 : memref<80xi32, #tpu.memory_space<vmem>>) semaphore(%arg19 : memref<!tpu.dma_semaphore, #tpu.memory_space<semaphore_mem>>)
      } else {
      }
      %mul3A_157 = arith.constant 8 : i32
      %mul3A_158 = arith.muli %scan3A_90, %mul3A_157 : i32
      %add3A_159 = arith.constant 3 : i32
      %add3A_160 = arith.addi %mul3A_158, %add3A_159 : i32
      %lt3A_161 = arith.constant 125 : i32
      %lt3A_162 = arith.cmpi slt, %add3A_160, %lt3A_161 : i32
      %convert_element_type3A_163 = arith.extui %lt3A_162 : i1 to i32
      %cond3A_164 = arith.constant 0 : i32
      %cond3A_165 = arith.cmpi ne, %convert_element_type3A_163, %cond3A_164 : i32
      scf.if %cond3A_165 {
        %dma_wait3A_277 = arith.constant 0 : i32
        %dma_wait3A_278 = tpu.memref_slice %arg7[%add3A_160, %dma_wait3A_277] : memref<125x80xi32, #tpu.memory_space<vmem>> -> memref<1x80xi32, #tpu.memory_space<vmem>>
        %dma_wait3A_279 = tpu.memref_squeeze %dma_wait3A_278 : memref<1x80xi32, #tpu.memory_space<vmem>> -> memref<80xi32, #tpu.memory_space<vmem>>
        %dma_wait3A_280 = arith.constant 0 : i32
        %dma_wait3A_281 = arith.constant 0 : i32
        %dma_wait3A_282 = tpu.memref_slice %arg2[%dma_wait3A_280, %dma_wait3A_281] : memref<10000x128xbf16, #tpu.memory_space<hbm>> -> memref<10000x128xbf16, #tpu.memory_space<hbm>>
        tpu.wait_indirect_dma semaphore(%arg21 : memref<!tpu.dma_semaphore, #tpu.memory_space<semaphore_mem>>) src(%dma_wait3A_282 : memref<10000x128xbf16, #tpu.memory_space<hbm>>) dst(%arg12 : memref<80x128xbf16, #tpu.memory_space<vmem>>)
        %dma_start3A_283 = arith.constant 0 : i32
        %dma_start3A_284 = tpu.memref_slice %arg8[%add3A_160, %dma_start3A_283] : memref<125x80xi32, #tpu.memory_space<vmem>> -> memref<1x80xi32, #tpu.memory_space<vmem>>
        %dma_start3A_285 = tpu.memref_squeeze %dma_start3A_284 : memref<1x80xi32, #tpu.memory_space<vmem>> -> memref<80xi32, #tpu.memory_space<vmem>>
        %dma_start3A_286 = arith.constant 0 : i32
        %dma_start3A_287 = arith.constant 0 : i32
        %dma_start3A_288 = tpu.memref_slice %arg17[%dma_start3A_286, %dma_start3A_287] : memref<10016x128xbf16, #tpu.memory_space<vmem_shared>> -> memref<10016x128xbf16, #tpu.memory_space<vmem_shared>>
        tpu.enqueue_indirect_dma source(%arg12 : memref<80x128xbf16, #tpu.memory_space<vmem>>) target(%dma_start3A_288 : memref<10016x128xbf16, #tpu.memory_space<vmem_shared>>) offsets(%dma_start3A_285 : memref<80xi32, #tpu.memory_space<vmem>>) semaphore(%arg29 : memref<!tpu.dma_semaphore, #tpu.memory_space<semaphore_mem>>) {add = true}
      } else {
      }
      %ge3A_166 = arith.constant 1 : i32
      %ge3A_167 = arith.cmpi sge, %add3A_160, %ge3A_166 : i32
      %le3A_168 = arith.constant 125 : i32
      %le3A_169 = arith.cmpi sle, %add3A_160, %le3A_168 : i32
      %and3A_170 = arith.andi %ge3A_167, %le3A_169 : i1
      %convert_element_type3A_171 = arith.extui %and3A_170 : i1 to i32
      %cond3A_172 = arith.constant 0 : i32
      %cond3A_173 = arith.cmpi ne, %convert_element_type3A_171, %cond3A_172 : i32
      scf.if %cond3A_173 {
        %sub3A = arith.constant 1 : i32
        %sub3A_277 = arith.subi %add3A_160, %sub3A : i32
        %dma_wait3A_278 = arith.constant 0 : i32
        %dma_wait3A_279 = tpu.memref_slice %arg8[%sub3A_277, %dma_wait3A_278] : memref<125x80xi32, #tpu.memory_space<vmem>> -> memref<1x80xi32, #tpu.memory_space<vmem>>
        %dma_wait3A_280 = tpu.memref_squeeze %dma_wait3A_279 : memref<1x80xi32, #tpu.memory_space<vmem>> -> memref<80xi32, #tpu.memory_space<vmem>>
        %dma_wait3A_281 = arith.constant 0 : i32
        %dma_wait3A_282 = arith.constant 0 : i32
        %dma_wait3A_283 = tpu.memref_slice %arg17[%dma_wait3A_281, %dma_wait3A_282] : memref<10016x128xbf16, #tpu.memory_space<vmem_shared>> -> memref<10016x128xbf16, #tpu.memory_space<vmem_shared>>
        tpu.wait_indirect_dma semaphore(%arg28 : memref<!tpu.dma_semaphore, #tpu.memory_space<semaphore_mem>>) src(%arg11 : memref<80x128xbf16, #tpu.memory_space<vmem>>) dst(%dma_wait3A_283 : memref<10016x128xbf16, #tpu.memory_space<vmem_shared>>)
      } else {
      }
      %add3A_174 = arith.constant 7 : i32
      %add3A_175 = arith.addi %add3A_160, %add3A_174 : i32
      %lt3A_176 = arith.constant 125 : i32
      %lt3A_177 = arith.cmpi slt, %add3A_175, %lt3A_176 : i32
      %convert_element_type3A_178 = arith.extui %lt3A_177 : i1 to i32
      %cond3A_179 = arith.constant 0 : i32
      %cond3A_180 = arith.cmpi ne, %convert_element_type3A_178, %cond3A_179 : i32
      scf.if %cond3A_180 {
        %add3A_277 = arith.constant 7 : i32
        %add3A_278 = arith.addi %add3A_160, %add3A_277 : i32
        %dma_start3A_279 = arith.constant 0 : i32
        %dma_start3A_280 = tpu.memref_slice %arg7[%add3A_278, %dma_start3A_279] : memref<125x80xi32, #tpu.memory_space<vmem>> -> memref<1x80xi32, #tpu.memory_space<vmem>>
        %dma_start3A_281 = tpu.memref_squeeze %dma_start3A_280 : memref<1x80xi32, #tpu.memory_space<vmem>> -> memref<80xi32, #tpu.memory_space<vmem>>
        %dma_start3A_282 = arith.constant 0 : i32
        %dma_start3A_283 = arith.constant 0 : i32
        %dma_start3A_284 = tpu.memref_slice %arg2[%dma_start3A_282, %dma_start3A_283] : memref<10000x128xbf16, #tpu.memory_space<hbm>> -> memref<10000x128xbf16, #tpu.memory_space<hbm>>
        tpu.enqueue_indirect_dma source(%dma_start3A_284 : memref<10000x128xbf16, #tpu.memory_space<hbm>>) target(%arg11 : memref<80x128xbf16, #tpu.memory_space<vmem>>) offsets(%dma_start3A_281 : memref<80xi32, #tpu.memory_space<vmem>>) semaphore(%arg20 : memref<!tpu.dma_semaphore, #tpu.memory_space<semaphore_mem>>)
      } else {
      }
      %mul3A_181 = arith.constant 8 : i32
      %mul3A_182 = arith.muli %scan3A_90, %mul3A_181 : i32
      %add3A_183 = arith.constant 4 : i32
      %add3A_184 = arith.addi %mul3A_182, %add3A_183 : i32
      %lt3A_185 = arith.constant 125 : i32
      %lt3A_186 = arith.cmpi slt, %add3A_184, %lt3A_185 : i32
      %convert_element_type3A_187 = arith.extui %lt3A_186 : i1 to i32
      %cond3A_188 = arith.constant 0 : i32
      %cond3A_189 = arith.cmpi ne, %convert_element_type3A_187, %cond3A_188 : i32
      scf.if %cond3A_189 {
        %dma_wait3A_277 = arith.constant 0 : i32
        %dma_wait3A_278 = tpu.memref_slice %arg7[%add3A_184, %dma_wait3A_277] : memref<125x80xi32, #tpu.memory_space<vmem>> -> memref<1x80xi32, #tpu.memory_space<vmem>>
        %dma_wait3A_279 = tpu.memref_squeeze %dma_wait3A_278 : memref<1x80xi32, #tpu.memory_space<vmem>> -> memref<80xi32, #tpu.memory_space<vmem>>
        %dma_wait3A_280 = arith.constant 0 : i32
        %dma_wait3A_281 = arith.constant 0 : i32
        %dma_wait3A_282 = tpu.memref_slice %arg2[%dma_wait3A_280, %dma_wait3A_281] : memref<10000x128xbf16, #tpu.memory_space<hbm>> -> memref<10000x128xbf16, #tpu.memory_space<hbm>>
        tpu.wait_indirect_dma semaphore(%arg22 : memref<!tpu.dma_semaphore, #tpu.memory_space<semaphore_mem>>) src(%dma_wait3A_282 : memref<10000x128xbf16, #tpu.memory_space<hbm>>) dst(%arg13 : memref<80x128xbf16, #tpu.memory_space<vmem>>)
        %dma_start3A_283 = arith.constant 0 : i32
        %dma_start3A_284 = tpu.memref_slice %arg8[%add3A_184, %dma_start3A_283] : memref<125x80xi32, #tpu.memory_space<vmem>> -> memref<1x80xi32, #tpu.memory_space<vmem>>
        %dma_start3A_285 = tpu.memref_squeeze %dma_start3A_284 : memref<1x80xi32, #tpu.memory_space<vmem>> -> memref<80xi32, #tpu.memory_space<vmem>>
        %dma_start3A_286 = arith.constant 0 : i32
        %dma_start3A_287 = arith.constant 0 : i32
        %dma_start3A_288 = tpu.memref_slice %arg17[%dma_start3A_286, %dma_start3A_287] : memref<10016x128xbf16, #tpu.memory_space<vmem_shared>> -> memref<10016x128xbf16, #tpu.memory_space<vmem_shared>>
        tpu.enqueue_indirect_dma source(%arg13 : memref<80x128xbf16, #tpu.memory_space<vmem>>) target(%dma_start3A_288 : memref<10016x128xbf16, #tpu.memory_space<vmem_shared>>) offsets(%dma_start3A_285 : memref<80xi32, #tpu.memory_space<vmem>>) semaphore(%arg30 : memref<!tpu.dma_semaphore, #tpu.memory_space<semaphore_mem>>) {add = true}
      } else {
      }
      %ge3A_190 = arith.constant 1 : i32
      %ge3A_191 = arith.cmpi sge, %add3A_184, %ge3A_190 : i32
      %le3A_192 = arith.constant 125 : i32
      %le3A_193 = arith.cmpi sle, %add3A_184, %le3A_192 : i32
      %and3A_194 = arith.andi %ge3A_191, %le3A_193 : i1
      %convert_element_type3A_195 = arith.extui %and3A_194 : i1 to i32
      %cond3A_196 = arith.constant 0 : i32
      %cond3A_197 = arith.cmpi ne, %convert_element_type3A_195, %cond3A_196 : i32
      scf.if %cond3A_197 {
        %sub3A = arith.constant 1 : i32
        %sub3A_277 = arith.subi %add3A_184, %sub3A : i32
        %dma_wait3A_278 = arith.constant 0 : i32
        %dma_wait3A_279 = tpu.memref_slice %arg8[%sub3A_277, %dma_wait3A_278] : memref<125x80xi32, #tpu.memory_space<vmem>> -> memref<1x80xi32, #tpu.memory_space<vmem>>
        %dma_wait3A_280 = tpu.memref_squeeze %dma_wait3A_279 : memref<1x80xi32, #tpu.memory_space<vmem>> -> memref<80xi32, #tpu.memory_space<vmem>>
        %dma_wait3A_281 = arith.constant 0 : i32
        %dma_wait3A_282 = arith.constant 0 : i32
        %dma_wait3A_283 = tpu.memref_slice %arg17[%dma_wait3A_281, %dma_wait3A_282] : memref<10016x128xbf16, #tpu.memory_space<vmem_shared>> -> memref<10016x128xbf16, #tpu.memory_space<vmem_shared>>
        tpu.wait_indirect_dma semaphore(%arg29 : memref<!tpu.dma_semaphore, #tpu.memory_space<semaphore_mem>>) src(%arg12 : memref<80x128xbf16, #tpu.memory_space<vmem>>) dst(%dma_wait3A_283 : memref<10016x128xbf16, #tpu.memory_space<vmem_shared>>)
      } else {
      }
      %add3A_198 = arith.constant 7 : i32
      %add3A_199 = arith.addi %add3A_184, %add3A_198 : i32
      %lt3A_200 = arith.constant 125 : i32
      %lt3A_201 = arith.cmpi slt, %add3A_199, %lt3A_200 : i32
      %convert_element_type3A_202 = arith.extui %lt3A_201 : i1 to i32
      %cond3A_203 = arith.constant 0 : i32
      %cond3A_204 = arith.cmpi ne, %convert_element_type3A_202, %cond3A_203 : i32
      scf.if %cond3A_204 {
        %add3A_277 = arith.constant 7 : i32
        %add3A_278 = arith.addi %add3A_184, %add3A_277 : i32
        %dma_start3A_279 = arith.constant 0 : i32
        %dma_start3A_280 = tpu.memref_slice %arg7[%add3A_278, %dma_start3A_279] : memref<125x80xi32, #tpu.memory_space<vmem>> -> memref<1x80xi32, #tpu.memory_space<vmem>>
        %dma_start3A_281 = tpu.memref_squeeze %dma_start3A_280 : memref<1x80xi32, #tpu.memory_space<vmem>> -> memref<80xi32, #tpu.memory_space<vmem>>
        %dma_start3A_282 = arith.constant 0 : i32
        %dma_start3A_283 = arith.constant 0 : i32
        %dma_start3A_284 = tpu.memref_slice %arg2[%dma_start3A_282, %dma_start3A_283] : memref<10000x128xbf16, #tpu.memory_space<hbm>> -> memref<10000x128xbf16, #tpu.memory_space<hbm>>
        tpu.enqueue_indirect_dma source(%dma_start3A_284 : memref<10000x128xbf16, #tpu.memory_space<hbm>>) target(%arg12 : memref<80x128xbf16, #tpu.memory_space<vmem>>) offsets(%dma_start3A_281 : memref<80xi32, #tpu.memory_space<vmem>>) semaphore(%arg21 : memref<!tpu.dma_semaphore, #tpu.memory_space<semaphore_mem>>)
      } else {
      }
      %mul3A_205 = arith.constant 8 : i32
      %mul3A_206 = arith.muli %scan3A_90, %mul3A_205 : i32
      %add3A_207 = arith.constant 5 : i32
      %add3A_208 = arith.addi %mul3A_206, %add3A_207 : i32
      %lt3A_209 = arith.constant 125 : i32
      %lt3A_210 = arith.cmpi slt, %add3A_208, %lt3A_209 : i32
      %convert_element_type3A_211 = arith.extui %lt3A_210 : i1 to i32
      %cond3A_212 = arith.constant 0 : i32
      %cond3A_213 = arith.cmpi ne, %convert_element_type3A_211, %cond3A_212 : i32
      scf.if %cond3A_213 {
        %dma_wait3A_277 = arith.constant 0 : i32
        %dma_wait3A_278 = tpu.memref_slice %arg7[%add3A_208, %dma_wait3A_277] : memref<125x80xi32, #tpu.memory_space<vmem>> -> memref<1x80xi32, #tpu.memory_space<vmem>>
        %dma_wait3A_279 = tpu.memref_squeeze %dma_wait3A_278 : memref<1x80xi32, #tpu.memory_space<vmem>> -> memref<80xi32, #tpu.memory_space<vmem>>
        %dma_wait3A_280 = arith.constant 0 : i32
        %dma_wait3A_281 = arith.constant 0 : i32
        %dma_wait3A_282 = tpu.memref_slice %arg2[%dma_wait3A_280, %dma_wait3A_281] : memref<10000x128xbf16, #tpu.memory_space<hbm>> -> memref<10000x128xbf16, #tpu.memory_space<hbm>>
        tpu.wait_indirect_dma semaphore(%arg23 : memref<!tpu.dma_semaphore, #tpu.memory_space<semaphore_mem>>) src(%dma_wait3A_282 : memref<10000x128xbf16, #tpu.memory_space<hbm>>) dst(%arg14 : memref<80x128xbf16, #tpu.memory_space<vmem>>)
        %dma_start3A_283 = arith.constant 0 : i32
        %dma_start3A_284 = tpu.memref_slice %arg8[%add3A_208, %dma_start3A_283] : memref<125x80xi32, #tpu.memory_space<vmem>> -> memref<1x80xi32, #tpu.memory_space<vmem>>
        %dma_start3A_285 = tpu.memref_squeeze %dma_start3A_284 : memref<1x80xi32, #tpu.memory_space<vmem>> -> memref<80xi32, #tpu.memory_space<vmem>>
        %dma_start3A_286 = arith.constant 0 : i32
        %dma_start3A_287 = arith.constant 0 : i32
        %dma_start3A_288 = tpu.memref_slice %arg17[%dma_start3A_286, %dma_start3A_287] : memref<10016x128xbf16, #tpu.memory_space<vmem_shared>> -> memref<10016x128xbf16, #tpu.memory_space<vmem_shared>>
        tpu.enqueue_indirect_dma source(%arg14 : memref<80x128xbf16, #tpu.memory_space<vmem>>) target(%dma_start3A_288 : memref<10016x128xbf16, #tpu.memory_space<vmem_shared>>) offsets(%dma_start3A_285 : memref<80xi32, #tpu.memory_space<vmem>>) semaphore(%arg31 : memref<!tpu.dma_semaphore, #tpu.memory_space<semaphore_mem>>) {add = true}
      } else {
      }
      %ge3A_214 = arith.constant 1 : i32
      %ge3A_215 = arith.cmpi sge, %add3A_208, %ge3A_214 : i32
      %le3A_216 = arith.constant 125 : i32
      %le3A_217 = arith.cmpi sle, %add3A_208, %le3A_216 : i32
      %and3A_218 = arith.andi %ge3A_215, %le3A_217 : i1
      %convert_element_type3A_219 = arith.extui %and3A_218 : i1 to i32
      %cond3A_220 = arith.constant 0 : i32
      %cond3A_221 = arith.cmpi ne, %convert_element_type3A_219, %cond3A_220 : i32
      scf.if %cond3A_221 {
        %sub3A = arith.constant 1 : i32
        %sub3A_277 = arith.subi %add3A_208, %sub3A : i32
        %dma_wait3A_278 = arith.constant 0 : i32
        %dma_wait3A_279 = tpu.memref_slice %arg8[%sub3A_277, %dma_wait3A_278] : memref<125x80xi32, #tpu.memory_space<vmem>> -> memref<1x80xi32, #tpu.memory_space<vmem>>
        %dma_wait3A_280 = tpu.memref_squeeze %dma_wait3A_279 : memref<1x80xi32, #tpu.memory_space<vmem>> -> memref<80xi32, #tpu.memory_space<vmem>>
        %dma_wait3A_281 = arith.constant 0 : i32
        %dma_wait3A_282 = arith.constant 0 : i32
        %dma_wait3A_283 = tpu.memref_slice %arg17[%dma_wait3A_281, %dma_wait3A_282] : memref<10016x128xbf16, #tpu.memory_space<vmem_shared>> -> memref<10016x128xbf16, #tpu.memory_space<vmem_shared>>
        tpu.wait_indirect_dma semaphore(%arg30 : memref<!tpu.dma_semaphore, #tpu.memory_space<semaphore_mem>>) src(%arg13 : memref<80x128xbf16, #tpu.memory_space<vmem>>) dst(%dma_wait3A_283 : memref<10016x128xbf16, #tpu.memory_space<vmem_shared>>)
      } else {
      }
      %add3A_222 = arith.constant 7 : i32
      %add3A_223 = arith.addi %add3A_208, %add3A_222 : i32
      %lt3A_224 = arith.constant 125 : i32
      %lt3A_225 = arith.cmpi slt, %add3A_223, %lt3A_224 : i32
      %convert_element_type3A_226 = arith.extui %lt3A_225 : i1 to i32
      %cond3A_227 = arith.constant 0 : i32
      %cond3A_228 = arith.cmpi ne, %convert_element_type3A_226, %cond3A_227 : i32
      scf.if %cond3A_228 {
        %add3A_277 = arith.constant 7 : i32
        %add3A_278 = arith.addi %add3A_208, %add3A_277 : i32
        %dma_start3A_279 = arith.constant 0 : i32
        %dma_start3A_280 = tpu.memref_slice %arg7[%add3A_278, %dma_start3A_279] : memref<125x80xi32, #tpu.memory_space<vmem>> -> memref<1x80xi32, #tpu.memory_space<vmem>>
        %dma_start3A_281 = tpu.memref_squeeze %dma_start3A_280 : memref<1x80xi32, #tpu.memory_space<vmem>> -> memref<80xi32, #tpu.memory_space<vmem>>
        %dma_start3A_282 = arith.constant 0 : i32
        %dma_start3A_283 = arith.constant 0 : i32
        %dma_start3A_284 = tpu.memref_slice %arg2[%dma_start3A_282, %dma_start3A_283] : memref<10000x128xbf16, #tpu.memory_space<hbm>> -> memref<10000x128xbf16, #tpu.memory_space<hbm>>
        tpu.enqueue_indirect_dma source(%dma_start3A_284 : memref<10000x128xbf16, #tpu.memory_space<hbm>>) target(%arg13 : memref<80x128xbf16, #tpu.memory_space<vmem>>) offsets(%dma_start3A_281 : memref<80xi32, #tpu.memory_space<vmem>>) semaphore(%arg22 : memref<!tpu.dma_semaphore, #tpu.memory_space<semaphore_mem>>)
      } else {
      }
      %mul3A_229 = arith.constant 8 : i32
      %mul3A_230 = arith.muli %scan3A_90, %mul3A_229 : i32
      %add3A_231 = arith.constant 6 : i32
      %add3A_232 = arith.addi %mul3A_230, %add3A_231 : i32
      %lt3A_233 = arith.constant 125 : i32
      %lt3A_234 = arith.cmpi slt, %add3A_232, %lt3A_233 : i32
      %convert_element_type3A_235 = arith.extui %lt3A_234 : i1 to i32
      %cond3A_236 = arith.constant 0 : i32
      %cond3A_237 = arith.cmpi ne, %convert_element_type3A_235, %cond3A_236 : i32
      scf.if %cond3A_237 {
        %dma_wait3A_277 = arith.constant 0 : i32
        %dma_wait3A_278 = tpu.memref_slice %arg7[%add3A_232, %dma_wait3A_277] : memref<125x80xi32, #tpu.memory_space<vmem>> -> memref<1x80xi32, #tpu.memory_space<vmem>>
        %dma_wait3A_279 = tpu.memref_squeeze %dma_wait3A_278 : memref<1x80xi32, #tpu.memory_space<vmem>> -> memref<80xi32, #tpu.memory_space<vmem>>
        %dma_wait3A_280 = arith.constant 0 : i32
        %dma_wait3A_281 = arith.constant 0 : i32
        %dma_wait3A_282 = tpu.memref_slice %arg2[%dma_wait3A_280, %dma_wait3A_281] : memref<10000x128xbf16, #tpu.memory_space<hbm>> -> memref<10000x128xbf16, #tpu.memory_space<hbm>>
        tpu.wait_indirect_dma semaphore(%arg24 : memref<!tpu.dma_semaphore, #tpu.memory_space<semaphore_mem>>) src(%dma_wait3A_282 : memref<10000x128xbf16, #tpu.memory_space<hbm>>) dst(%arg15 : memref<80x128xbf16, #tpu.memory_space<vmem>>)
        %dma_start3A_283 = arith.constant 0 : i32
        %dma_start3A_284 = tpu.memref_slice %arg8[%add3A_232, %dma_start3A_283] : memref<125x80xi32, #tpu.memory_space<vmem>> -> memref<1x80xi32, #tpu.memory_space<vmem>>
        %dma_start3A_285 = tpu.memref_squeeze %dma_start3A_284 : memref<1x80xi32, #tpu.memory_space<vmem>> -> memref<80xi32, #tpu.memory_space<vmem>>
        %dma_start3A_286 = arith.constant 0 : i32
        %dma_start3A_287 = arith.constant 0 : i32
        %dma_start3A_288 = tpu.memref_slice %arg17[%dma_start3A_286, %dma_start3A_287] : memref<10016x128xbf16, #tpu.memory_space<vmem_shared>> -> memref<10016x128xbf16, #tpu.memory_space<vmem_shared>>
        tpu.enqueue_indirect_dma source(%arg15 : memref<80x128xbf16, #tpu.memory_space<vmem>>) target(%dma_start3A_288 : memref<10016x128xbf16, #tpu.memory_space<vmem_shared>>) offsets(%dma_start3A_285 : memref<80xi32, #tpu.memory_space<vmem>>) semaphore(%arg32 : memref<!tpu.dma_semaphore, #tpu.memory_space<semaphore_mem>>) {add = true}
      } else {
      }
      %ge3A_238 = arith.constant 1 : i32
      %ge3A_239 = arith.cmpi sge, %add3A_232, %ge3A_238 : i32
      %le3A_240 = arith.constant 125 : i32
      %le3A_241 = arith.cmpi sle, %add3A_232, %le3A_240 : i32
      %and3A_242 = arith.andi %ge3A_239, %le3A_241 : i1
      %convert_element_type3A_243 = arith.extui %and3A_242 : i1 to i32
      %cond3A_244 = arith.constant 0 : i32
      %cond3A_245 = arith.cmpi ne, %convert_element_type3A_243, %cond3A_244 : i32
      scf.if %cond3A_245 {
        %sub3A = arith.constant 1 : i32
        %sub3A_277 = arith.subi %add3A_232, %sub3A : i32
        %dma_wait3A_278 = arith.constant 0 : i32
        %dma_wait3A_279 = tpu.memref_slice %arg8[%sub3A_277, %dma_wait3A_278] : memref<125x80xi32, #tpu.memory_space<vmem>> -> memref<1x80xi32, #tpu.memory_space<vmem>>
        %dma_wait3A_280 = tpu.memref_squeeze %dma_wait3A_279 : memref<1x80xi32, #tpu.memory_space<vmem>> -> memref<80xi32, #tpu.memory_space<vmem>>
        %dma_wait3A_281 = arith.constant 0 : i32
        %dma_wait3A_282 = arith.constant 0 : i32
        %dma_wait3A_283 = tpu.memref_slice %arg17[%dma_wait3A_281, %dma_wait3A_282] : memref<10016x128xbf16, #tpu.memory_space<vmem_shared>> -> memref<10016x128xbf16, #tpu.memory_space<vmem_shared>>
        tpu.wait_indirect_dma semaphore(%arg31 : memref<!tpu.dma_semaphore, #tpu.memory_space<semaphore_mem>>) src(%arg14 : memref<80x128xbf16, #tpu.memory_space<vmem>>) dst(%dma_wait3A_283 : memref<10016x128xbf16, #tpu.memory_space<vmem_shared>>)
      } else {
      }
      %add3A_246 = arith.constant 7 : i32
      %add3A_247 = arith.addi %add3A_232, %add3A_246 : i32
      %lt3A_248 = arith.constant 125 : i32
      %lt3A_249 = arith.cmpi slt, %add3A_247, %lt3A_248 : i32
      %convert_element_type3A_250 = arith.extui %lt3A_249 : i1 to i32
      %cond3A_251 = arith.constant 0 : i32
      %cond3A_252 = arith.cmpi ne, %convert_element_type3A_250, %cond3A_251 : i32
      scf.if %cond3A_252 {
        %add3A_277 = arith.constant 7 : i32
        %add3A_278 = arith.addi %add3A_232, %add3A_277 : i32
        %dma_start3A_279 = arith.constant 0 : i32
        %dma_start3A_280 = tpu.memref_slice %arg7[%add3A_278, %dma_start3A_279] : memref<125x80xi32, #tpu.memory_space<vmem>> -> memref<1x80xi32, #tpu.memory_space<vmem>>
        %dma_start3A_281 = tpu.memref_squeeze %dma_start3A_280 : memref<1x80xi32, #tpu.memory_space<vmem>> -> memref<80xi32, #tpu.memory_space<vmem>>
        %dma_start3A_282 = arith.constant 0 : i32
        %dma_start3A_283 = arith.constant 0 : i32
        %dma_start3A_284 = tpu.memref_slice %arg2[%dma_start3A_282, %dma_start3A_283] : memref<10000x128xbf16, #tpu.memory_space<hbm>> -> memref<10000x128xbf16, #tpu.memory_space<hbm>>
        tpu.enqueue_indirect_dma source(%dma_start3A_284 : memref<10000x128xbf16, #tpu.memory_space<hbm>>) target(%arg14 : memref<80x128xbf16, #tpu.memory_space<vmem>>) offsets(%dma_start3A_281 : memref<80xi32, #tpu.memory_space<vmem>>) semaphore(%arg23 : memref<!tpu.dma_semaphore, #tpu.memory_space<semaphore_mem>>)
      } else {
      }
      %mul3A_253 = arith.constant 8 : i32
      %mul3A_254 = arith.muli %scan3A_90, %mul3A_253 : i32
      %add3A_255 = arith.constant 7 : i32
      %add3A_256 = arith.addi %mul3A_254, %add3A_255 : i32
      %lt3A_257 = arith.constant 125 : i32
      %lt3A_258 = arith.cmpi slt, %add3A_256, %lt3A_257 : i32
      %convert_element_type3A_259 = arith.extui %lt3A_258 : i1 to i32
      %cond3A_260 = arith.constant 0 : i32
      %cond3A_261 = arith.cmpi ne, %convert_element_type3A_259, %cond3A_260 : i32
      scf.if %cond3A_261 {
        %dma_wait3A_277 = arith.constant 0 : i32
        %dma_wait3A_278 = tpu.memref_slice %arg7[%add3A_256, %dma_wait3A_277] : memref<125x80xi32, #tpu.memory_space<vmem>> -> memref<1x80xi32, #tpu.memory_space<vmem>>
        %dma_wait3A_279 = tpu.memref_squeeze %dma_wait3A_278 : memref<1x80xi32, #tpu.memory_space<vmem>> -> memref<80xi32, #tpu.memory_space<vmem>>
        %dma_wait3A_280 = arith.constant 0 : i32
        %dma_wait3A_281 = arith.constant 0 : i32
        %dma_wait3A_282 = tpu.memref_slice %arg2[%dma_wait3A_280, %dma_wait3A_281] : memref<10000x128xbf16, #tpu.memory_space<hbm>> -> memref<10000x128xbf16, #tpu.memory_space<hbm>>
        tpu.wait_indirect_dma semaphore(%arg25 : memref<!tpu.dma_semaphore, #tpu.memory_space<semaphore_mem>>) src(%dma_wait3A_282 : memref<10000x128xbf16, #tpu.memory_space<hbm>>) dst(%arg16 : memref<80x128xbf16, #tpu.memory_space<vmem>>)
        %dma_start3A_283 = arith.constant 0 : i32
        %dma_start3A_284 = tpu.memref_slice %arg8[%add3A_256, %dma_start3A_283] : memref<125x80xi32, #tpu.memory_space<vmem>> -> memref<1x80xi32, #tpu.memory_space<vmem>>
        %dma_start3A_285 = tpu.memref_squeeze %dma_start3A_284 : memref<1x80xi32, #tpu.memory_space<vmem>> -> memref<80xi32, #tpu.memory_space<vmem>>
        %dma_start3A_286 = arith.constant 0 : i32
        %dma_start3A_287 = arith.constant 0 : i32
        %dma_start3A_288 = tpu.memref_slice %arg17[%dma_start3A_286, %dma_start3A_287] : memref<10016x128xbf16, #tpu.memory_space<vmem_shared>> -> memref<10016x128xbf16, #tpu.memory_space<vmem_shared>>
        tpu.enqueue_indirect_dma source(%arg16 : memref<80x128xbf16, #tpu.memory_space<vmem>>) target(%dma_start3A_288 : memref<10016x128xbf16, #tpu.memory_space<vmem_shared>>) offsets(%dma_start3A_285 : memref<80xi32, #tpu.memory_space<vmem>>) semaphore(%arg33 : memref<!tpu.dma_semaphore, #tpu.memory_space<semaphore_mem>>) {add = true}
      } else {
      }
      %ge3A_262 = arith.constant 1 : i32
      %ge3A_263 = arith.cmpi sge, %add3A_256, %ge3A_262 : i32
      %le3A_264 = arith.constant 125 : i32
      %le3A_265 = arith.cmpi sle, %add3A_256, %le3A_264 : i32
      %and3A_266 = arith.andi %ge3A_263, %le3A_265 : i1
      %convert_element_type3A_267 = arith.extui %and3A_266 : i1 to i32
      %cond3A_268 = arith.constant 0 : i32
      %cond3A_269 = arith.cmpi ne, %convert_element_type3A_267, %cond3A_268 : i32
      scf.if %cond3A_269 {
        %sub3A = arith.constant 1 : i32
        %sub3A_277 = arith.subi %add3A_256, %sub3A : i32
        %dma_wait3A_278 = arith.constant 0 : i32
        %dma_wait3A_279 = tpu.memref_slice %arg8[%sub3A_277, %dma_wait3A_278] : memref<125x80xi32, #tpu.memory_space<vmem>> -> memref<1x80xi32, #tpu.memory_space<vmem>>
        %dma_wait3A_280 = tpu.memref_squeeze %dma_wait3A_279 : memref<1x80xi32, #tpu.memory_space<vmem>> -> memref<80xi32, #tpu.memory_space<vmem>>
        %dma_wait3A_281 = arith.constant 0 : i32
        %dma_wait3A_282 = arith.constant 0 : i32
        %dma_wait3A_283 = tpu.memref_slice %arg17[%dma_wait3A_281, %dma_wait3A_282] : memref<10016x128xbf16, #tpu.memory_space<vmem_shared>> -> memref<10016x128xbf16, #tpu.memory_space<vmem_shared>>
        tpu.wait_indirect_dma semaphore(%arg32 : memref<!tpu.dma_semaphore, #tpu.memory_space<semaphore_mem>>) src(%arg15 : memref<80x128xbf16, #tpu.memory_space<vmem>>) dst(%dma_wait3A_283 : memref<10016x128xbf16, #tpu.memory_space<vmem_shared>>)
      } else {
      }
      %add3A_270 = arith.constant 7 : i32
      %add3A_271 = arith.addi %add3A_256, %add3A_270 : i32
      %lt3A_272 = arith.constant 125 : i32
      %lt3A_273 = arith.cmpi slt, %add3A_271, %lt3A_272 : i32
      %convert_element_type3A_274 = arith.extui %lt3A_273 : i1 to i32
      %cond3A_275 = arith.constant 0 : i32
      %cond3A_276 = arith.cmpi ne, %convert_element_type3A_274, %cond3A_275 : i32
      scf.if %cond3A_276 {
        %add3A_277 = arith.constant 7 : i32
        %add3A_278 = arith.addi %add3A_256, %add3A_277 : i32
        %dma_start3A_279 = arith.constant 0 : i32
        %dma_start3A_280 = tpu.memref_slice %arg7[%add3A_278, %dma_start3A_279] : memref<125x80xi32, #tpu.memory_space<vmem>> -> memref<1x80xi32, #tpu.memory_space<vmem>>
        %dma_start3A_281 = tpu.memref_squeeze %dma_start3A_280 : memref<1x80xi32, #tpu.memory_space<vmem>> -> memref<80xi32, #tpu.memory_space<vmem>>
        %dma_start3A_282 = arith.constant 0 : i32
        %dma_start3A_283 = arith.constant 0 : i32
        %dma_start3A_284 = tpu.memref_slice %arg2[%dma_start3A_282, %dma_start3A_283] : memref<10000x128xbf16, #tpu.memory_space<hbm>> -> memref<10000x128xbf16, #tpu.memory_space<hbm>>
        tpu.enqueue_indirect_dma source(%dma_start3A_284 : memref<10000x128xbf16, #tpu.memory_space<hbm>>) target(%arg15 : memref<80x128xbf16, #tpu.memory_space<vmem>>) offsets(%dma_start3A_281 : memref<80xi32, #tpu.memory_space<vmem>>) semaphore(%arg24 : memref<!tpu.dma_semaphore, #tpu.memory_space<semaphore_mem>>)
      } else {
      }
    }
    %scan3A_84 = arith.constant 16 : i32
    %barrier3A_85 = arith.constant 0 : index
    tpu.barrier barrier_id(%barrier3A_85)
    %mul3A_86 = arith.constant 626 : i32
    %mul3A_87 = arith.muli %arg1, %mul3A_86 : i32
    %mul3A_88 = arith.constant 626 : i32
    %mul3A_89 = arith.muli %arg1, %mul3A_88 : i32
    "tpu.region"() ({
      %run_scoped3A = tpu.sem_alloc : memref<!tpu.dma_semaphore, #tpu.memory_space<semaphore_mem>>
      %dma_start3A_90 = arith.constant 0 : i32
      %dma_start3A_91 = tpu.memref_slice %arg6[%arg0, %mul3A_89, %dma_start3A_90] : memref<2x10016x128xbf16, #tpu.memory_space<hbm>> -> memref<1x626x128xbf16, #tpu.memory_space<hbm>>
      %dma_start3A_92 = tpu.memref_squeeze %dma_start3A_91 : memref<1x626x128xbf16, #tpu.memory_space<hbm>> -> memref<626x128xbf16, #tpu.memory_space<hbm>>
      %dma_start3A_93 = arith.constant 0 : i32
      %dma_start3A_94 = tpu.memref_slice %arg17[%mul3A_87, %dma_start3A_93] : memref<10016x128xbf16, #tpu.memory_space<vmem_shared>> -> memref<626x128xbf16, #tpu.memory_space<vmem_shared>>
      tpu.enqueue_dma source(%dma_start3A_94 : memref<626x128xbf16, #tpu.memory_space<vmem_shared>>) target(%dma_start3A_92 : memref<626x128xbf16, #tpu.memory_space<hbm>>) target_semaphore(%run_scoped3A : memref<!tpu.dma_semaphore, #tpu.memory_space<semaphore_mem>>)
      %dma_wait3A_95 = arith.constant 0 : i32
      %dma_wait3A_96 = tpu.memref_slice %arg6[%arg0, %mul3A_89, %dma_wait3A_95] : memref<2x10016x128xbf16, #tpu.memory_space<hbm>> -> memref<1x626x128xbf16, #tpu.memory_space<hbm>>
      %dma_wait3A_97 = tpu.memref_squeeze %dma_wait3A_96 : memref<1x626x128xbf16, #tpu.memory_space<hbm>> -> memref<626x128xbf16, #tpu.memory_space<hbm>>
      %dma_wait3A_98 = arith.constant 0 : i32
      %dma_wait3A_99 = tpu.memref_slice %arg17[%mul3A_87, %dma_wait3A_98] : memref<10016x128xbf16, #tpu.memory_space<vmem_shared>> -> memref<626x128xbf16, #tpu.memory_space<vmem_shared>>
      tpu.wait_dma2 semaphore(%run_scoped3A : memref<!tpu.dma_semaphore, #tpu.memory_space<semaphore_mem>>) src(%dma_wait3A_99 : memref<626x128xbf16, #tpu.memory_space<vmem_shared>>) dst(%dma_wait3A_97 : memref<626x128xbf16, #tpu.memory_space<hbm>>)
      tpu.yield
    }) : () -> ()
    return
  }
}

#map = affine_map<(d0, d1) -> (0, 0)>
#map1 = affine_map<(d0, d1) -> (0, 0, 0)>
module attributes {stable_mosaic.version = 14 : i64} {
  func.func @_agg_sc(%arg0: i32, %arg1: i32, %arg2: memref<10000x128xbf16, #tpu.memory_space<hbm>>, %arg3: memref<4000x80xi32, #tpu.memory_space<hbm>>, %arg4: memref<4000x80xi32, #tpu.memory_space<hbm>>, %arg5: memref<10016x128xbf16, #tpu.memory_space<hbm>>, %arg6: memref<2x10016x128xbf16, #tpu.memory_space<hbm>>, %arg7: memref<125x80xi32, #tpu.memory_space<vmem>>, %arg8: memref<125x80xi32, #tpu.memory_space<vmem>>, %arg9: memref<80x128xbf16, #tpu.memory_space<vmem>>, %arg10: memref<80x128xbf16, #tpu.memory_space<vmem>>, %arg11: memref<80x128xbf16, #tpu.memory_space<vmem>>, %arg12: memref<80x128xbf16, #tpu.memory_space<vmem>>, %arg13: memref<80x128xbf16, #tpu.memory_space<vmem>>, %arg14: memref<80x128xbf16, #tpu.memory_space<vmem>>, %arg15: memref<80x128xbf16, #tpu.memory_space<vmem>>, %arg16: memref<80x128xbf16, #tpu.memory_space<vmem>>, %arg17: memref<10016x128xbf16, #tpu.memory_space<vmem_shared>>, %arg18: memref<!tpu.dma_semaphore, #tpu.memory_space<semaphore_mem>>, %arg19: memref<!tpu.dma_semaphore, #tpu.memory_space<semaphore_mem>>, %arg20: memref<!tpu.dma_semaphore, #tpu.memory_space<semaphore_mem>>, %arg21: memref<!tpu.dma_semaphore, #tpu.memory_space<semaphore_mem>>, %arg22: memref<!tpu.dma_semaphore, #tpu.memory_space<semaphore_mem>>, %arg23: memref<!tpu.dma_semaphore, #tpu.memory_space<semaphore_mem>>, %arg24: memref<!tpu.dma_semaphore, #tpu.memory_space<semaphore_mem>>, %arg25: memref<!tpu.dma_semaphore, #tpu.memory_space<semaphore_mem>>, %arg26: memref<!tpu.dma_semaphore, #tpu.memory_space<semaphore_mem>>, %arg27: memref<!tpu.dma_semaphore, #tpu.memory_space<semaphore_mem>>, %arg28: memref<!tpu.dma_semaphore, #tpu.memory_space<semaphore_mem>>, %arg29: memref<!tpu.dma_semaphore, #tpu.memory_space<semaphore_mem>>, %arg30: memref<!tpu.dma_semaphore, #tpu.memory_space<semaphore_mem>>, %arg31: memref<!tpu.dma_semaphore, #tpu.memory_space<semaphore_mem>>, %arg32: memref<!tpu.dma_semaphore, #tpu.memory_space<semaphore_mem>>, %arg33: memref<!tpu.dma_semaphore, #tpu.memory_space<semaphore_mem>>) attributes {dimension_semantics = [#tpu.dimension_semantics<core_parallel>, #tpu.dimension_semantics<subcore_parallel>], iteration_bounds = array<i64: 2, 16>, scalar_prefetch = 0 : i64, scratch_operands = 27 : i64, tpu.core_type = #tpu.core_type<sc_vector_subcore>, window_params = [{transform_indices = #map}, {transform_indices = #map}, {transform_indices = #map}, {transform_indices = #map}, {transform_indices = #map1}]} {
    %mul3A = arith.constant 16 : i32
    %mul3A_0 = arith.muli %arg0, %mul3A : i32
    %add3A = arith.addi %mul3A_0, %arg1 : i32
    %mul3A_1 = arith.constant 626 : i32
    %mul3A_2 = arith.muli %arg1, %mul3A_1 : i32
    %mul3A_3 = arith.constant 626 : i32
    %mul3A_4 = arith.muli %arg1, %mul3A_3 : i32
    %dma_start3A = arith.constant 0 : i32
    %dma_start3A_5 = tpu.memref_slice %arg17[%mul3A_4, %dma_start3A] : memref<10016x128xbf16, #tpu.memory_space<vmem_shared>> -> memref<626x128xbf16, #tpu.memory_space<vmem_shared>>
    %dma_start3A_6 = arith.constant 0 : i32
    %dma_start3A_7 = tpu.memref_slice %arg5[%mul3A_2, %dma_start3A_6] : memref<10016x128xbf16, #tpu.memory_space<hbm>> -> memref<626x128xbf16, #tpu.memory_space<hbm>>
    tpu.enqueue_dma source(%dma_start3A_7 : memref<626x128xbf16, #tpu.memory_space<hbm>>) target(%dma_start3A_5 : memref<626x128xbf16, #tpu.memory_space<vmem_shared>>) target_semaphore(%arg18 : memref<!tpu.dma_semaphore, #tpu.memory_space<semaphore_mem>>)
    %mul3A_8 = arith.constant 125 : i32
    %mul3A_9 = arith.muli %add3A, %mul3A_8 : i32
    %dma_start3A_10 = arith.constant 0 : i32
    %dma_start3A_11 = tpu.memref_slice %arg3[%mul3A_9, %dma_start3A_10] : memref<4000x80xi32, #tpu.memory_space<hbm>> -> memref<125x80xi32, #tpu.memory_space<hbm>>
    %dma_start3A_12 = arith.constant 0 : i32
    %dma_start3A_13 = tpu.memref_slice %arg3[%mul3A_9, %dma_start3A_12] : memref<4000x80xi32, #tpu.memory_space<hbm>> -> memref<125x80xi32, #tpu.memory_space<hbm>>
    tpu.enqueue_dma source(%dma_start3A_13 : memref<125x80xi32, #tpu.memory_space<hbm>>) target(%arg7 : memref<125x80xi32, #tpu.memory_space<vmem>>) target_semaphore(%arg19 : memref<!tpu.dma_semaphore, #tpu.memory_space<semaphore_mem>>)
    %mul3A_14 = arith.constant 125 : i32
    %mul3A_15 = arith.muli %add3A, %mul3A_14 : i32
    %dma_start3A_16 = arith.constant 0 : i32
    %dma_start3A_17 = tpu.memref_slice %arg4[%mul3A_15, %dma_start3A_16] : memref<4000x80xi32, #tpu.memory_space<hbm>> -> memref<125x80xi32, #tpu.memory_space<hbm>>
    %dma_start3A_18 = arith.constant 0 : i32
    %dma_start3A_19 = tpu.memref_slice %arg4[%mul3A_15, %dma_start3A_18] : memref<4000x80xi32, #tpu.memory_space<hbm>> -> memref<125x80xi32, #tpu.memory_space<hbm>>
    tpu.enqueue_dma source(%dma_start3A_19 : memref<125x80xi32, #tpu.memory_space<hbm>>) target(%arg8 : memref<125x80xi32, #tpu.memory_space<vmem>>) target_semaphore(%arg26 : memref<!tpu.dma_semaphore, #tpu.memory_space<semaphore_mem>>)
    %dma_wait3A = arith.constant 0 : i32
    %dma_wait3A_20 = tpu.memref_slice %arg17[%mul3A_4, %dma_wait3A] : memref<10016x128xbf16, #tpu.memory_space<vmem_shared>> -> memref<626x128xbf16, #tpu.memory_space<vmem_shared>>
    %dma_wait3A_21 = arith.constant 0 : i32
    %dma_wait3A_22 = tpu.memref_slice %arg5[%mul3A_2, %dma_wait3A_21] : memref<10016x128xbf16, #tpu.memory_space<hbm>> -> memref<626x128xbf16, #tpu.memory_space<hbm>>
    tpu.wait_dma2 semaphore(%arg18 : memref<!tpu.dma_semaphore, #tpu.memory_space<semaphore_mem>>) src(%dma_wait3A_22 : memref<626x128xbf16, #tpu.memory_space<hbm>>) dst(%dma_wait3A_20 : memref<626x128xbf16, #tpu.memory_space<vmem_shared>>)
    %dma_wait3A_23 = arith.constant 0 : i32
    %dma_wait3A_24 = tpu.memref_slice %arg3[%mul3A_9, %dma_wait3A_23] : memref<4000x80xi32, #tpu.memory_space<hbm>> -> memref<125x80xi32, #tpu.memory_space<hbm>>
    %dma_wait3A_25 = arith.constant 0 : i32
    %dma_wait3A_26 = tpu.memref_slice %arg3[%mul3A_9, %dma_wait3A_25] : memref<4000x80xi32, #tpu.memory_space<hbm>> -> memref<125x80xi32, #tpu.memory_space<hbm>>
    tpu.wait_dma2 semaphore(%arg19 : memref<!tpu.dma_semaphore, #tpu.memory_space<semaphore_mem>>) src(%dma_wait3A_26 : memref<125x80xi32, #tpu.memory_space<hbm>>) dst(%arg7 : memref<125x80xi32, #tpu.memory_space<vmem>>)
    %dma_wait3A_27 = arith.constant 0 : i32
    %dma_wait3A_28 = tpu.memref_slice %arg4[%mul3A_15, %dma_wait3A_27] : memref<4000x80xi32, #tpu.memory_space<hbm>> -> memref<125x80xi32, #tpu.memory_space<hbm>>
    %dma_wait3A_29 = arith.constant 0 : i32
    %dma_wait3A_30 = tpu.memref_slice %arg4[%mul3A_15, %dma_wait3A_29] : memref<4000x80xi32, #tpu.memory_space<hbm>> -> memref<125x80xi32, #tpu.memory_space<hbm>>
    tpu.wait_dma2 semaphore(%arg26 : memref<!tpu.dma_semaphore, #tpu.memory_space<semaphore_mem>>) src(%dma_wait3A_30 : memref<125x80xi32, #tpu.memory_space<hbm>>) dst(%arg8 : memref<125x80xi32, #tpu.memory_space<vmem>>)
    %barrier3A = arith.constant 0 : index
    tpu.barrier barrier_id(%barrier3A)
    %dma_start3A_31 = arith.constant 0 : i32
    %dma_start3A_32 = arith.constant 0 : i32
    %dma_start3A_33 = tpu.memref_slice %arg7[%dma_start3A_31, %dma_start3A_32] : memref<125x80xi32, #tpu.memory_space<vmem>> -> memref<1x80xi32, #tpu.memory_space<vmem>>
    %dma_start3A_34 = tpu.memref_squeeze %dma_start3A_33 : memref<1x80xi32, #tpu.memory_space<vmem>> -> memref<80xi32, #tpu.memory_space<vmem>>
    %dma_start3A_35 = arith.constant 0 : i32
    %dma_start3A_36 = arith.constant 0 : i32
    %dma_start3A_37 = tpu.memref_slice %arg2[%dma_start3A_35, %dma_start3A_36] : memref<10000x128xbf16, #tpu.memory_space<hbm>> -> memref<10000x128xbf16, #tpu.memory_space<hbm>>
    tpu.enqueue_indirect_dma source(%dma_start3A_37 : memref<10000x128xbf16, #tpu.memory_space<hbm>>) target(%arg9 : memref<80x128xbf16, #tpu.memory_space<vmem>>) offsets(%dma_start3A_34 : memref<80xi32, #tpu.memory_space<vmem>>) semaphore(%arg18 : memref<!tpu.dma_semaphore, #tpu.memory_space<semaphore_mem>>)
    %dma_start3A_38 = arith.constant 1 : i32
    %dma_start3A_39 = arith.constant 0 : i32
    %dma_start3A_40 = tpu.memref_slice %arg7[%dma_start3A_38, %dma_start3A_39] : memref<125x80xi32, #tpu.memory_space<vmem>> -> memref<1x80xi32, #tpu.memory_space<vmem>>
    %dma_start3A_41 = tpu.memref_squeeze %dma_start3A_40 : memref<1x80xi32, #tpu.memory_space<vmem>> -> memref<80xi32, #tpu.memory_space<vmem>>
    %dma_start3A_42 = arith.constant 0 : i32
    %dma_start3A_43 = arith.constant 0 : i32
    %dma_start3A_44 = tpu.memref_slice %arg2[%dma_start3A_42, %dma_start3A_43] : memref<10000x128xbf16, #tpu.memory_space<hbm>> -> memref<10000x128xbf16, #tpu.memory_space<hbm>>
    tpu.enqueue_indirect_dma source(%dma_start3A_44 : memref<10000x128xbf16, #tpu.memory_space<hbm>>) target(%arg10 : memref<80x128xbf16, #tpu.memory_space<vmem>>) offsets(%dma_start3A_41 : memref<80xi32, #tpu.memory_space<vmem>>) semaphore(%arg19 : memref<!tpu.dma_semaphore, #tpu.memory_space<semaphore_mem>>)
    %dma_start3A_45 = arith.constant 2 : i32
    %dma_start3A_46 = arith.constant 0 : i32
    %dma_start3A_47 = tpu.memref_slice %arg7[%dma_start3A_45, %dma_start3A_46] : memref<125x80xi32, #tpu.memory_space<vmem>> -> memref<1x80xi32, #tpu.memory_space<vmem>>
    %dma_start3A_48 = tpu.memref_squeeze %dma_start3A_47 : memref<1x80xi32, #tpu.memory_space<vmem>> -> memref<80xi32, #tpu.memory_space<vmem>>
    %dma_start3A_49 = arith.constant 0 : i32
    %dma_start3A_50 = arith.constant 0 : i32
    %dma_start3A_51 = tpu.memref_slice %arg2[%dma_start3A_49, %dma_start3A_50] : memref<10000x128xbf16, #tpu.memory_space<hbm>> -> memref<10000x128xbf16, #tpu.memory_space<hbm>>
    tpu.enqueue_indirect_dma source(%dma_start3A_51 : memref<10000x128xbf16, #tpu.memory_space<hbm>>) target(%arg11 : memref<80x128xbf16, #tpu.memory_space<vmem>>) offsets(%dma_start3A_48 : memref<80xi32, #tpu.memory_space<vmem>>) semaphore(%arg20 : memref<!tpu.dma_semaphore, #tpu.memory_space<semaphore_mem>>)
    %dma_start3A_52 = arith.constant 3 : i32
    %dma_start3A_53 = arith.constant 0 : i32
    %dma_start3A_54 = tpu.memref_slice %arg7[%dma_start3A_52, %dma_start3A_53] : memref<125x80xi32, #tpu.memory_space<vmem>> -> memref<1x80xi32, #tpu.memory_space<vmem>>
    %dma_start3A_55 = tpu.memref_squeeze %dma_start3A_54 : memref<1x80xi32, #tpu.memory_space<vmem>> -> memref<80xi32, #tpu.memory_space<vmem>>
    %dma_start3A_56 = arith.constant 0 : i32
    %dma_start3A_57 = arith.constant 0 : i32
    %dma_start3A_58 = tpu.memref_slice %arg2[%dma_start3A_56, %dma_start3A_57] : memref<10000x128xbf16, #tpu.memory_space<hbm>> -> memref<10000x128xbf16, #tpu.memory_space<hbm>>
    tpu.enqueue_indirect_dma source(%dma_start3A_58 : memref<10000x128xbf16, #tpu.memory_space<hbm>>) target(%arg12 : memref<80x128xbf16, #tpu.memory_space<vmem>>) offsets(%dma_start3A_55 : memref<80xi32, #tpu.memory_space<vmem>>) semaphore(%arg21 : memref<!tpu.dma_semaphore, #tpu.memory_space<semaphore_mem>>)
    %dma_start3A_59 = arith.constant 4 : i32
    %dma_start3A_60 = arith.constant 0 : i32
    %dma_start3A_61 = tpu.memref_slice %arg7[%dma_start3A_59, %dma_start3A_60] : memref<125x80xi32, #tpu.memory_space<vmem>> -> memref<1x80xi32, #tpu.memory_space<vmem>>
    %dma_start3A_62 = tpu.memref_squeeze %dma_start3A_61 : memref<1x80xi32, #tpu.memory_space<vmem>> -> memref<80xi32, #tpu.memory_space<vmem>>
    %dma_start3A_63 = arith.constant 0 : i32
    %dma_start3A_64 = arith.constant 0 : i32
    %dma_start3A_65 = tpu.memref_slice %arg2[%dma_start3A_63, %dma_start3A_64] : memref<10000x128xbf16, #tpu.memory_space<hbm>> -> memref<10000x128xbf16, #tpu.memory_space<hbm>>
    tpu.enqueue_indirect_dma source(%dma_start3A_65 : memref<10000x128xbf16, #tpu.memory_space<hbm>>) target(%arg13 : memref<80x128xbf16, #tpu.memory_space<vmem>>) offsets(%dma_start3A_62 : memref<80xi32, #tpu.memory_space<vmem>>) semaphore(%arg22 : memref<!tpu.dma_semaphore, #tpu.memory_space<semaphore_mem>>)
    %dma_start3A_66 = arith.constant 5 : i32
    %dma_start3A_67 = arith.constant 0 : i32
    %dma_start3A_68 = tpu.memref_slice %arg7[%dma_start3A_66, %dma_start3A_67] : memref<125x80xi32, #tpu.memory_space<vmem>> -> memref<1x80xi32, #tpu.memory_space<vmem>>
    %dma_start3A_69 = tpu.memref_squeeze %dma_start3A_68 : memref<1x80xi32, #tpu.memory_space<vmem>> -> memref<80xi32, #tpu.memory_space<vmem>>
    %dma_start3A_70 = arith.constant 0 : i32
    %dma_start3A_71 = arith.constant 0 : i32
    %dma_start3A_72 = tpu.memref_slice %arg2[%dma_start3A_70, %dma_start3A_71] : memref<10000x128xbf16, #tpu.memory_space<hbm>> -> memref<10000x128xbf16, #tpu.memory_space<hbm>>
    tpu.enqueue_indirect_dma source(%dma_start3A_72 : memref<10000x128xbf16, #tpu.memory_space<hbm>>) target(%arg14 : memref<80x128xbf16, #tpu.memory_space<vmem>>) offsets(%dma_start3A_69 : memref<80xi32, #tpu.memory_space<vmem>>) semaphore(%arg23 : memref<!tpu.dma_semaphore, #tpu.memory_space<semaphore_mem>>)
    %dma_start3A_73 = arith.constant 6 : i32
    %dma_start3A_74 = arith.constant 0 : i32
    %dma_start3A_75 = tpu.memref_slice %arg7[%dma_start3A_73, %dma_start3A_74] : memref<125x80xi32, #tpu.memory_space<vmem>> -> memref<1x80xi32, #tpu.memory_space<vmem>>
    %dma_start3A_76 = tpu.memref_squeeze %dma_start3A_75 : memref<1x80xi32, #tpu.memory_space<vmem>> -> memref<80xi32, #tpu.memory_space<vmem>>
    %dma_start3A_77 = arith.constant 0 : i32
    %dma_start3A_78 = arith.constant 0 : i32
    %dma_start3A_79 = tpu.memref_slice %arg2[%dma_start3A_77, %dma_start3A_78] : memref<10000x128xbf16, #tpu.memory_space<hbm>> -> memref<10000x128xbf16, #tpu.memory_space<hbm>>
    tpu.enqueue_indirect_dma source(%dma_start3A_79 : memref<10000x128xbf16, #tpu.memory_space<hbm>>) target(%arg15 : memref<80x128xbf16, #tpu.memory_space<vmem>>) offsets(%dma_start3A_76 : memref<80xi32, #tpu.memory_space<vmem>>) semaphore(%arg24 : memref<!tpu.dma_semaphore, #tpu.memory_space<semaphore_mem>>)
    %scan3A = arith.constant 0 : i32
    %scan3A_80 = arith.constant 0 : i32
    %scan3A_81 = arith.constant 16 : i32
    %scan3A_82 = arith.addi %scan3A_80, %scan3A_81 : i32
    %scan3A_83 = arith.constant 1 : i32
    scf.for %scan3A_90 = %scan3A_80 to %scan3A_82 step %scan3A_83  : i32 {
      %mul3A_91 = arith.constant 8 : i32
      %mul3A_92 = arith.muli %scan3A_90, %mul3A_91 : i32
      %add3A_93 = arith.constant 0 : i32
      %add3A_94 = arith.addi %mul3A_92, %add3A_93 : i32
      %lt3A = arith.constant 125 : i32
      %lt3A_95 = arith.cmpi slt, %add3A_94, %lt3A : i32
      %convert_element_type3A = arith.extui %lt3A_95 : i1 to i32
      %cond3A = arith.constant 0 : i32
      %cond3A_96 = arith.cmpi ne, %convert_element_type3A, %cond3A : i32
      scf.if %cond3A_96 {
        %dma_wait3A_277 = arith.constant 0 : i32
        %dma_wait3A_278 = tpu.memref_slice %arg7[%add3A_94, %dma_wait3A_277] : memref<125x80xi32, #tpu.memory_space<vmem>> -> memref<1x80xi32, #tpu.memory_space<vmem>>
        %dma_wait3A_279 = tpu.memref_squeeze %dma_wait3A_278 : memref<1x80xi32, #tpu.memory_space<vmem>> -> memref<80xi32, #tpu.memory_space<vmem>>
        %dma_wait3A_280 = arith.constant 0 : i32
        %dma_wait3A_281 = arith.constant 0 : i32
        %dma_wait3A_282 = tpu.memref_slice %arg2[%dma_wait3A_280, %dma_wait3A_281] : memref<10000x128xbf16, #tpu.memory_space<hbm>> -> memref<10000x128xbf16, #tpu.memory_space<hbm>>
        tpu.wait_indirect_dma semaphore(%arg18 : memref<!tpu.dma_semaphore, #tpu.memory_space<semaphore_mem>>) src(%dma_wait3A_282 : memref<10000x128xbf16, #tpu.memory_space<hbm>>) dst(%arg9 : memref<80x128xbf16, #tpu.memory_space<vmem>>)
        %dma_start3A_283 = arith.constant 0 : i32
        %dma_start3A_284 = tpu.memref_slice %arg8[%add3A_94, %dma_start3A_283] : memref<125x80xi32, #tpu.memory_space<vmem>> -> memref<1x80xi32, #tpu.memory_space<vmem>>
        %dma_start3A_285 = tpu.memref_squeeze %dma_start3A_284 : memref<1x80xi32, #tpu.memory_space<vmem>> -> memref<80xi32, #tpu.memory_space<vmem>>
        %dma_start3A_286 = arith.constant 0 : i32
        %dma_start3A_287 = arith.constant 0 : i32
        %dma_start3A_288 = tpu.memref_slice %arg17[%dma_start3A_286, %dma_start3A_287] : memref<10016x128xbf16, #tpu.memory_space<vmem_shared>> -> memref<10016x128xbf16, #tpu.memory_space<vmem_shared>>
        tpu.enqueue_indirect_dma source(%arg9 : memref<80x128xbf16, #tpu.memory_space<vmem>>) target(%dma_start3A_288 : memref<10016x128xbf16, #tpu.memory_space<vmem_shared>>) offsets(%dma_start3A_285 : memref<80xi32, #tpu.memory_space<vmem>>) semaphore(%arg26 : memref<!tpu.dma_semaphore, #tpu.memory_space<semaphore_mem>>) {add = true}
      } else {
      }
      %ge3A = arith.constant 1 : i32
      %ge3A_97 = arith.cmpi sge, %add3A_94, %ge3A : i32
      %le3A = arith.constant 125 : i32
      %le3A_98 = arith.cmpi sle, %add3A_94, %le3A : i32
      %and3A = arith.andi %ge3A_97, %le3A_98 : i1
      %convert_element_type3A_99 = arith.extui %and3A : i1 to i32
      %cond3A_100 = arith.constant 0 : i32
      %cond3A_101 = arith.cmpi ne, %convert_element_type3A_99, %cond3A_100 : i32
      scf.if %cond3A_101 {
        %sub3A = arith.constant 1 : i32
        %sub3A_277 = arith.subi %add3A_94, %sub3A : i32
        %dma_wait3A_278 = arith.constant 0 : i32
        %dma_wait3A_279 = tpu.memref_slice %arg8[%sub3A_277, %dma_wait3A_278] : memref<125x80xi32, #tpu.memory_space<vmem>> -> memref<1x80xi32, #tpu.memory_space<vmem>>
        %dma_wait3A_280 = tpu.memref_squeeze %dma_wait3A_279 : memref<1x80xi32, #tpu.memory_space<vmem>> -> memref<80xi32, #tpu.memory_space<vmem>>
        %dma_wait3A_281 = arith.constant 0 : i32
        %dma_wait3A_282 = arith.constant 0 : i32
        %dma_wait3A_283 = tpu.memref_slice %arg17[%dma_wait3A_281, %dma_wait3A_282] : memref<10016x128xbf16, #tpu.memory_space<vmem_shared>> -> memref<10016x128xbf16, #tpu.memory_space<vmem_shared>>
        tpu.wait_indirect_dma semaphore(%arg33 : memref<!tpu.dma_semaphore, #tpu.memory_space<semaphore_mem>>) src(%arg16 : memref<80x128xbf16, #tpu.memory_space<vmem>>) dst(%dma_wait3A_283 : memref<10016x128xbf16, #tpu.memory_space<vmem_shared>>)
      } else {
      }
      %add3A_102 = arith.constant 7 : i32
      %add3A_103 = arith.addi %add3A_94, %add3A_102 : i32
      %lt3A_104 = arith.constant 125 : i32
      %lt3A_105 = arith.cmpi slt, %add3A_103, %lt3A_104 : i32
      %convert_element_type3A_106 = arith.extui %lt3A_105 : i1 to i32
      %cond3A_107 = arith.constant 0 : i32
      %cond3A_108 = arith.cmpi ne, %convert_element_type3A_106, %cond3A_107 : i32
      scf.if %cond3A_108 {
        %add3A_277 = arith.constant 7 : i32
        %add3A_278 = arith.addi %add3A_94, %add3A_277 : i32
        %dma_start3A_279 = arith.constant 0 : i32
        %dma_start3A_280 = tpu.memref_slice %arg7[%add3A_278, %dma_start3A_279] : memref<125x80xi32, #tpu.memory_space<vmem>> -> memref<1x80xi32, #tpu.memory_space<vmem>>
        %dma_start3A_281 = tpu.memref_squeeze %dma_start3A_280 : memref<1x80xi32, #tpu.memory_space<vmem>> -> memref<80xi32, #tpu.memory_space<vmem>>
        %dma_start3A_282 = arith.constant 0 : i32
        %dma_start3A_283 = arith.constant 0 : i32
        %dma_start3A_284 = tpu.memref_slice %arg2[%dma_start3A_282, %dma_start3A_283] : memref<10000x128xbf16, #tpu.memory_space<hbm>> -> memref<10000x128xbf16, #tpu.memory_space<hbm>>
        tpu.enqueue_indirect_dma source(%dma_start3A_284 : memref<10000x128xbf16, #tpu.memory_space<hbm>>) target(%arg16 : memref<80x128xbf16, #tpu.memory_space<vmem>>) offsets(%dma_start3A_281 : memref<80xi32, #tpu.memory_space<vmem>>) semaphore(%arg25 : memref<!tpu.dma_semaphore, #tpu.memory_space<semaphore_mem>>)
      } else {
      }
      %mul3A_109 = arith.constant 8 : i32
      %mul3A_110 = arith.muli %scan3A_90, %mul3A_109 : i32
      %add3A_111 = arith.constant 1 : i32
      %add3A_112 = arith.addi %mul3A_110, %add3A_111 : i32
      %lt3A_113 = arith.constant 125 : i32
      %lt3A_114 = arith.cmpi slt, %add3A_112, %lt3A_113 : i32
      %convert_element_type3A_115 = arith.extui %lt3A_114 : i1 to i32
      %cond3A_116 = arith.constant 0 : i32
      %cond3A_117 = arith.cmpi ne, %convert_element_type3A_115, %cond3A_116 : i32
      scf.if %cond3A_117 {
        %dma_wait3A_277 = arith.constant 0 : i32
        %dma_wait3A_278 = tpu.memref_slice %arg7[%add3A_112, %dma_wait3A_277] : memref<125x80xi32, #tpu.memory_space<vmem>> -> memref<1x80xi32, #tpu.memory_space<vmem>>
        %dma_wait3A_279 = tpu.memref_squeeze %dma_wait3A_278 : memref<1x80xi32, #tpu.memory_space<vmem>> -> memref<80xi32, #tpu.memory_space<vmem>>
        %dma_wait3A_280 = arith.constant 0 : i32
        %dma_wait3A_281 = arith.constant 0 : i32
        %dma_wait3A_282 = tpu.memref_slice %arg2[%dma_wait3A_280, %dma_wait3A_281] : memref<10000x128xbf16, #tpu.memory_space<hbm>> -> memref<10000x128xbf16, #tpu.memory_space<hbm>>
        tpu.wait_indirect_dma semaphore(%arg19 : memref<!tpu.dma_semaphore, #tpu.memory_space<semaphore_mem>>) src(%dma_wait3A_282 : memref<10000x128xbf16, #tpu.memory_space<hbm>>) dst(%arg10 : memref<80x128xbf16, #tpu.memory_space<vmem>>)
        %dma_start3A_283 = arith.constant 0 : i32
        %dma_start3A_284 = tpu.memref_slice %arg8[%add3A_112, %dma_start3A_283] : memref<125x80xi32, #tpu.memory_space<vmem>> -> memref<1x80xi32, #tpu.memory_space<vmem>>
        %dma_start3A_285 = tpu.memref_squeeze %dma_start3A_284 : memref<1x80xi32, #tpu.memory_space<vmem>> -> memref<80xi32, #tpu.memory_space<vmem>>
        %dma_start3A_286 = arith.constant 0 : i32
        %dma_start3A_287 = arith.constant 0 : i32
        %dma_start3A_288 = tpu.memref_slice %arg17[%dma_start3A_286, %dma_start3A_287] : memref<10016x128xbf16, #tpu.memory_space<vmem_shared>> -> memref<10016x128xbf16, #tpu.memory_space<vmem_shared>>
        tpu.enqueue_indirect_dma source(%arg10 : memref<80x128xbf16, #tpu.memory_space<vmem>>) target(%dma_start3A_288 : memref<10016x128xbf16, #tpu.memory_space<vmem_shared>>) offsets(%dma_start3A_285 : memref<80xi32, #tpu.memory_space<vmem>>) semaphore(%arg27 : memref<!tpu.dma_semaphore, #tpu.memory_space<semaphore_mem>>) {add = true}
      } else {
      }
      %ge3A_118 = arith.constant 1 : i32
      %ge3A_119 = arith.cmpi sge, %add3A_112, %ge3A_118 : i32
      %le3A_120 = arith.constant 125 : i32
      %le3A_121 = arith.cmpi sle, %add3A_112, %le3A_120 : i32
      %and3A_122 = arith.andi %ge3A_119, %le3A_121 : i1
      %convert_element_type3A_123 = arith.extui %and3A_122 : i1 to i32
      %cond3A_124 = arith.constant 0 : i32
      %cond3A_125 = arith.cmpi ne, %convert_element_type3A_123, %cond3A_124 : i32
      scf.if %cond3A_125 {
        %sub3A = arith.constant 1 : i32
        %sub3A_277 = arith.subi %add3A_112, %sub3A : i32
        %dma_wait3A_278 = arith.constant 0 : i32
        %dma_wait3A_279 = tpu.memref_slice %arg8[%sub3A_277, %dma_wait3A_278] : memref<125x80xi32, #tpu.memory_space<vmem>> -> memref<1x80xi32, #tpu.memory_space<vmem>>
        %dma_wait3A_280 = tpu.memref_squeeze %dma_wait3A_279 : memref<1x80xi32, #tpu.memory_space<vmem>> -> memref<80xi32, #tpu.memory_space<vmem>>
        %dma_wait3A_281 = arith.constant 0 : i32
        %dma_wait3A_282 = arith.constant 0 : i32
        %dma_wait3A_283 = tpu.memref_slice %arg17[%dma_wait3A_281, %dma_wait3A_282] : memref<10016x128xbf16, #tpu.memory_space<vmem_shared>> -> memref<10016x128xbf16, #tpu.memory_space<vmem_shared>>
        tpu.wait_indirect_dma semaphore(%arg26 : memref<!tpu.dma_semaphore, #tpu.memory_space<semaphore_mem>>) src(%arg9 : memref<80x128xbf16, #tpu.memory_space<vmem>>) dst(%dma_wait3A_283 : memref<10016x128xbf16, #tpu.memory_space<vmem_shared>>)
      } else {
      }
      %add3A_126 = arith.constant 7 : i32
      %add3A_127 = arith.addi %add3A_112, %add3A_126 : i32
      %lt3A_128 = arith.constant 125 : i32
      %lt3A_129 = arith.cmpi slt, %add3A_127, %lt3A_128 : i32
      %convert_element_type3A_130 = arith.extui %lt3A_129 : i1 to i32
      %cond3A_131 = arith.constant 0 : i32
      %cond3A_132 = arith.cmpi ne, %convert_element_type3A_130, %cond3A_131 : i32
      scf.if %cond3A_132 {
        %add3A_277 = arith.constant 7 : i32
        %add3A_278 = arith.addi %add3A_112, %add3A_277 : i32
        %dma_start3A_279 = arith.constant 0 : i32
        %dma_start3A_280 = tpu.memref_slice %arg7[%add3A_278, %dma_start3A_279] : memref<125x80xi32, #tpu.memory_space<vmem>> -> memref<1x80xi32, #tpu.memory_space<vmem>>
        %dma_start3A_281 = tpu.memref_squeeze %dma_start3A_280 : memref<1x80xi32, #tpu.memory_space<vmem>> -> memref<80xi32, #tpu.memory_space<vmem>>
        %dma_start3A_282 = arith.constant 0 : i32
        %dma_start3A_283 = arith.constant 0 : i32
        %dma_start3A_284 = tpu.memref_slice %arg2[%dma_start3A_282, %dma_start3A_283] : memref<10000x128xbf16, #tpu.memory_space<hbm>> -> memref<10000x128xbf16, #tpu.memory_space<hbm>>
        tpu.enqueue_indirect_dma source(%dma_start3A_284 : memref<10000x128xbf16, #tpu.memory_space<hbm>>) target(%arg9 : memref<80x128xbf16, #tpu.memory_space<vmem>>) offsets(%dma_start3A_281 : memref<80xi32, #tpu.memory_space<vmem>>) semaphore(%arg18 : memref<!tpu.dma_semaphore, #tpu.memory_space<semaphore_mem>>)
      } else {
      }
      %mul3A_133 = arith.constant 8 : i32
      %mul3A_134 = arith.muli %scan3A_90, %mul3A_133 : i32
      %add3A_135 = arith.constant 2 : i32
      %add3A_136 = arith.addi %mul3A_134, %add3A_135 : i32
      %lt3A_137 = arith.constant 125 : i32
      %lt3A_138 = arith.cmpi slt, %add3A_136, %lt3A_137 : i32
      %convert_element_type3A_139 = arith.extui %lt3A_138 : i1 to i32
      %cond3A_140 = arith.constant 0 : i32
      %cond3A_141 = arith.cmpi ne, %convert_element_type3A_139, %cond3A_140 : i32
      scf.if %cond3A_141 {
        %dma_wait3A_277 = arith.constant 0 : i32
        %dma_wait3A_278 = tpu.memref_slice %arg7[%add3A_136, %dma_wait3A_277] : memref<125x80xi32, #tpu.memory_space<vmem>> -> memref<1x80xi32, #tpu.memory_space<vmem>>
        %dma_wait3A_279 = tpu.memref_squeeze %dma_wait3A_278 : memref<1x80xi32, #tpu.memory_space<vmem>> -> memref<80xi32, #tpu.memory_space<vmem>>
        %dma_wait3A_280 = arith.constant 0 : i32
        %dma_wait3A_281 = arith.constant 0 : i32
        %dma_wait3A_282 = tpu.memref_slice %arg2[%dma_wait3A_280, %dma_wait3A_281] : memref<10000x128xbf16, #tpu.memory_space<hbm>> -> memref<10000x128xbf16, #tpu.memory_space<hbm>>
        tpu.wait_indirect_dma semaphore(%arg20 : memref<!tpu.dma_semaphore, #tpu.memory_space<semaphore_mem>>) src(%dma_wait3A_282 : memref<10000x128xbf16, #tpu.memory_space<hbm>>) dst(%arg11 : memref<80x128xbf16, #tpu.memory_space<vmem>>)
        %dma_start3A_283 = arith.constant 0 : i32
        %dma_start3A_284 = tpu.memref_slice %arg8[%add3A_136, %dma_start3A_283] : memref<125x80xi32, #tpu.memory_space<vmem>> -> memref<1x80xi32, #tpu.memory_space<vmem>>
        %dma_start3A_285 = tpu.memref_squeeze %dma_start3A_284 : memref<1x80xi32, #tpu.memory_space<vmem>> -> memref<80xi32, #tpu.memory_space<vmem>>
        %dma_start3A_286 = arith.constant 0 : i32
        %dma_start3A_287 = arith.constant 0 : i32
        %dma_start3A_288 = tpu.memref_slice %arg17[%dma_start3A_286, %dma_start3A_287] : memref<10016x128xbf16, #tpu.memory_space<vmem_shared>> -> memref<10016x128xbf16, #tpu.memory_space<vmem_shared>>
        tpu.enqueue_indirect_dma source(%arg11 : memref<80x128xbf16, #tpu.memory_space<vmem>>) target(%dma_start3A_288 : memref<10016x128xbf16, #tpu.memory_space<vmem_shared>>) offsets(%dma_start3A_285 : memref<80xi32, #tpu.memory_space<vmem>>) semaphore(%arg28 : memref<!tpu.dma_semaphore, #tpu.memory_space<semaphore_mem>>) {add = true}
      } else {
      }
      %ge3A_142 = arith.constant 1 : i32
      %ge3A_143 = arith.cmpi sge, %add3A_136, %ge3A_142 : i32
      %le3A_144 = arith.constant 125 : i32
      %le3A_145 = arith.cmpi sle, %add3A_136, %le3A_144 : i32
      %and3A_146 = arith.andi %ge3A_143, %le3A_145 : i1
      %convert_element_type3A_147 = arith.extui %and3A_146 : i1 to i32
      %cond3A_148 = arith.constant 0 : i32
      %cond3A_149 = arith.cmpi ne, %convert_element_type3A_147, %cond3A_148 : i32
      scf.if %cond3A_149 {
        %sub3A = arith.constant 1 : i32
        %sub3A_277 = arith.subi %add3A_136, %sub3A : i32
        %dma_wait3A_278 = arith.constant 0 : i32
        %dma_wait3A_279 = tpu.memref_slice %arg8[%sub3A_277, %dma_wait3A_278] : memref<125x80xi32, #tpu.memory_space<vmem>> -> memref<1x80xi32, #tpu.memory_space<vmem>>
        %dma_wait3A_280 = tpu.memref_squeeze %dma_wait3A_279 : memref<1x80xi32, #tpu.memory_space<vmem>> -> memref<80xi32, #tpu.memory_space<vmem>>
        %dma_wait3A_281 = arith.constant 0 : i32
        %dma_wait3A_282 = arith.constant 0 : i32
        %dma_wait3A_283 = tpu.memref_slice %arg17[%dma_wait3A_281, %dma_wait3A_282] : memref<10016x128xbf16, #tpu.memory_space<vmem_shared>> -> memref<10016x128xbf16, #tpu.memory_space<vmem_shared>>
        tpu.wait_indirect_dma semaphore(%arg27 : memref<!tpu.dma_semaphore, #tpu.memory_space<semaphore_mem>>) src(%arg10 : memref<80x128xbf16, #tpu.memory_space<vmem>>) dst(%dma_wait3A_283 : memref<10016x128xbf16, #tpu.memory_space<vmem_shared>>)
      } else {
      }
      %add3A_150 = arith.constant 7 : i32
      %add3A_151 = arith.addi %add3A_136, %add3A_150 : i32
      %lt3A_152 = arith.constant 125 : i32
      %lt3A_153 = arith.cmpi slt, %add3A_151, %lt3A_152 : i32
      %convert_element_type3A_154 = arith.extui %lt3A_153 : i1 to i32
      %cond3A_155 = arith.constant 0 : i32
      %cond3A_156 = arith.cmpi ne, %convert_element_type3A_154, %cond3A_155 : i32
      scf.if %cond3A_156 {
        %add3A_277 = arith.constant 7 : i32
        %add3A_278 = arith.addi %add3A_136, %add3A_277 : i32
        %dma_start3A_279 = arith.constant 0 : i32
        %dma_start3A_280 = tpu.memref_slice %arg7[%add3A_278, %dma_start3A_279] : memref<125x80xi32, #tpu.memory_space<vmem>> -> memref<1x80xi32, #tpu.memory_space<vmem>>
        %dma_start3A_281 = tpu.memref_squeeze %dma_start3A_280 : memref<1x80xi32, #tpu.memory_space<vmem>> -> memref<80xi32, #tpu.memory_space<vmem>>
        %dma_start3A_282 = arith.constant 0 : i32
        %dma_start3A_283 = arith.constant 0 : i32
        %dma_start3A_284 = tpu.memref_slice %arg2[%dma_start3A_282, %dma_start3A_283] : memref<10000x128xbf16, #tpu.memory_space<hbm>> -> memref<10000x128xbf16, #tpu.memory_space<hbm>>
        tpu.enqueue_indirect_dma source(%dma_start3A_284 : memref<10000x128xbf16, #tpu.memory_space<hbm>>) target(%arg10 : memref<80x128xbf16, #tpu.memory_space<vmem>>) offsets(%dma_start3A_281 : memref<80xi32, #tpu.memory_space<vmem>>) semaphore(%arg19 : memref<!tpu.dma_semaphore, #tpu.memory_space<semaphore_mem>>)
      } else {
      }
      %mul3A_157 = arith.constant 8 : i32
      %mul3A_158 = arith.muli %scan3A_90, %mul3A_157 : i32
      %add3A_159 = arith.constant 3 : i32
      %add3A_160 = arith.addi %mul3A_158, %add3A_159 : i32
      %lt3A_161 = arith.constant 125 : i32
      %lt3A_162 = arith.cmpi slt, %add3A_160, %lt3A_161 : i32
      %convert_element_type3A_163 = arith.extui %lt3A_162 : i1 to i32
      %cond3A_164 = arith.constant 0 : i32
      %cond3A_165 = arith.cmpi ne, %convert_element_type3A_163, %cond3A_164 : i32
      scf.if %cond3A_165 {
        %dma_wait3A_277 = arith.constant 0 : i32
        %dma_wait3A_278 = tpu.memref_slice %arg7[%add3A_160, %dma_wait3A_277] : memref<125x80xi32, #tpu.memory_space<vmem>> -> memref<1x80xi32, #tpu.memory_space<vmem>>
        %dma_wait3A_279 = tpu.memref_squeeze %dma_wait3A_278 : memref<1x80xi32, #tpu.memory_space<vmem>> -> memref<80xi32, #tpu.memory_space<vmem>>
        %dma_wait3A_280 = arith.constant 0 : i32
        %dma_wait3A_281 = arith.constant 0 : i32
        %dma_wait3A_282 = tpu.memref_slice %arg2[%dma_wait3A_280, %dma_wait3A_281] : memref<10000x128xbf16, #tpu.memory_space<hbm>> -> memref<10000x128xbf16, #tpu.memory_space<hbm>>
        tpu.wait_indirect_dma semaphore(%arg21 : memref<!tpu.dma_semaphore, #tpu.memory_space<semaphore_mem>>) src(%dma_wait3A_282 : memref<10000x128xbf16, #tpu.memory_space<hbm>>) dst(%arg12 : memref<80x128xbf16, #tpu.memory_space<vmem>>)
        %dma_start3A_283 = arith.constant 0 : i32
        %dma_start3A_284 = tpu.memref_slice %arg8[%add3A_160, %dma_start3A_283] : memref<125x80xi32, #tpu.memory_space<vmem>> -> memref<1x80xi32, #tpu.memory_space<vmem>>
        %dma_start3A_285 = tpu.memref_squeeze %dma_start3A_284 : memref<1x80xi32, #tpu.memory_space<vmem>> -> memref<80xi32, #tpu.memory_space<vmem>>
        %dma_start3A_286 = arith.constant 0 : i32
        %dma_start3A_287 = arith.constant 0 : i32
        %dma_start3A_288 = tpu.memref_slice %arg17[%dma_start3A_286, %dma_start3A_287] : memref<10016x128xbf16, #tpu.memory_space<vmem_shared>> -> memref<10016x128xbf16, #tpu.memory_space<vmem_shared>>
        tpu.enqueue_indirect_dma source(%arg12 : memref<80x128xbf16, #tpu.memory_space<vmem>>) target(%dma_start3A_288 : memref<10016x128xbf16, #tpu.memory_space<vmem_shared>>) offsets(%dma_start3A_285 : memref<80xi32, #tpu.memory_space<vmem>>) semaphore(%arg29 : memref<!tpu.dma_semaphore, #tpu.memory_space<semaphore_mem>>) {add = true}
      } else {
      }
      %ge3A_166 = arith.constant 1 : i32
      %ge3A_167 = arith.cmpi sge, %add3A_160, %ge3A_166 : i32
      %le3A_168 = arith.constant 125 : i32
      %le3A_169 = arith.cmpi sle, %add3A_160, %le3A_168 : i32
      %and3A_170 = arith.andi %ge3A_167, %le3A_169 : i1
      %convert_element_type3A_171 = arith.extui %and3A_170 : i1 to i32
      %cond3A_172 = arith.constant 0 : i32
      %cond3A_173 = arith.cmpi ne, %convert_element_type3A_171, %cond3A_172 : i32
      scf.if %cond3A_173 {
        %sub3A = arith.constant 1 : i32
        %sub3A_277 = arith.subi %add3A_160, %sub3A : i32
        %dma_wait3A_278 = arith.constant 0 : i32
        %dma_wait3A_279 = tpu.memref_slice %arg8[%sub3A_277, %dma_wait3A_278] : memref<125x80xi32, #tpu.memory_space<vmem>> -> memref<1x80xi32, #tpu.memory_space<vmem>>
        %dma_wait3A_280 = tpu.memref_squeeze %dma_wait3A_279 : memref<1x80xi32, #tpu.memory_space<vmem>> -> memref<80xi32, #tpu.memory_space<vmem>>
        %dma_wait3A_281 = arith.constant 0 : i32
        %dma_wait3A_282 = arith.constant 0 : i32
        %dma_wait3A_283 = tpu.memref_slice %arg17[%dma_wait3A_281, %dma_wait3A_282] : memref<10016x128xbf16, #tpu.memory_space<vmem_shared>> -> memref<10016x128xbf16, #tpu.memory_space<vmem_shared>>
        tpu.wait_indirect_dma semaphore(%arg28 : memref<!tpu.dma_semaphore, #tpu.memory_space<semaphore_mem>>) src(%arg11 : memref<80x128xbf16, #tpu.memory_space<vmem>>) dst(%dma_wait3A_283 : memref<10016x128xbf16, #tpu.memory_space<vmem_shared>>)
      } else {
      }
      %add3A_174 = arith.constant 7 : i32
      %add3A_175 = arith.addi %add3A_160, %add3A_174 : i32
      %lt3A_176 = arith.constant 125 : i32
      %lt3A_177 = arith.cmpi slt, %add3A_175, %lt3A_176 : i32
      %convert_element_type3A_178 = arith.extui %lt3A_177 : i1 to i32
      %cond3A_179 = arith.constant 0 : i32
      %cond3A_180 = arith.cmpi ne, %convert_element_type3A_178, %cond3A_179 : i32
      scf.if %cond3A_180 {
        %add3A_277 = arith.constant 7 : i32
        %add3A_278 = arith.addi %add3A_160, %add3A_277 : i32
        %dma_start3A_279 = arith.constant 0 : i32
        %dma_start3A_280 = tpu.memref_slice %arg7[%add3A_278, %dma_start3A_279] : memref<125x80xi32, #tpu.memory_space<vmem>> -> memref<1x80xi32, #tpu.memory_space<vmem>>
        %dma_start3A_281 = tpu.memref_squeeze %dma_start3A_280 : memref<1x80xi32, #tpu.memory_space<vmem>> -> memref<80xi32, #tpu.memory_space<vmem>>
        %dma_start3A_282 = arith.constant 0 : i32
        %dma_start3A_283 = arith.constant 0 : i32
        %dma_start3A_284 = tpu.memref_slice %arg2[%dma_start3A_282, %dma_start3A_283] : memref<10000x128xbf16, #tpu.memory_space<hbm>> -> memref<10000x128xbf16, #tpu.memory_space<hbm>>
        tpu.enqueue_indirect_dma source(%dma_start3A_284 : memref<10000x128xbf16, #tpu.memory_space<hbm>>) target(%arg11 : memref<80x128xbf16, #tpu.memory_space<vmem>>) offsets(%dma_start3A_281 : memref<80xi32, #tpu.memory_space<vmem>>) semaphore(%arg20 : memref<!tpu.dma_semaphore, #tpu.memory_space<semaphore_mem>>)
      } else {
      }
      %mul3A_181 = arith.constant 8 : i32
      %mul3A_182 = arith.muli %scan3A_90, %mul3A_181 : i32
      %add3A_183 = arith.constant 4 : i32
      %add3A_184 = arith.addi %mul3A_182, %add3A_183 : i32
      %lt3A_185 = arith.constant 125 : i32
      %lt3A_186 = arith.cmpi slt, %add3A_184, %lt3A_185 : i32
      %convert_element_type3A_187 = arith.extui %lt3A_186 : i1 to i32
      %cond3A_188 = arith.constant 0 : i32
      %cond3A_189 = arith.cmpi ne, %convert_element_type3A_187, %cond3A_188 : i32
      scf.if %cond3A_189 {
        %dma_wait3A_277 = arith.constant 0 : i32
        %dma_wait3A_278 = tpu.memref_slice %arg7[%add3A_184, %dma_wait3A_277] : memref<125x80xi32, #tpu.memory_space<vmem>> -> memref<1x80xi32, #tpu.memory_space<vmem>>
        %dma_wait3A_279 = tpu.memref_squeeze %dma_wait3A_278 : memref<1x80xi32, #tpu.memory_space<vmem>> -> memref<80xi32, #tpu.memory_space<vmem>>
        %dma_wait3A_280 = arith.constant 0 : i32
        %dma_wait3A_281 = arith.constant 0 : i32
        %dma_wait3A_282 = tpu.memref_slice %arg2[%dma_wait3A_280, %dma_wait3A_281] : memref<10000x128xbf16, #tpu.memory_space<hbm>> -> memref<10000x128xbf16, #tpu.memory_space<hbm>>
        tpu.wait_indirect_dma semaphore(%arg22 : memref<!tpu.dma_semaphore, #tpu.memory_space<semaphore_mem>>) src(%dma_wait3A_282 : memref<10000x128xbf16, #tpu.memory_space<hbm>>) dst(%arg13 : memref<80x128xbf16, #tpu.memory_space<vmem>>)
        %dma_start3A_283 = arith.constant 0 : i32
        %dma_start3A_284 = tpu.memref_slice %arg8[%add3A_184, %dma_start3A_283] : memref<125x80xi32, #tpu.memory_space<vmem>> -> memref<1x80xi32, #tpu.memory_space<vmem>>
        %dma_start3A_285 = tpu.memref_squeeze %dma_start3A_284 : memref<1x80xi32, #tpu.memory_space<vmem>> -> memref<80xi32, #tpu.memory_space<vmem>>
        %dma_start3A_286 = arith.constant 0 : i32
        %dma_start3A_287 = arith.constant 0 : i32
        %dma_start3A_288 = tpu.memref_slice %arg17[%dma_start3A_286, %dma_start3A_287] : memref<10016x128xbf16, #tpu.memory_space<vmem_shared>> -> memref<10016x128xbf16, #tpu.memory_space<vmem_shared>>
        tpu.enqueue_indirect_dma source(%arg13 : memref<80x128xbf16, #tpu.memory_space<vmem>>) target(%dma_start3A_288 : memref<10016x128xbf16, #tpu.memory_space<vmem_shared>>) offsets(%dma_start3A_285 : memref<80xi32, #tpu.memory_space<vmem>>) semaphore(%arg30 : memref<!tpu.dma_semaphore, #tpu.memory_space<semaphore_mem>>) {add = true}
      } else {
      }
      %ge3A_190 = arith.constant 1 : i32
      %ge3A_191 = arith.cmpi sge, %add3A_184, %ge3A_190 : i32
      %le3A_192 = arith.constant 125 : i32
      %le3A_193 = arith.cmpi sle, %add3A_184, %le3A_192 : i32
      %and3A_194 = arith.andi %ge3A_191, %le3A_193 : i1
      %convert_element_type3A_195 = arith.extui %and3A_194 : i1 to i32
      %cond3A_196 = arith.constant 0 : i32
      %cond3A_197 = arith.cmpi ne, %convert_element_type3A_195, %cond3A_196 : i32
      scf.if %cond3A_197 {
        %sub3A = arith.constant 1 : i32
        %sub3A_277 = arith.subi %add3A_184, %sub3A : i32
        %dma_wait3A_278 = arith.constant 0 : i32
        %dma_wait3A_279 = tpu.memref_slice %arg8[%sub3A_277, %dma_wait3A_278] : memref<125x80xi32, #tpu.memory_space<vmem>> -> memref<1x80xi32, #tpu.memory_space<vmem>>
        %dma_wait3A_280 = tpu.memref_squeeze %dma_wait3A_279 : memref<1x80xi32, #tpu.memory_space<vmem>> -> memref<80xi32, #tpu.memory_space<vmem>>
        %dma_wait3A_281 = arith.constant 0 : i32
        %dma_wait3A_282 = arith.constant 0 : i32
        %dma_wait3A_283 = tpu.memref_slice %arg17[%dma_wait3A_281, %dma_wait3A_282] : memref<10016x128xbf16, #tpu.memory_space<vmem_shared>> -> memref<10016x128xbf16, #tpu.memory_space<vmem_shared>>
        tpu.wait_indirect_dma semaphore(%arg29 : memref<!tpu.dma_semaphore, #tpu.memory_space<semaphore_mem>>) src(%arg12 : memref<80x128xbf16, #tpu.memory_space<vmem>>) dst(%dma_wait3A_283 : memref<10016x128xbf16, #tpu.memory_space<vmem_shared>>)
      } else {
      }
      %add3A_198 = arith.constant 7 : i32
      %add3A_199 = arith.addi %add3A_184, %add3A_198 : i32
      %lt3A_200 = arith.constant 125 : i32
      %lt3A_201 = arith.cmpi slt, %add3A_199, %lt3A_200 : i32
      %convert_element_type3A_202 = arith.extui %lt3A_201 : i1 to i32
      %cond3A_203 = arith.constant 0 : i32
      %cond3A_204 = arith.cmpi ne, %convert_element_type3A_202, %cond3A_203 : i32
      scf.if %cond3A_204 {
        %add3A_277 = arith.constant 7 : i32
        %add3A_278 = arith.addi %add3A_184, %add3A_277 : i32
        %dma_start3A_279 = arith.constant 0 : i32
        %dma_start3A_280 = tpu.memref_slice %arg7[%add3A_278, %dma_start3A_279] : memref<125x80xi32, #tpu.memory_space<vmem>> -> memref<1x80xi32, #tpu.memory_space<vmem>>
        %dma_start3A_281 = tpu.memref_squeeze %dma_start3A_280 : memref<1x80xi32, #tpu.memory_space<vmem>> -> memref<80xi32, #tpu.memory_space<vmem>>
        %dma_start3A_282 = arith.constant 0 : i32
        %dma_start3A_283 = arith.constant 0 : i32
        %dma_start3A_284 = tpu.memref_slice %arg2[%dma_start3A_282, %dma_start3A_283] : memref<10000x128xbf16, #tpu.memory_space<hbm>> -> memref<10000x128xbf16, #tpu.memory_space<hbm>>
        tpu.enqueue_indirect_dma source(%dma_start3A_284 : memref<10000x128xbf16, #tpu.memory_space<hbm>>) target(%arg12 : memref<80x128xbf16, #tpu.memory_space<vmem>>) offsets(%dma_start3A_281 : memref<80xi32, #tpu.memory_space<vmem>>) semaphore(%arg21 : memref<!tpu.dma_semaphore, #tpu.memory_space<semaphore_mem>>)
      } else {
      }
      %mul3A_205 = arith.constant 8 : i32
      %mul3A_206 = arith.muli %scan3A_90, %mul3A_205 : i32
      %add3A_207 = arith.constant 5 : i32
      %add3A_208 = arith.addi %mul3A_206, %add3A_207 : i32
      %lt3A_209 = arith.constant 125 : i32
      %lt3A_210 = arith.cmpi slt, %add3A_208, %lt3A_209 : i32
      %convert_element_type3A_211 = arith.extui %lt3A_210 : i1 to i32
      %cond3A_212 = arith.constant 0 : i32
      %cond3A_213 = arith.cmpi ne, %convert_element_type3A_211, %cond3A_212 : i32
      scf.if %cond3A_213 {
        %dma_wait3A_277 = arith.constant 0 : i32
        %dma_wait3A_278 = tpu.memref_slice %arg7[%add3A_208, %dma_wait3A_277] : memref<125x80xi32, #tpu.memory_space<vmem>> -> memref<1x80xi32, #tpu.memory_space<vmem>>
        %dma_wait3A_279 = tpu.memref_squeeze %dma_wait3A_278 : memref<1x80xi32, #tpu.memory_space<vmem>> -> memref<80xi32, #tpu.memory_space<vmem>>
        %dma_wait3A_280 = arith.constant 0 : i32
        %dma_wait3A_281 = arith.constant 0 : i32
        %dma_wait3A_282 = tpu.memref_slice %arg2[%dma_wait3A_280, %dma_wait3A_281] : memref<10000x128xbf16, #tpu.memory_space<hbm>> -> memref<10000x128xbf16, #tpu.memory_space<hbm>>
        tpu.wait_indirect_dma semaphore(%arg23 : memref<!tpu.dma_semaphore, #tpu.memory_space<semaphore_mem>>) src(%dma_wait3A_282 : memref<10000x128xbf16, #tpu.memory_space<hbm>>) dst(%arg14 : memref<80x128xbf16, #tpu.memory_space<vmem>>)
        %dma_start3A_283 = arith.constant 0 : i32
        %dma_start3A_284 = tpu.memref_slice %arg8[%add3A_208, %dma_start3A_283] : memref<125x80xi32, #tpu.memory_space<vmem>> -> memref<1x80xi32, #tpu.memory_space<vmem>>
        %dma_start3A_285 = tpu.memref_squeeze %dma_start3A_284 : memref<1x80xi32, #tpu.memory_space<vmem>> -> memref<80xi32, #tpu.memory_space<vmem>>
        %dma_start3A_286 = arith.constant 0 : i32
        %dma_start3A_287 = arith.constant 0 : i32
        %dma_start3A_288 = tpu.memref_slice %arg17[%dma_start3A_286, %dma_start3A_287] : memref<10016x128xbf16, #tpu.memory_space<vmem_shared>> -> memref<10016x128xbf16, #tpu.memory_space<vmem_shared>>
        tpu.enqueue_indirect_dma source(%arg14 : memref<80x128xbf16, #tpu.memory_space<vmem>>) target(%dma_start3A_288 : memref<10016x128xbf16, #tpu.memory_space<vmem_shared>>) offsets(%dma_start3A_285 : memref<80xi32, #tpu.memory_space<vmem>>) semaphore(%arg31 : memref<!tpu.dma_semaphore, #tpu.memory_space<semaphore_mem>>) {add = true}
      } else {
      }
      %ge3A_214 = arith.constant 1 : i32
      %ge3A_215 = arith.cmpi sge, %add3A_208, %ge3A_214 : i32
      %le3A_216 = arith.constant 125 : i32
      %le3A_217 = arith.cmpi sle, %add3A_208, %le3A_216 : i32
      %and3A_218 = arith.andi %ge3A_215, %le3A_217 : i1
      %convert_element_type3A_219 = arith.extui %and3A_218 : i1 to i32
      %cond3A_220 = arith.constant 0 : i32
      %cond3A_221 = arith.cmpi ne, %convert_element_type3A_219, %cond3A_220 : i32
      scf.if %cond3A_221 {
        %sub3A = arith.constant 1 : i32
        %sub3A_277 = arith.subi %add3A_208, %sub3A : i32
        %dma_wait3A_278 = arith.constant 0 : i32
        %dma_wait3A_279 = tpu.memref_slice %arg8[%sub3A_277, %dma_wait3A_278] : memref<125x80xi32, #tpu.memory_space<vmem>> -> memref<1x80xi32, #tpu.memory_space<vmem>>
        %dma_wait3A_280 = tpu.memref_squeeze %dma_wait3A_279 : memref<1x80xi32, #tpu.memory_space<vmem>> -> memref<80xi32, #tpu.memory_space<vmem>>
        %dma_wait3A_281 = arith.constant 0 : i32
        %dma_wait3A_282 = arith.constant 0 : i32
        %dma_wait3A_283 = tpu.memref_slice %arg17[%dma_wait3A_281, %dma_wait3A_282] : memref<10016x128xbf16, #tpu.memory_space<vmem_shared>> -> memref<10016x128xbf16, #tpu.memory_space<vmem_shared>>
        tpu.wait_indirect_dma semaphore(%arg30 : memref<!tpu.dma_semaphore, #tpu.memory_space<semaphore_mem>>) src(%arg13 : memref<80x128xbf16, #tpu.memory_space<vmem>>) dst(%dma_wait3A_283 : memref<10016x128xbf16, #tpu.memory_space<vmem_shared>>)
      } else {
      }
      %add3A_222 = arith.constant 7 : i32
      %add3A_223 = arith.addi %add3A_208, %add3A_222 : i32
      %lt3A_224 = arith.constant 125 : i32
      %lt3A_225 = arith.cmpi slt, %add3A_223, %lt3A_224 : i32
      %convert_element_type3A_226 = arith.extui %lt3A_225 : i1 to i32
      %cond3A_227 = arith.constant 0 : i32
      %cond3A_228 = arith.cmpi ne, %convert_element_type3A_226, %cond3A_227 : i32
      scf.if %cond3A_228 {
        %add3A_277 = arith.constant 7 : i32
        %add3A_278 = arith.addi %add3A_208, %add3A_277 : i32
        %dma_start3A_279 = arith.constant 0 : i32
        %dma_start3A_280 = tpu.memref_slice %arg7[%add3A_278, %dma_start3A_279] : memref<125x80xi32, #tpu.memory_space<vmem>> -> memref<1x80xi32, #tpu.memory_space<vmem>>
        %dma_start3A_281 = tpu.memref_squeeze %dma_start3A_280 : memref<1x80xi32, #tpu.memory_space<vmem>> -> memref<80xi32, #tpu.memory_space<vmem>>
        %dma_start3A_282 = arith.constant 0 : i32
        %dma_start3A_283 = arith.constant 0 : i32
        %dma_start3A_284 = tpu.memref_slice %arg2[%dma_start3A_282, %dma_start3A_283] : memref<10000x128xbf16, #tpu.memory_space<hbm>> -> memref<10000x128xbf16, #tpu.memory_space<hbm>>
        tpu.enqueue_indirect_dma source(%dma_start3A_284 : memref<10000x128xbf16, #tpu.memory_space<hbm>>) target(%arg13 : memref<80x128xbf16, #tpu.memory_space<vmem>>) offsets(%dma_start3A_281 : memref<80xi32, #tpu.memory_space<vmem>>) semaphore(%arg22 : memref<!tpu.dma_semaphore, #tpu.memory_space<semaphore_mem>>)
      } else {
      }
      %mul3A_229 = arith.constant 8 : i32
      %mul3A_230 = arith.muli %scan3A_90, %mul3A_229 : i32
      %add3A_231 = arith.constant 6 : i32
      %add3A_232 = arith.addi %mul3A_230, %add3A_231 : i32
      %lt3A_233 = arith.constant 125 : i32
      %lt3A_234 = arith.cmpi slt, %add3A_232, %lt3A_233 : i32
      %convert_element_type3A_235 = arith.extui %lt3A_234 : i1 to i32
      %cond3A_236 = arith.constant 0 : i32
      %cond3A_237 = arith.cmpi ne, %convert_element_type3A_235, %cond3A_236 : i32
      scf.if %cond3A_237 {
        %dma_wait3A_277 = arith.constant 0 : i32
        %dma_wait3A_278 = tpu.memref_slice %arg7[%add3A_232, %dma_wait3A_277] : memref<125x80xi32, #tpu.memory_space<vmem>> -> memref<1x80xi32, #tpu.memory_space<vmem>>
        %dma_wait3A_279 = tpu.memref_squeeze %dma_wait3A_278 : memref<1x80xi32, #tpu.memory_space<vmem>> -> memref<80xi32, #tpu.memory_space<vmem>>
        %dma_wait3A_280 = arith.constant 0 : i32
        %dma_wait3A_281 = arith.constant 0 : i32
        %dma_wait3A_282 = tpu.memref_slice %arg2[%dma_wait3A_280, %dma_wait3A_281] : memref<10000x128xbf16, #tpu.memory_space<hbm>> -> memref<10000x128xbf16, #tpu.memory_space<hbm>>
        tpu.wait_indirect_dma semaphore(%arg24 : memref<!tpu.dma_semaphore, #tpu.memory_space<semaphore_mem>>) src(%dma_wait3A_282 : memref<10000x128xbf16, #tpu.memory_space<hbm>>) dst(%arg15 : memref<80x128xbf16, #tpu.memory_space<vmem>>)
        %dma_start3A_283 = arith.constant 0 : i32
        %dma_start3A_284 = tpu.memref_slice %arg8[%add3A_232, %dma_start3A_283] : memref<125x80xi32, #tpu.memory_space<vmem>> -> memref<1x80xi32, #tpu.memory_space<vmem>>
        %dma_start3A_285 = tpu.memref_squeeze %dma_start3A_284 : memref<1x80xi32, #tpu.memory_space<vmem>> -> memref<80xi32, #tpu.memory_space<vmem>>
        %dma_start3A_286 = arith.constant 0 : i32
        %dma_start3A_287 = arith.constant 0 : i32
        %dma_start3A_288 = tpu.memref_slice %arg17[%dma_start3A_286, %dma_start3A_287] : memref<10016x128xbf16, #tpu.memory_space<vmem_shared>> -> memref<10016x128xbf16, #tpu.memory_space<vmem_shared>>
        tpu.enqueue_indirect_dma source(%arg15 : memref<80x128xbf16, #tpu.memory_space<vmem>>) target(%dma_start3A_288 : memref<10016x128xbf16, #tpu.memory_space<vmem_shared>>) offsets(%dma_start3A_285 : memref<80xi32, #tpu.memory_space<vmem>>) semaphore(%arg32 : memref<!tpu.dma_semaphore, #tpu.memory_space<semaphore_mem>>) {add = true}
      } else {
      }
      %ge3A_238 = arith.constant 1 : i32
      %ge3A_239 = arith.cmpi sge, %add3A_232, %ge3A_238 : i32
      %le3A_240 = arith.constant 125 : i32
      %le3A_241 = arith.cmpi sle, %add3A_232, %le3A_240 : i32
      %and3A_242 = arith.andi %ge3A_239, %le3A_241 : i1
      %convert_element_type3A_243 = arith.extui %and3A_242 : i1 to i32
      %cond3A_244 = arith.constant 0 : i32
      %cond3A_245 = arith.cmpi ne, %convert_element_type3A_243, %cond3A_244 : i32
      scf.if %cond3A_245 {
        %sub3A = arith.constant 1 : i32
        %sub3A_277 = arith.subi %add3A_232, %sub3A : i32
        %dma_wait3A_278 = arith.constant 0 : i32
        %dma_wait3A_279 = tpu.memref_slice %arg8[%sub3A_277, %dma_wait3A_278] : memref<125x80xi32, #tpu.memory_space<vmem>> -> memref<1x80xi32, #tpu.memory_space<vmem>>
        %dma_wait3A_280 = tpu.memref_squeeze %dma_wait3A_279 : memref<1x80xi32, #tpu.memory_space<vmem>> -> memref<80xi32, #tpu.memory_space<vmem>>
        %dma_wait3A_281 = arith.constant 0 : i32
        %dma_wait3A_282 = arith.constant 0 : i32
        %dma_wait3A_283 = tpu.memref_slice %arg17[%dma_wait3A_281, %dma_wait3A_282] : memref<10016x128xbf16, #tpu.memory_space<vmem_shared>> -> memref<10016x128xbf16, #tpu.memory_space<vmem_shared>>
        tpu.wait_indirect_dma semaphore(%arg31 : memref<!tpu.dma_semaphore, #tpu.memory_space<semaphore_mem>>) src(%arg14 : memref<80x128xbf16, #tpu.memory_space<vmem>>) dst(%dma_wait3A_283 : memref<10016x128xbf16, #tpu.memory_space<vmem_shared>>)
      } else {
      }
      %add3A_246 = arith.constant 7 : i32
      %add3A_247 = arith.addi %add3A_232, %add3A_246 : i32
      %lt3A_248 = arith.constant 125 : i32
      %lt3A_249 = arith.cmpi slt, %add3A_247, %lt3A_248 : i32
      %convert_element_type3A_250 = arith.extui %lt3A_249 : i1 to i32
      %cond3A_251 = arith.constant 0 : i32
      %cond3A_252 = arith.cmpi ne, %convert_element_type3A_250, %cond3A_251 : i32
      scf.if %cond3A_252 {
        %add3A_277 = arith.constant 7 : i32
        %add3A_278 = arith.addi %add3A_232, %add3A_277 : i32
        %dma_start3A_279 = arith.constant 0 : i32
        %dma_start3A_280 = tpu.memref_slice %arg7[%add3A_278, %dma_start3A_279] : memref<125x80xi32, #tpu.memory_space<vmem>> -> memref<1x80xi32, #tpu.memory_space<vmem>>
        %dma_start3A_281 = tpu.memref_squeeze %dma_start3A_280 : memref<1x80xi32, #tpu.memory_space<vmem>> -> memref<80xi32, #tpu.memory_space<vmem>>
        %dma_start3A_282 = arith.constant 0 : i32
        %dma_start3A_283 = arith.constant 0 : i32
        %dma_start3A_284 = tpu.memref_slice %arg2[%dma_start3A_282, %dma_start3A_283] : memref<10000x128xbf16, #tpu.memory_space<hbm>> -> memref<10000x128xbf16, #tpu.memory_space<hbm>>
        tpu.enqueue_indirect_dma source(%dma_start3A_284 : memref<10000x128xbf16, #tpu.memory_space<hbm>>) target(%arg14 : memref<80x128xbf16, #tpu.memory_space<vmem>>) offsets(%dma_start3A_281 : memref<80xi32, #tpu.memory_space<vmem>>) semaphore(%arg23 : memref<!tpu.dma_semaphore, #tpu.memory_space<semaphore_mem>>)
      } else {
      }
      %mul3A_253 = arith.constant 8 : i32
      %mul3A_254 = arith.muli %scan3A_90, %mul3A_253 : i32
      %add3A_255 = arith.constant 7 : i32
      %add3A_256 = arith.addi %mul3A_254, %add3A_255 : i32
      %lt3A_257 = arith.constant 125 : i32
      %lt3A_258 = arith.cmpi slt, %add3A_256, %lt3A_257 : i32
      %convert_element_type3A_259 = arith.extui %lt3A_258 : i1 to i32
      %cond3A_260 = arith.constant 0 : i32
      %cond3A_261 = arith.cmpi ne, %convert_element_type3A_259, %cond3A_260 : i32
      scf.if %cond3A_261 {
        %dma_wait3A_277 = arith.constant 0 : i32
        %dma_wait3A_278 = tpu.memref_slice %arg7[%add3A_256, %dma_wait3A_277] : memref<125x80xi32, #tpu.memory_space<vmem>> -> memref<1x80xi32, #tpu.memory_space<vmem>>
        %dma_wait3A_279 = tpu.memref_squeeze %dma_wait3A_278 : memref<1x80xi32, #tpu.memory_space<vmem>> -> memref<80xi32, #tpu.memory_space<vmem>>
        %dma_wait3A_280 = arith.constant 0 : i32
        %dma_wait3A_281 = arith.constant 0 : i32
        %dma_wait3A_282 = tpu.memref_slice %arg2[%dma_wait3A_280, %dma_wait3A_281] : memref<10000x128xbf16, #tpu.memory_space<hbm>> -> memref<10000x128xbf16, #tpu.memory_space<hbm>>
        tpu.wait_indirect_dma semaphore(%arg25 : memref<!tpu.dma_semaphore, #tpu.memory_space<semaphore_mem>>) src(%dma_wait3A_282 : memref<10000x128xbf16, #tpu.memory_space<hbm>>) dst(%arg16 : memref<80x128xbf16, #tpu.memory_space<vmem>>)
        %dma_start3A_283 = arith.constant 0 : i32
        %dma_start3A_284 = tpu.memref_slice %arg8[%add3A_256, %dma_start3A_283] : memref<125x80xi32, #tpu.memory_space<vmem>> -> memref<1x80xi32, #tpu.memory_space<vmem>>
        %dma_start3A_285 = tpu.memref_squeeze %dma_start3A_284 : memref<1x80xi32, #tpu.memory_space<vmem>> -> memref<80xi32, #tpu.memory_space<vmem>>
        %dma_start3A_286 = arith.constant 0 : i32
        %dma_start3A_287 = arith.constant 0 : i32
        %dma_start3A_288 = tpu.memref_slice %arg17[%dma_start3A_286, %dma_start3A_287] : memref<10016x128xbf16, #tpu.memory_space<vmem_shared>> -> memref<10016x128xbf16, #tpu.memory_space<vmem_shared>>
        tpu.enqueue_indirect_dma source(%arg16 : memref<80x128xbf16, #tpu.memory_space<vmem>>) target(%dma_start3A_288 : memref<10016x128xbf16, #tpu.memory_space<vmem_shared>>) offsets(%dma_start3A_285 : memref<80xi32, #tpu.memory_space<vmem>>) semaphore(%arg33 : memref<!tpu.dma_semaphore, #tpu.memory_space<semaphore_mem>>) {add = true}
      } else {
      }
      %ge3A_262 = arith.constant 1 : i32
      %ge3A_263 = arith.cmpi sge, %add3A_256, %ge3A_262 : i32
      %le3A_264 = arith.constant 125 : i32
      %le3A_265 = arith.cmpi sle, %add3A_256, %le3A_264 : i32
      %and3A_266 = arith.andi %ge3A_263, %le3A_265 : i1
      %convert_element_type3A_267 = arith.extui %and3A_266 : i1 to i32
      %cond3A_268 = arith.constant 0 : i32
      %cond3A_269 = arith.cmpi ne, %convert_element_type3A_267, %cond3A_268 : i32
      scf.if %cond3A_269 {
        %sub3A = arith.constant 1 : i32
        %sub3A_277 = arith.subi %add3A_256, %sub3A : i32
        %dma_wait3A_278 = arith.constant 0 : i32
        %dma_wait3A_279 = tpu.memref_slice %arg8[%sub3A_277, %dma_wait3A_278] : memref<125x80xi32, #tpu.memory_space<vmem>> -> memref<1x80xi32, #tpu.memory_space<vmem>>
        %dma_wait3A_280 = tpu.memref_squeeze %dma_wait3A_279 : memref<1x80xi32, #tpu.memory_space<vmem>> -> memref<80xi32, #tpu.memory_space<vmem>>
        %dma_wait3A_281 = arith.constant 0 : i32
        %dma_wait3A_282 = arith.constant 0 : i32
        %dma_wait3A_283 = tpu.memref_slice %arg17[%dma_wait3A_281, %dma_wait3A_282] : memref<10016x128xbf16, #tpu.memory_space<vmem_shared>> -> memref<10016x128xbf16, #tpu.memory_space<vmem_shared>>
        tpu.wait_indirect_dma semaphore(%arg32 : memref<!tpu.dma_semaphore, #tpu.memory_space<semaphore_mem>>) src(%arg15 : memref<80x128xbf16, #tpu.memory_space<vmem>>) dst(%dma_wait3A_283 : memref<10016x128xbf16, #tpu.memory_space<vmem_shared>>)
      } else {
      }
      %add3A_270 = arith.constant 7 : i32
      %add3A_271 = arith.addi %add3A_256, %add3A_270 : i32
      %lt3A_272 = arith.constant 125 : i32
      %lt3A_273 = arith.cmpi slt, %add3A_271, %lt3A_272 : i32
      %convert_element_type3A_274 = arith.extui %lt3A_273 : i1 to i32
      %cond3A_275 = arith.constant 0 : i32
      %cond3A_276 = arith.cmpi ne, %convert_element_type3A_274, %cond3A_275 : i32
      scf.if %cond3A_276 {
        %add3A_277 = arith.constant 7 : i32
        %add3A_278 = arith.addi %add3A_256, %add3A_277 : i32
        %dma_start3A_279 = arith.constant 0 : i32
        %dma_start3A_280 = tpu.memref_slice %arg7[%add3A_278, %dma_start3A_279] : memref<125x80xi32, #tpu.memory_space<vmem>> -> memref<1x80xi32, #tpu.memory_space<vmem>>
        %dma_start3A_281 = tpu.memref_squeeze %dma_start3A_280 : memref<1x80xi32, #tpu.memory_space<vmem>> -> memref<80xi32, #tpu.memory_space<vmem>>
        %dma_start3A_282 = arith.constant 0 : i32
        %dma_start3A_283 = arith.constant 0 : i32
        %dma_start3A_284 = tpu.memref_slice %arg2[%dma_start3A_282, %dma_start3A_283] : memref<10000x128xbf16, #tpu.memory_space<hbm>> -> memref<10000x128xbf16, #tpu.memory_space<hbm>>
        tpu.enqueue_indirect_dma source(%dma_start3A_284 : memref<10000x128xbf16, #tpu.memory_space<hbm>>) target(%arg15 : memref<80x128xbf16, #tpu.memory_space<vmem>>) offsets(%dma_start3A_281 : memref<80xi32, #tpu.memory_space<vmem>>) semaphore(%arg24 : memref<!tpu.dma_semaphore, #tpu.memory_space<semaphore_mem>>)
      } else {
      }
    }
    %scan3A_84 = arith.constant 16 : i32
    %barrier3A_85 = arith.constant 0 : index
    tpu.barrier barrier_id(%barrier3A_85)
    %mul3A_86 = arith.constant 626 : i32
    %mul3A_87 = arith.muli %arg1, %mul3A_86 : i32
    %mul3A_88 = arith.constant 626 : i32
    %mul3A_89 = arith.muli %arg1, %mul3A_88 : i32
    "tpu.region"() ({
      %run_scoped3A = tpu.sem_alloc : memref<!tpu.dma_semaphore, #tpu.memory_space<semaphore_mem>>
      %dma_start3A_90 = arith.constant 0 : i32
      %dma_start3A_91 = tpu.memref_slice %arg6[%arg0, %mul3A_89, %dma_start3A_90] : memref<2x10016x128xbf16, #tpu.memory_space<hbm>> -> memref<1x626x128xbf16, #tpu.memory_space<hbm>>
      %dma_start3A_92 = tpu.memref_squeeze %dma_start3A_91 : memref<1x626x128xbf16, #tpu.memory_space<hbm>> -> memref<626x128xbf16, #tpu.memory_space<hbm>>
      %dma_start3A_93 = arith.constant 0 : i32
      %dma_start3A_94 = tpu.memref_slice %arg17[%mul3A_87, %dma_start3A_93] : memref<10016x128xbf16, #tpu.memory_space<vmem_shared>> -> memref<626x128xbf16, #tpu.memory_space<vmem_shared>>
      tpu.enqueue_dma source(%dma_start3A_94 : memref<626x128xbf16, #tpu.memory_space<vmem_shared>>) target(%dma_start3A_92 : memref<626x128xbf16, #tpu.memory_space<hbm>>) target_semaphore(%run_scoped3A : memref<!tpu.dma_semaphore, #tpu.memory_space<semaphore_mem>>)
      %dma_wait3A_95 = arith.constant 0 : i32
      %dma_wait3A_96 = tpu.memref_slice %arg6[%arg0, %mul3A_89, %dma_wait3A_95] : memref<2x10016x128xbf16, #tpu.memory_space<hbm>> -> memref<1x626x128xbf16, #tpu.memory_space<hbm>>
      %dma_wait3A_97 = tpu.memref_squeeze %dma_wait3A_96 : memref<1x626x128xbf16, #tpu.memory_space<hbm>> -> memref<626x128xbf16, #tpu.memory_space<hbm>>
      %dma_wait3A_98 = arith.constant 0 : i32
      %dma_wait3A_99 = tpu.memref_slice %arg17[%mul3A_87, %dma_wait3A_98] : memref<10016x128xbf16, #tpu.memory_space<vmem_shared>> -> memref<626x128xbf16, #tpu.memory_space<vmem_shared>>
      tpu.wait_dma2 semaphore(%run_scoped3A : memref<!tpu.dma_semaphore, #tpu.memory_space<semaphore_mem>>) src(%dma_wait3A_99 : memref<626x128xbf16, #tpu.memory_space<vmem_shared>>) dst(%dma_wait3A_97 : memref<626x128xbf16, #tpu.memory_space<hbm>>)
      tpu.yield
    }) : () -> ()
    return
  }
}

module attributes {stable_mosaic.version = 14 : i64} {
  func.func @_tc_first_body(%arg0: i32, %arg1: memref<1x2000x16xf32, #tpu.memory_space<vmem>>, %arg2: memref<1x2000x16xf32, #tpu.memory_space<vmem>>, %arg3: memref<2000x128xf32, #tpu.memory_space<vmem>>, %arg4: memref<128x128xf32, #tpu.memory_space<vmem>>, %arg5: memref<2000x128xf32, #tpu.memory_space<vmem>>, %arg6: memref<2000x128xbf16, #tpu.memory_space<vmem>>) attributes {dimension_semantics = [#tpu.dimension_semantics<parallel>], iteration_bounds = array<i64: 5>, scalar_prefetch = 0 : i64, scratch_operands = 0 : i64, tpu.core_type = #tpu.core_type<tc>, window_params = [{transform_indices = @transform_0, window_bounds = array<i64: 1, 2000, 16>}, {transform_indices = @transform_1, window_bounds = array<i64: 1, 2000, 16>}, {transform_indices = @transform_2, window_bounds = array<i64: 2000, 128>}, {pipeline_mode = #tpu.pipeline_mode<synchronous>, transform_indices = @transform_3, window_bounds = array<i64: 128, 128>}, {transform_indices = @transform_4, window_bounds = array<i64: 2000, 128>}, {transform_indices = @transform_5, window_bounds = array<i64: 2000, 128>}]} {
    %get3A = arith.constant 0 : index
    %get3A_0 = arith.constant 0 : index
    %get3A_1 = arith.constant 0 : index
    %get3A_2 = vector.load %arg1[%get3A, %get3A_0, %get3A_1] : memref<1x2000x16xf32, #tpu.memory_space<vmem>>, vector<1x2000x1xf32>
    %get3A_3 = vector.shape_cast %get3A_2 : vector<1x2000x1xf32> to vector<2000x1xf32>
    %add3A = arith.constant 1.000000e+00 : f32
    %add3A_4 = vector.broadcast %add3A : f32 to vector<2000x1xf32>
    %add3A_5 = arith.addf %add3A_4, %get3A_3 : vector<2000x1xf32>
    %get3A_6 = arith.constant 0 : index
    %get3A_7 = arith.constant 0 : index
    %get3A_8 = arith.constant 0 : index
    %get3A_9 = vector.load %arg2[%get3A_6, %get3A_7, %get3A_8] : memref<1x2000x16xf32, #tpu.memory_space<vmem>>, vector<1x2000x1xf32>
    %get3A_10 = vector.shape_cast %get3A_9 : vector<1x2000x1xf32> to vector<2000x1xf32>
    %add3A_11 = arith.addf %add3A_5, %get3A_10 : vector<2000x1xf32>
    %rsqrt3A = math.rsqrt %add3A_11 : vector<2000x1xf32>
    %get3A_12 = arith.constant 0 : index
    %get3A_13 = arith.constant 0 : index
    %get3A_14 = vector.load %arg3[%get3A_12, %get3A_13] : memref<2000x128xf32, #tpu.memory_space<vmem>>, vector<2000x128xf32>
    %get3A_15 = arith.constant 0 : index
    %get3A_16 = arith.constant 0 : index
    %get3A_17 = vector.load %arg4[%get3A_15, %get3A_16] : memref<128x128xf32, #tpu.memory_space<vmem>>, vector<128x128xf32>
    %dot_general3A = arith.constant dense<0.000000e+00> : vector<2000x128xf32>
    %dot_general3A_18 = tpu.matmul %get3A_14, %get3A_17, %dot_general3A {dimension_numbers = #tpu.dot_dimension_numbers<[1], [0], [0], [1], [0, 0, 1, 1], [], []>, transpose_lhs_hint = false} : vector<2000x128xf32>, vector<128x128xf32>, vector<2000x128xf32> -> vector<2000x128xf32>
    %mul3A = vector.broadcast %rsqrt3A : vector<2000x1xf32> to vector<2000x128xf32>
    %mul3A_19 = arith.mulf %dot_general3A_18, %mul3A : vector<2000x128xf32>
    %swap3A = arith.constant 0 : index
    %swap3A_20 = arith.constant 0 : index
    %swap3A_21 = vector.load %arg5[%swap3A, %swap3A_20] : memref<2000x128xf32, #tpu.memory_space<vmem>>, vector<2000x128xf32>
    tpu.vector_store %arg5[%swap3A, %swap3A_20], %mul3A_19 {strides = array<i32>} : memref<2000x128xf32, #tpu.memory_space<vmem>>, vector<2000x128xf32>,
    %convert_element_type3A = arith.truncf %mul3A_19 : vector<2000x128xf32> to vector<2000x128xbf16>
    %swap3A_22 = arith.constant 0 : index
    %swap3A_23 = arith.constant 0 : index
    %swap3A_24 = vector.load %arg6[%swap3A_22, %swap3A_23] : memref<2000x128xbf16, #tpu.memory_space<vmem>>, vector<2000x128xbf16>
    tpu.vector_store %arg6[%swap3A_22, %swap3A_23], %convert_element_type3A {strides = array<i32>} : memref<2000x128xbf16, #tpu.memory_space<vmem>>, vector<2000x128xbf16>,
    return
  }
  func.func @transform_0(%arg0: i32) -> (i32, i32, i32) {
    %c0_i32 = arith.constant 0 : i32
    %c0_i32_0 = arith.constant 0 : i32
    %c0_i32_1 = arith.constant 0 : i32
    return %c0_i32, %arg0, %c0_i32_0 : i32, i32, i32
  }
  func.func @transform_1(%arg0: i32) -> (i32, i32, i32) {
    %c1_i32 = arith.constant 1 : i32
    %c0_i32 = arith.constant 0 : i32
    %c0_i32_0 = arith.constant 0 : i32
    return %c1_i32, %arg0, %c0_i32 : i32, i32, i32
  }
  func.func @transform_2(%arg0: i32) -> (i32, i32) {
    %c0_i32 = arith.constant 0 : i32
    %c0_i32_0 = arith.constant 0 : i32
    return %arg0, %c0_i32 : i32, i32
  }
  func.func @transform_3(%arg0: i32) -> (i32, i32) {
    %c0_i32 = arith.constant 0 : i32
    %c0_i32_0 = arith.constant 0 : i32
    %c0_i32_1 = arith.constant 0 : i32
    return %c0_i32, %c0_i32_0 : i32, i32
  }
  func.func @transform_4(%arg0: i32) -> (i32, i32) {
    %c0_i32 = arith.constant 0 : i32
    %c0_i32_0 = arith.constant 0 : i32
    return %arg0, %c0_i32 : i32, i32
  }
  func.func @transform_5(%arg0: i32) -> (i32, i32) {
    %c0_i32 = arith.constant 0 : i32
    %c0_i32_0 = arith.constant 0 : i32
    return %arg0, %c0_i32 : i32, i32
  }
}

module attributes {stable_mosaic.version = 14 : i64} {
  func.func @_tc_mid_body(%arg0: i32, %arg1: memref<1x2000x16xf32, #tpu.memory_space<vmem>>, %arg2: memref<1x2000x16xf32, #tpu.memory_space<vmem>>, %arg3: memref<2000x128xf32, #tpu.memory_space<vmem>>, %arg4: memref<2x2000x128xbf16, #tpu.memory_space<vmem>>, %arg5: memref<128x128xf32, #tpu.memory_space<vmem>>, %arg6: memref<1x128xf32, #tpu.memory_space<vmem>>, %arg7: memref<2000x128xf32, #tpu.memory_space<vmem>>, %arg8: memref<2000x128xbf16, #tpu.memory_space<vmem>>) attributes {dimension_semantics = [#tpu.dimension_semantics<parallel>], iteration_bounds = array<i64: 5>, scalar_prefetch = 0 : i64, scratch_operands = 0 : i64, tpu.core_type = #tpu.core_type<tc>, window_params = [{transform_indices = @transform_0, window_bounds = array<i64: 1, 2000, 16>}, {transform_indices = @transform_1, window_bounds = array<i64: 1, 2000, 16>}, {transform_indices = @transform_2, window_bounds = array<i64: 2000, 128>}, {transform_indices = @transform_3, window_bounds = array<i64: 2, 2000, 128>}, {pipeline_mode = #tpu.pipeline_mode<synchronous>, transform_indices = @transform_4, window_bounds = array<i64: 128, 128>}, {pipeline_mode = #tpu.pipeline_mode<synchronous>, transform_indices = @transform_5, window_bounds = array<i64: 1, 128>}, {transform_indices = @transform_6, window_bounds = array<i64: 2000, 128>}, {transform_indices = @transform_7, window_bounds = array<i64: 2000, 128>}]} {
    %get3A = arith.constant 0 : index
    %get3A_0 = arith.constant 0 : index
    %get3A_1 = arith.constant 0 : index
    %get3A_2 = vector.load %arg1[%get3A, %get3A_0, %get3A_1] : memref<1x2000x16xf32, #tpu.memory_space<vmem>>, vector<1x2000x1xf32>
    %get3A_3 = vector.shape_cast %get3A_2 : vector<1x2000x1xf32> to vector<2000x1xf32>
    %add3A = arith.constant 1.000000e+00 : f32
    %add3A_4 = vector.broadcast %add3A : f32 to vector<2000x1xf32>
    %add3A_5 = arith.addf %add3A_4, %get3A_3 : vector<2000x1xf32>
    %get3A_6 = arith.constant 0 : index
    %get3A_7 = arith.constant 0 : index
    %get3A_8 = arith.constant 0 : index
    %get3A_9 = vector.load %arg2[%get3A_6, %get3A_7, %get3A_8] : memref<1x2000x16xf32, #tpu.memory_space<vmem>>, vector<1x2000x1xf32>
    %get3A_10 = vector.shape_cast %get3A_9 : vector<1x2000x1xf32> to vector<2000x1xf32>
    %add3A_11 = arith.addf %add3A_5, %get3A_10 : vector<2000x1xf32>
    %rsqrt3A = math.rsqrt %add3A_11 : vector<2000x1xf32>
    %get3A_12 = arith.constant 0 : index
    %get3A_13 = arith.constant 0 : index
    %get3A_14 = arith.constant 0 : index
    %get3A_15 = vector.load %arg4[%get3A_12, %get3A_13, %get3A_14] : memref<2x2000x128xbf16, #tpu.memory_space<vmem>>, vector<1x2000x128xbf16>
    %get3A_16 = vector.shape_cast %get3A_15 : vector<1x2000x128xbf16> to vector<2000x128xbf16>
    %convert_element_type3A = arith.extf %get3A_16 : vector<2000x128xbf16> to vector<2000x128xf32>
    %get3A_17 = arith.constant 1 : index
    %get3A_18 = arith.constant 0 : index
    %get3A_19 = arith.constant 0 : index
    %get3A_20 = vector.load %arg4[%get3A_17, %get3A_18, %get3A_19] : memref<2x2000x128xbf16, #tpu.memory_space<vmem>>, vector<1x2000x128xbf16>
    %get3A_21 = vector.shape_cast %get3A_20 : vector<1x2000x128xbf16> to vector<2000x128xbf16>
    %convert_element_type3A_22 = arith.extf %get3A_21 : vector<2000x128xbf16> to vector<2000x128xf32>
    %add3A_23 = arith.addf %convert_element_type3A, %convert_element_type3A_22 : vector<2000x128xf32>
    %get3A_24 = arith.constant 0 : index
    %get3A_25 = arith.constant 0 : index
    %get3A_26 = vector.load %arg3[%get3A_24, %get3A_25] : memref<2000x128xf32, #tpu.memory_space<vmem>>, vector<2000x128xf32>
    %add3A_27 = arith.addf %get3A_26, %add3A_23 : vector<2000x128xf32>
    %mul3A = vector.broadcast %rsqrt3A : vector<2000x1xf32> to vector<2000x128xf32>
    %mul3A_28 = arith.mulf %mul3A, %add3A_27 : vector<2000x128xf32>
    %get3A_29 = arith.constant 0 : index
    %get3A_30 = arith.constant 0 : index
    %get3A_31 = vector.load %arg6[%get3A_29, %get3A_30] : memref<1x128xf32, #tpu.memory_space<vmem>>, vector<1x128xf32>
    %add3A_32 = vector.broadcast %get3A_31 : vector<1x128xf32> to vector<2000x128xf32>
    %add3A_33 = arith.addf %mul3A_28, %add3A_32 : vector<2000x128xf32>
    %max3A = arith.constant 0.000000e+00 : f32
    %max3A_34 = vector.broadcast %max3A : f32 to vector<2000x128xf32>
    %max3A_35 = arith.maximumf %add3A_33, %max3A_34 : vector<2000x128xf32>
    %get3A_36 = arith.constant 0 : index
    %get3A_37 = arith.constant 0 : index
    %get3A_38 = vector.load %arg5[%get3A_36, %get3A_37] : memref<128x128xf32, #tpu.memory_space<vmem>>, vector<128x128xf32>
    %dot_general3A = arith.constant dense<0.000000e+00> : vector<2000x128xf32>
    %dot_general3A_39 = tpu.matmul %max3A_35, %get3A_38, %dot_general3A {dimension_numbers = #tpu.dot_dimension_numbers<[1], [0], [0], [1], [0, 0, 1, 1], [], []>, transpose_lhs_hint = false} : vector<2000x128xf32>, vector<128x128xf32>, vector<2000x128xf32> -> vector<2000x128xf32>
    %mul3A_40 = vector.broadcast %rsqrt3A : vector<2000x1xf32> to vector<2000x128xf32>
    %mul3A_41 = arith.mulf %dot_general3A_39, %mul3A_40 : vector<2000x128xf32>
    %swap3A = arith.constant 0 : index
    %swap3A_42 = arith.constant 0 : index
    %swap3A_43 = vector.load %arg7[%swap3A, %swap3A_42] : memref<2000x128xf32, #tpu.memory_space<vmem>>, vector<2000x128xf32>
    tpu.vector_store %arg7[%swap3A, %swap3A_42], %mul3A_41 {strides = array<i32>} : memref<2000x128xf32, #tpu.memory_space<vmem>>, vector<2000x128xf32>,
    %convert_element_type3A_44 = arith.truncf %mul3A_41 : vector<2000x128xf32> to vector<2000x128xbf16>
    %swap3A_45 = arith.constant 0 : index
    %swap3A_46 = arith.constant 0 : index
    %swap3A_47 = vector.load %arg8[%swap3A_45, %swap3A_46] : memref<2000x128xbf16, #tpu.memory_space<vmem>>, vector<2000x128xbf16>
    tpu.vector_store %arg8[%swap3A_45, %swap3A_46], %convert_element_type3A_44 {strides = array<i32>} : memref<2000x128xbf16, #tpu.memory_space<vmem>>, vector<2000x128xbf16>,
    return
  }
  func.func @transform_0(%arg0: i32) -> (i32, i32, i32) {
    %c0_i32 = arith.constant 0 : i32
    %c0_i32_0 = arith.constant 0 : i32
    %c0_i32_1 = arith.constant 0 : i32
    return %c0_i32, %arg0, %c0_i32_0 : i32, i32, i32
  }
  func.func @transform_1(%arg0: i32) -> (i32, i32, i32) {
    %c1_i32 = arith.constant 1 : i32
    %c0_i32 = arith.constant 0 : i32
    %c0_i32_0 = arith.constant 0 : i32
    return %c1_i32, %arg0, %c0_i32 : i32, i32, i32
  }
  func.func @transform_2(%arg0: i32) -> (i32, i32) {
    %c0_i32 = arith.constant 0 : i32
    %c0_i32_0 = arith.constant 0 : i32
    return %arg0, %c0_i32 : i32, i32
  }
  func.func @transform_3(%arg0: i32) -> (i32, i32, i32) {
    %c0_i32 = arith.constant 0 : i32
    %c0_i32_0 = arith.constant 0 : i32
    %c0_i32_1 = arith.constant 0 : i32
    return %c0_i32, %arg0, %c0_i32_0 : i32, i32, i32
  }
  func.func @transform_4(%arg0: i32) -> (i32, i32) {
    %c0_i32 = arith.constant 0 : i32
    %c0_i32_0 = arith.constant 0 : i32
    %c0_i32_1 = arith.constant 0 : i32
    return %c0_i32, %c0_i32_0 : i32, i32
  }
  func.func @transform_5(%arg0: i32) -> (i32, i32) {
    %c0_i32 = arith.constant 0 : i32
    %c0_i32_0 = arith.constant 0 : i32
    %c0_i32_1 = arith.constant 0 : i32
    return %c0_i32, %c0_i32_0 : i32, i32
  }
  func.func @transform_6(%arg0: i32) -> (i32, i32) {
    %c0_i32 = arith.constant 0 : i32
    %c0_i32_0 = arith.constant 0 : i32
    return %arg0, %c0_i32 : i32, i32
  }
  func.func @transform_7(%arg0: i32) -> (i32, i32) {
    %c0_i32 = arith.constant 0 : i32
    %c0_i32_0 = arith.constant 0 : i32
    return %arg0, %c0_i32 : i32, i32
  }
}

module attributes {stable_mosaic.version = 14 : i64} {
  func.func @_tc_last_body(%arg0: i32, %arg1: memref<1x2000x16xf32, #tpu.memory_space<vmem>>, %arg2: memref<1x2000x16xf32, #tpu.memory_space<vmem>>, %arg3: memref<2000x128xf32, #tpu.memory_space<vmem>>, %arg4: memref<2x2000x128xbf16, #tpu.memory_space<vmem>>, %arg5: memref<128x128xf32, #tpu.memory_space<vmem>>, %arg6: memref<1x128xf32, #tpu.memory_space<vmem>>, %arg7: memref<1x128xf32, #tpu.memory_space<vmem>>, %arg8: memref<2000x128xf32, #tpu.memory_space<vmem>>) attributes {dimension_semantics = [#tpu.dimension_semantics<parallel>], iteration_bounds = array<i64: 5>, scalar_prefetch = 0 : i64, scratch_operands = 0 : i64, tpu.core_type = #tpu.core_type<tc>, window_params = [{transform_indices = @transform_0, window_bounds = array<i64: 1, 2000, 16>}, {transform_indices = @transform_1, window_bounds = array<i64: 1, 2000, 16>}, {transform_indices = @transform_2, window_bounds = array<i64: 2000, 128>}, {transform_indices = @transform_3, window_bounds = array<i64: 2, 2000, 128>}, {pipeline_mode = #tpu.pipeline_mode<synchronous>, transform_indices = @transform_4, window_bounds = array<i64: 128, 128>}, {pipeline_mode = #tpu.pipeline_mode<synchronous>, transform_indices = @transform_5, window_bounds = array<i64: 1, 128>}, {pipeline_mode = #tpu.pipeline_mode<synchronous>, transform_indices = @transform_6, window_bounds = array<i64: 1, 128>}, {transform_indices = @transform_7, window_bounds = array<i64: 2000, 128>}]} {
    %get3A = arith.constant 0 : index
    %get3A_0 = arith.constant 0 : index
    %get3A_1 = arith.constant 0 : index
    %get3A_2 = vector.load %arg1[%get3A, %get3A_0, %get3A_1] : memref<1x2000x16xf32, #tpu.memory_space<vmem>>, vector<1x2000x1xf32>
    %get3A_3 = vector.shape_cast %get3A_2 : vector<1x2000x1xf32> to vector<2000x1xf32>
    %add3A = arith.constant 1.000000e+00 : f32
    %add3A_4 = vector.broadcast %add3A : f32 to vector<2000x1xf32>
    %add3A_5 = arith.addf %add3A_4, %get3A_3 : vector<2000x1xf32>
    %get3A_6 = arith.constant 0 : index
    %get3A_7 = arith.constant 0 : index
    %get3A_8 = arith.constant 0 : index
    %get3A_9 = vector.load %arg2[%get3A_6, %get3A_7, %get3A_8] : memref<1x2000x16xf32, #tpu.memory_space<vmem>>, vector<1x2000x1xf32>
    %get3A_10 = vector.shape_cast %get3A_9 : vector<1x2000x1xf32> to vector<2000x1xf32>
    %add3A_11 = arith.addf %add3A_5, %get3A_10 : vector<2000x1xf32>
    %rsqrt3A = math.rsqrt %add3A_11 : vector<2000x1xf32>
    %get3A_12 = arith.constant 0 : index
    %get3A_13 = arith.constant 0 : index
    %get3A_14 = arith.constant 0 : index
    %get3A_15 = vector.load %arg4[%get3A_12, %get3A_13, %get3A_14] : memref<2x2000x128xbf16, #tpu.memory_space<vmem>>, vector<1x2000x128xbf16>
    %get3A_16 = vector.shape_cast %get3A_15 : vector<1x2000x128xbf16> to vector<2000x128xbf16>
    %convert_element_type3A = arith.extf %get3A_16 : vector<2000x128xbf16> to vector<2000x128xf32>
    %get3A_17 = arith.constant 1 : index
    %get3A_18 = arith.constant 0 : index
    %get3A_19 = arith.constant 0 : index
    %get3A_20 = vector.load %arg4[%get3A_17, %get3A_18, %get3A_19] : memref<2x2000x128xbf16, #tpu.memory_space<vmem>>, vector<1x2000x128xbf16>
    %get3A_21 = vector.shape_cast %get3A_20 : vector<1x2000x128xbf16> to vector<2000x128xbf16>
    %convert_element_type3A_22 = arith.extf %get3A_21 : vector<2000x128xbf16> to vector<2000x128xf32>
    %add3A_23 = arith.addf %convert_element_type3A, %convert_element_type3A_22 : vector<2000x128xf32>
    %get3A_24 = arith.constant 0 : index
    %get3A_25 = arith.constant 0 : index
    %get3A_26 = vector.load %arg3[%get3A_24, %get3A_25] : memref<2000x128xf32, #tpu.memory_space<vmem>>, vector<2000x128xf32>
    %add3A_27 = arith.addf %get3A_26, %add3A_23 : vector<2000x128xf32>
    %mul3A = vector.broadcast %rsqrt3A : vector<2000x1xf32> to vector<2000x128xf32>
    %mul3A_28 = arith.mulf %mul3A, %add3A_27 : vector<2000x128xf32>
    %get3A_29 = arith.constant 0 : index
    %get3A_30 = arith.constant 0 : index
    %get3A_31 = vector.load %arg6[%get3A_29, %get3A_30] : memref<1x128xf32, #tpu.memory_space<vmem>>, vector<1x128xf32>
    %add3A_32 = vector.broadcast %get3A_31 : vector<1x128xf32> to vector<2000x128xf32>
    %add3A_33 = arith.addf %mul3A_28, %add3A_32 : vector<2000x128xf32>
    %get3A_34 = arith.constant 0 : index
    %get3A_35 = arith.constant 0 : index
    %get3A_36 = vector.load %arg5[%get3A_34, %get3A_35] : memref<128x128xf32, #tpu.memory_space<vmem>>, vector<128x128xf32>
    %dot_general3A = arith.constant dense<0.000000e+00> : vector<2000x128xf32>
    %dot_general3A_37 = tpu.matmul %add3A_33, %get3A_36, %dot_general3A {dimension_numbers = #tpu.dot_dimension_numbers<[1], [0], [0], [1], [0, 0, 1, 1], [], []>, transpose_lhs_hint = false} : vector<2000x128xf32>, vector<128x128xf32>, vector<2000x128xf32> -> vector<2000x128xf32>
    %get3A_38 = arith.constant 0 : index
    %get3A_39 = arith.constant 0 : index
    %get3A_40 = vector.load %arg7[%get3A_38, %get3A_39] : memref<1x128xf32, #tpu.memory_space<vmem>>, vector<1x128xf32>
    %add3A_41 = vector.broadcast %get3A_40 : vector<1x128xf32> to vector<2000x128xf32>
    %add3A_42 = arith.addf %dot_general3A_37, %add3A_41 : vector<2000x128xf32>
    %swap3A = arith.constant 0 : index
    %swap3A_43 = arith.constant 0 : index
    %swap3A_44 = vector.load %arg8[%swap3A, %swap3A_43] : memref<2000x128xf32, #tpu.memory_space<vmem>>, vector<2000x128xf32>
    tpu.vector_store %arg8[%swap3A, %swap3A_43], %add3A_42 {strides = array<i32>} : memref<2000x128xf32, #tpu.memory_space<vmem>>, vector<2000x128xf32>,
    return
  }
  func.func @transform_0(%arg0: i32) -> (i32, i32, i32) {
    %c0_i32 = arith.constant 0 : i32
    %c0_i32_0 = arith.constant 0 : i32
    %c0_i32_1 = arith.constant 0 : i32
    return %c0_i32, %arg0, %c0_i32_0 : i32, i32, i32
  }
  func.func @transform_1(%arg0: i32) -> (i32, i32, i32) {
    %c1_i32 = arith.constant 1 : i32
    %c0_i32 = arith.constant 0 : i32
    %c0_i32_0 = arith.constant 0 : i32
    return %c1_i32, %arg0, %c0_i32 : i32, i32, i32
  }
  func.func @transform_2(%arg0: i32) -> (i32, i32) {
    %c0_i32 = arith.constant 0 : i32
    %c0_i32_0 = arith.constant 0 : i32
    return %arg0, %c0_i32 : i32, i32
  }
  func.func @transform_3(%arg0: i32) -> (i32, i32, i32) {
    %c0_i32 = arith.constant 0 : i32
    %c0_i32_0 = arith.constant 0 : i32
    %c0_i32_1 = arith.constant 0 : i32
    return %c0_i32, %arg0, %c0_i32_0 : i32, i32, i32
  }
  func.func @transform_4(%arg0: i32) -> (i32, i32) {
    %c0_i32 = arith.constant 0 : i32
    %c0_i32_0 = arith.constant 0 : i32
    %c0_i32_1 = arith.constant 0 : i32
    return %c0_i32, %c0_i32_0 : i32, i32
  }
  func.func @transform_5(%arg0: i32) -> (i32, i32) {
    %c0_i32 = arith.constant 0 : i32
    %c0_i32_0 = arith.constant 0 : i32
    %c0_i32_1 = arith.constant 0 : i32
    return %c0_i32, %c0_i32_0 : i32, i32
  }
  func.func @transform_6(%arg0: i32) -> (i32, i32) {
    %c0_i32 = arith.constant 0 : i32
    %c0_i32_0 = arith.constant 0 : i32
    %c0_i32_1 = arith.constant 0 : i32
    return %c0_i32, %c0_i32_0 : i32, i32
  }
  func.func @transform_7(%arg0: i32) -> (i32, i32) {
    %c0_i32 = arith.constant 0 : i32
    %c0_i32_0 = arith.constant 0 : i32
    return %arg0, %c0_i32 : i32, i32
  }
}

</mosaic_0001>

<sc_bundles>
// kernel: kernel.10.cloned.1.call-start
scs
__scs_entry_jumppad:
0x0: {  	(pc) =	sbr.rel $0x88, $3  }
0x1: {  	(tag) =	ssettag $0x0;
	lr =	simm.s32 $0x1  }
0x2: {  	[smem:$0x3F97] =	sst lr;
	_ =	strace $0xD0000000  }
0x3: {  	_ = 	snop  }
0x4: {  	_ = 	snop  }
0x5: {  	_ = 	snop  }
0x6: {  	_ = 	snop  }
0x7: {  	_ = 	snop  }
__scs_overlays_trampoline_lowered:
0x8: {  	[smem:$0x3FA6] =	sst s0  }
0x9: {  	[smem:$0x3FA7] =	sst s1  }
0xa: {  	[smem:$0x3FA8] =	sst s2  }
0xb: {  	[smem:$0x3FA9] =	sst s3  }
0xc: {  	[smem:$0x3FAA] =	sst s4  }
0xd: {  	[smem:$0x3FAB] =	sst s5  }
0xe: {  	[smem:$0x3FAC] =	sst s6  }
0xf: {  	[smem:$0x3FAD] =	sst s7  }
0x10: {  	[smem:$0x3FAE] =	sst s8  }
0x11: {  	[smem:$0x3FAF] =	sst s9;
	s0 =	simm.s32 @!p0 $0x0  }
0x12: {  	s1 =	sld [smem:$0x3F95];
	s0 =	simm.s32 @p0 $0x1  }
0x13: {  	[smem:$0x3FB0] =	sst s0;
	s0 =	simm.s32 @!p1 $0x0  }
0x14: {  	s2 =	sld [smem:$0x3F94];
	s0 =	simm.s32 @p1 $0x1  }
0x15: {  	[smem:$0x3FB1] =	sst s0;
	s0 =	simm.s32 @!p2 $0x0  }
0x16: {  	s3 =	sld [smem:$0x3FDB];
	s0 =	simm.s32 @p2 $0x1  }
0x17: {  	s4 =	simm.s32 $0x1BF5;
	[smem:$0x3FB3] =	sst s0  }
0x18: {  	s0 =	sld [smem:$0x3F96];
	_ =	swait.ge [sflag:s4], $0x0  }
0x19: {  	s7 =	sld [smem:$0x3F97]  }
0x1a: {  	s8 =	sadd.s32 $0xFFFFE003, lr  }
0x1b: {  	s9 =	sadd.s32 $0xFFFFFEF7, lr;
	s5 =	simm.s32 $0xFFFFFFFF;
	p2 =	slt.u32 s8, $0xFFFFF086  }
0x1c: {  	p1 =	slt.u32 s9, $0xF7A;
	s5 =	simm.s32 @!p2 $0x0  }
0x1d: {  	s5 =	simm.s32 @p1 $0x1;
	p0 =	seq.s32 s7, s2  }
0x1e: {  	s7 =	smul.u32 @!p0 $0xF7A, s2;
	p2 =	seq.s32 @!p0 s5, $0x0  }
0x1f: {  	s9 =	smul.u32 $0xF7A, s1;
	s8 =	simm.s32 @!p0 $0x1BF5;
	p2 =	por !p2, p0  }
0x20: {  	[sflag:s8] =	ssyncset.s32 @!p0 $0xFFFFF086;
	s6 =	sadd.s32 @!p0 s3, s7;
	s7 =	simm.s32 @!p0 $0x108  }
0x21: {  	s3 =	sadd.s32 s3, s9;
	s6 =	sadd.s32 @!p0 $0x88, s6;
	s7 =	simm.s32 @p2 $0x1082  }
0x22: {  	[simem:s7], [sflag:s8] =	dma.local @!p0 [hbm:s6], $0xF7A  }
0x23: {  	s9 =	sor.u32 $0xD0000000, s2;
	s6 =	simm.s32 $0x108;
	_ =	swait.ge @!p0 [sflag:s8], $0x0  }
0x24: {  	s3 =	sadd.s32 $0x88, s3;
	s6 =	simm.s32 @!p1 $0x1082;
	[sflag:s4] =	ssyncset.s32 $0xFFFFF086  }
0x25: {  	[simem:s6], [sflag:s4] =	dma.local [hbm:s3], $0xF7A  }
0x26: {  	[smem:$0x3F97] =	sst s1;
	(tag) =	ssettag s2;
	_ =	strace s9  }
0x27: {  	s1 =	sld [smem:$0x3FA7]  }
0x28: {  	s2 =	sld [smem:$0x3FA8]  }
0x29: {  	s4 =	sld [smem:$0x3FAA]  }
0x2a: {  	p0 =	seq.s32 s5, $0x0;
	s5 =	sld [smem:$0x3FAB]  }
0x2b: {  	s6 =	sld [smem:$0x3FAC]  }
0x2c: {  	s7 =	sld [smem:$0x3FAD]  }
0x2d: {  	s3 =	simm.s32 $0x108;
	s8 =	sld [smem:$0x3FAE]  }
0x2e: {  	s3 =	simm.s32 @!p0 $0x1082;
	s9 =	sld [smem:$0x3FAF]  }
0x2f: {  	lr =	sadd.s32 s0, s3;
	s0 =	sld [smem:$0x3FA6]  }
0x30: {  	s3 =	sld [smem:$0x3FA9]  }
0x31: {  	[smem:$0x3FB2] =	sst s10  }
0x32: {  	s10 =	sld [smem:$0x3FB0];
	_ =	sdelay $0x3  }
0x33: {  	p0 =	seq.s32 s10, $0x1;
	s10 =	sld [smem:$0x3FB2];
	_ =	sdelay $0x3  }
0x34: {  	[smem:$0x3FB2] =	sst s10  }
0x35: {  	s10 =	sld [smem:$0x3FB1];
	_ =	sdelay $0x3  }
0x36: {  	p1 =	seq.s32 s10, $0x1;
	s10 =	sld [smem:$0x3FB2];
	_ =	sdelay $0x3  }
0x37: {  	[smem:$0x3FB2] =	sst s10  }
0x38: {  	s10 =	sld [smem:$0x3FB3]  }
0x39: {  	_ = 	snop;
	(pc) =	sbr.ind lr, $3  }
0x3a: {  	_ = 	snop  }
0x3b: {  	_ = 	snop  }
0x3c: {  	p2 =	seq.s32 s10, $0x1;
	s10 =	sld [smem:$0x3FB2]  }
0x3d: {  	_ =	shalt  }
0x3e: {  	_ =	shalt  }
0x3f: {  	_ =	shalt  }
0x40: {  	_ =	shalt  }
0x41: {  	_ =	shalt  }
0x42: {  	_ =	shalt  }
0x43: {  	_ =	shalt  }
0x44: {  	_ =	shalt  }
0x45: {  	_ =	shalt  }
0x46: {  	_ =	shalt  }
0x47: {  	_ =	shalt  }
0x48: {  	_ =	shalt  }
0x49: {  	_ =	shalt  }
0x4a: {  	_ =	shalt  }
0x4b: {  	_ =	shalt  }
0x4c: {  	_ =	shalt  }
0x4d: {  	_ =	shalt  }
0x4e: {  	_ =	shalt  }
0x4f: {  	_ =	shalt  }
0x50: {  	_ =	shalt  }
0x51: {  	_ =	shalt  }
0x52: {  	_ =	shalt  }
0x53: {  	_ =	shalt  }
0x54: {  	_ =	shalt  }
0x55: {  	_ =	shalt  }
0x56: {  	_ =	shalt  }
0x57: {  	_ =	shalt  }
0x58: {  	_ =	shalt  }
0x59: {  	_ =	shalt  }
0x5a: {  	_ =	shalt  }
0x5b: {  	_ =	shalt  }
0x5c: {  	_ =	shalt  }
0x5d: {  	_ =	shalt  }
0x5e: {  	_ =	shalt  }
0x5f: {  	_ =	shalt  }
0x60: {  	_ =	shalt  }
0x61: {  	_ =	shalt  }
0x62: {  	_ =	shalt  }
0x63: {  	_ =	shalt  }
0x64: {  	_ =	shalt  }
0x65: {  	_ =	shalt  }
0x66: {  	_ =	shalt  }
0x67: {  	_ =	shalt  }
0x68: {  	_ =	shalt  }
0x69: {  	_ =	shalt  }
0x6a: {  	_ =	shalt  }
0x6b: {  	_ =	shalt  }
0x6c: {  	_ =	shalt  }
0x6d: {  	_ =	shalt  }
0x6e: {  	_ =	shalt  }
0x6f: {  	_ =	shalt  }
0x70: {  	_ =	shalt  }
0x71: {  	_ =	shalt  }
0x72: {  	_ =	shalt  }
0x73: {  	_ =	shalt  }
0x74: {  	_ =	shalt  }
0x75: {  	_ =	shalt  }
0x76: {  	_ =	shalt  }
0x77: {  	_ =	shalt  }
0x78: {  	_ =	shalt  }
0x79: {  	_ =	shalt  }
0x7a: {  	_ =	shalt  }
0x7b: {  	_ =	shalt  }
0x7c: {  	_ =	shalt  }
0x7d: {  	_ =	shalt  }
0x7e: {  	_ =	shalt  }
0x7f: {  	_ =	shalt  }
0x80: {  	_ =	shalt  }
0x81: {  	_ =	shalt  }
0x82: {  	_ =	shalt  }
0x83: {  	_ =	shalt  }
0x84: {  	_ =	shalt  }
0x85: {  	_ =	shalt  }
0x86: {  	_ =	shalt  }
0x87: {  	_ =	shalt  }
.Lfunc_end0:
.L_simem_size_0:
called_computation_lowered:
.L_overlay_start_0:
0x88: {  	s2 =	sld [smem:$0x3FD9]  }
0x89: {  	s3 =	sld [smem:$0x3FFE];
	_ =	sdelay $0x1  }
0x8a: {  	s1 =	srdreg.scid  }
0x8b: {  	s0 =	sand.u32 $0x1, s1  }
0x8c: {  	s16 =	sshll.u32 s0, $0xA;
	s2 =	sadd.s32 s3, s2  }
0x8d: {  	s2 =	sadd.s32 s2, s16  }
0x8e: {  	[smem:$0x3FBE] =	sst s2  }
0x8f: {  	_ = 	snop  }
0x90: {  	(tm) =	ssettm $0x1  }
0x91: {  	s17 =	sld [smem:$0x3FFB];
	_ =	sdelay $0x3  }
0x92: {  	_ =	strace s17  }
0x93: {  	s2 =	sld [smem:$0x3FFC];
	_ =	sdelay $0x3  }
0x94: {  	_ =	strace s2  }
0x95: {  	s2 =	sld [smem:$0x3FFD];
	_ =	sdelay $0x3  }
0x96: {  	_ =	strace s2  }
0x97: {  	_ =	strace $0x8FFFFFFF  }
0x98: {  	s18 =	sld [smem:$0x3FDB];
	_ =	sdelay $0x1  }
0x99: {  	s19 =	simm.s32 $_scs_section_size  }
0x9a: {  	s4 =	simm.s32 $_size__tile_overlayer_lowered;
	s5 =	simm.s32 $_tile_overlayer_lowered  }
0x9b: {  	s22 =	simm.s32 $0x1BFF;
	s21 =	sshll.u32 s5, $0x1;
	s2 =	sadd.s32 s19, s18  }
0x9c: {  	s6 =	simm.s32 $0x0;
	s20 =	sshll.u32 s4, $0x1;
	s4 =	sadd.s32 s21, s2  }
0x9d: {  	[timem:s6], [sflag:s22] =	dma.local [hbm:s4], s20  }
0x9e: {  	_ =	swait.ge [sflag:s22], s20  }
0x9f: {  	s3 =	ssub.s32 $0x0, s20;
	[sflag:s22] =	ssyncset.done $0x0  }
0xa0: {  	[sflag:s22] =	ssyncadd.s32 s3;
	_ =	sdelay $0x1  }
0xa1: {  	s23 =	simm.s32 $0x1B8B  }
0xa2: {  	_ =	swait.ge [sflag:s23], $0x1  }
0xa3: {  	[sflag:s23] =	ssyncset.done $0x0  }
0xa4: {  	s25 =	simm.s32 $0x1B8E;
	s24 =	sld [smem:$0x3FFE];
	[sflag:s23] =	ssyncadd.s32 $0xFFFFFFFF  }
0xa5: {  	s26 =	simm.s32 $execute0_lowered;
	[smem:$0x3FD2] =	sst s25  }
0xa6: {  	s4 =	sshll.u32 s26, $0x1;
	_ =	strace $0x80000046;
	[dreg:$0x1] =	wrdreg $0xFFFFFFFF  }
0xa7: {  	s28 =	simm.s32 $_size_execute0_lowered;
	s2 =	sadd.s32 s2, s4;
	[dreg:$0x0] =	wrdreg $0x0  }
0xa8: {  	s4 =	sshll.u32 s28, $0x1;
	[dreg:$0x2] =	wrdreg s2  }
0xa9: {  	[dreg:$0x3] =	wrdreg s4  }
0xaa: {  	[dreg:$0x4] =	wrdreg $0xC0  }
0xab: {  	_ =	task [dreg:s6], $0x5FFFF  }
0xac: {  	[dreg:$0x1] =	wrdreg $0xFFFFFFFF  }
0xad: {  	[dreg:$0x0] =	wrdreg $0x60  }
0xae: {  	[dreg:$0x2] =	wrdreg s24  }
0xaf: {  	[dreg:$0x3] =	wrdreg $0x2C100  }
0xb0: {  	[dreg:$0x4] =	wrdreg $0x9  }
0xb1: {  	_ =	task.clear_ibuf [dreg:s6], $0x5FFFF;
	_ =	strace $0x90000046  }
0xb2: {  	s29 =	simm.s32 $0x9;
	_ =	strace $0x80000048  }
0xb3: {  	_ =	swait.ge [sflag:s29], $0x1  }
0xb4: {  	[sflag:s29] =	ssyncadd.s32 $0xFFFFFFFF  }
0xb5: {  	_ =	strace $0x90000048  }
0xb6: {  	_ =	sfence  }
0xb7: {  	s30 =	sld [smem:$0x0];
	_ =	sdelay $0x2  }
0xb8: {  	s31 =	sshll.u32 s1, $0xD;
	s1 =	sshrl.u32 s1, $0x2  }
0xb9: {  	s3 =	sand.u32 $0x4000, s31;
	s1 =	sadd.s32 s1, s30  }
0xba: {  	s0 =	sor.u32 s3, s0;
	s1 =	sshll.u32 s1, $0x11  }
0xbb: {  	s0 =	sor.u32 s1, s0  }
0xbc: {  	s0 =	sadd.s32 $0x8F2B, s0  }
0xbd: {  	[sflag:s0] =	ssyncadd.remote.s32 $0x1  }
0xbe: {  	_ =	sfence.sel $0xFFFF  }
0xbf: {  	[dreg:$0x0] =	wrdreg $0xFFFFFFFF;
	(pc) =	sbr.abs _section_cstart, $3  }
0xc0: {  	[dreg:$0x1] =	wrdreg $0xFFFFFFFF  }
0xc1: {  	_ =	task.clear_ibuf [dreg:s6], $0x2FFFF;
	_ =	strace $0x9FFFFFFF  }
0xc2: {  	(tm) =	ssettm $0x7FFFFFFF  }
0xc3: {  	_ =	shalt  }
tec
execute0_lowered:
.L_overlay_start_1:
0x0: {  	(tag) =	ssettag $0x1  }
0x1: {  	s0 =	srdreg.scid;
	s6 =	rddreg [dreg:$0x0]  }
0x2: {  	s2 =	rddreg [dreg:$0x1];
	s5 =	sand.u32 $0x1, s0;
	s0 =	stileid.u32  }
0x3: {  	s3 =	simm.s32 $0x0;
	s13 =	simm.s32 $0x0;
	s7 =	smul.u32 $0x2720, s0  }
0x4: {  	[smem:$0x7FF] =	sst s3;
	s1 =	sshll.u32 s5, $0x4;
	s8 =	smul.u32 $0x27200, s5  }
0x5: {  	s5 =	ssub.s32 $0x2, s5;
	s31 =	sshll.u32 s0, $0x6;
	s1 =	sor.u32 s0, s1  }
0x6: {  	s30 =	sshrl.u32 s5, $0x1;
	s4 =	smul.u32 $0x4E2, s1;
	s1 =	rddreg [dreg:$0x2]  }
0x7: {  	_ =	strace $0x80000047;
	s8 =	sadd.s32 s7, s8;
	s10 =	sshrl.u32 s7, $0x3  }
0x8: {  	s11 =	ssub.s32 s5, s30;
	s12 =	sadd.s32 s7, s2;
	s8 =	sshrl.u32 s8, $0x3  }
0x9: {  	s10 =	sadd.s32 s10, s6;
	s9 =	sadd.s32 s4, s6;
	s4 =	sadd.s32 $0x16E00, s6  }
0xa: {  	s8 =	sadd.s32 s8, s6;
	s5 =	sadd.s32 $0x17000, s10;
	s6 =	sor.u32 $0x1C02, s31  }
0xb: {  	s10 =	sshrl.u32 s12, $0x3;
	s12 =	simm.s32 $0x1;
	s7 =	sadd.s32 $0xD000, s9  }
0xc: {  	s8 =	sadd.s32 $0x1C000, s8;
	s9 =	smax.u32 s11, $0x1;
	s11 =	simm.s32 $0x2  }
.LBB2_1:
0xd: {  	[spmem:s10], [sflag:s6] =	dma.local [hbm:s5], $0x4E4  }
0xe: {  	_ =	swait.ge [sflag:s11], $0x4E4  }
0xf: {  	[sflag:s11] =	ssyncset.done $0x0  }
0x10: {  	[sflag:s11] =	ssyncadd.s32 $0xFFFFFB1C  }
0x11: {  	[tilespmem:s3], [sflag:$0x2] =	stream.linear.gather [hbm4b:s4+s3], $0x500, $0x38;
	[tilespmem:$0x5330] =	vst v63  }
0x12: {  	_ =	swait.ge [sflag:s11], $0x500  }
0x13: {  	[sflag:s11] =	ssyncset.done $0x0  }
0x14: {  	s14 =	simm.s32 $0x500;
	[sflag:s11] =	ssyncadd.s32 $0xFFFFFB00  }
0x15: {  	[tilespmem:s14], [sflag:$0x2] =	stream.linear.gather [hbm4b:s7+s3], $0x2710, $0x38;
	[tilespmem:$0x5330] =	vst v63  }
0x16: {  	_ =	swait.ge [sflag:s11], $0x2710  }
0x17: {  	[sflag:s11] =	ssyncset.done $0x0  }
0x18: {  	[sflag:s11] =	ssyncadd.s32 $0xFFFFD8F0  }
0x19: {  	s15 =	simm.s32 $0x0;
	[bflag:$0x0] =	sbarrier.arrive $0xFFFF  }
.LBB2_2:
0x1a: {  	p0 =	sgt.u32 s15, $0x7C  }
0x1b: {  	s16 =	simm.s32 @!p0 $0x50;
	s17 =	simm.s32 @!p0 $0x0;
	p1 =	slt.u32 @!p0 s15, $0x8  }
0x1c: {  	[spmem:s2] =	stream.indirect.scatter.add.f32 @!p0 [tilespmem:s17], [sflag:$0x1], $0x10, s14, s16, $0xb8;
	[tilespmem:$0x5330] =	vst v63  }
0x1d: {  	p0 =	por p0, !p1  }
0x1e: {  	_ =	swait.ge @p0 [sflag:s12], $0x500  }
0x1f: {  	s15 =	sadd.s32 $0x1, s15;
	[sflag:s12] =	ssyncset.done @p0 $0x0  }
0x20: {  	[sflag:s12] =	ssyncadd.s32 @p0 $0xFFFFFB00;
	p0 =	sne.s32 s15, $0x85  }
.Ltmp0:
0x21: {  	_ = 	snop;
	(pc) =	sbr.rel @p0 .LBB2_2-.Ltmp0, $2  }
0x22: {  	_ =	sdelay $0x2  }
0x23: {  	s14 =	sadd.s32 $0x50, s14  }
0x24: {  	s13 =	sadd.s32 $0x1, s13  }
0x25: {  	p0 =	sne.s32 s13, s9  }
.Ltmp1:
0x26: {  	[bflag:$0x0] =	sbarrier.arrive $0xFFFF;
	(pc) =	sbr.rel @p0 .LBB2_1-.Ltmp1, $4  }
0x27: {  	[hbm:s8], [sflag:s6] =	dma.local [spmem:s10], $0x4E4  }
0x28: {  	_ =	swait.ge [sflag:s11], $0x4E4  }
0x29: {  	[sflag:s11] =	ssyncset.done $0x0  }
0x2a: {  	[sflag:s11] =	ssyncadd.s32 $0xFFFFFB1C  }
0x2b: {  	_ =	sfence.sel $0x180000  }
0x2c: {  	[bflag:$0x0] =	sbarrier.arrive $0xFFFF  }
0x2d: {  	p0 =	sne.s32 s0, $0x0;
	_ =	strace $0x90000047  }
0x2e: {  	s0 =	sadd.s32 @!p0 $0x100000, s1;
	[bflag:$0x2] =	sbarrier.arrive $0xFFFF  }
0x2f: {  	[sflag:s0] =	ssyncadd.tile.s32 @!p0 $0x1;
	_ =	shalt  }
.Lfunc_end2:
_tile_overlayer_lowered:
.L_overlay_start_2:
0x30: {  	(tag) =	ssettag $0x2  }
0x31: {  	s0 =	rddreg [dreg:$0x0];
	s2 =	stileid.u32  }
0x32: {  	s1 =	rddreg [dreg:$0x1];
	p0 =	sne.s32 s2, $0x0  }
0x33: {  	s3 =	rddreg [dreg:$0x2];
	[bflag:$0x3] =	sbarrier.arrive $0xFFFF;
	s2 =	simm.s32 @!p0 $0x1C02  }
0x34: {  	[timem:s3], [sflag:s2] =	dma.local @!p0 [hbm:s0], s1  }
0x35: {  	s0 =	simm.s32 @!p0 $0x2  }
0x36: {  	_ =	swait.ge @!p0 [sflag:s0], s1  }
0x37: {  	s1 =	ssub.s32 @!p0 $0x0, s1;
	[sflag:s0] =	ssyncset.done @!p0 $0x0  }
0x38: {  	[sflag:s0] =	ssyncadd.s32 @!p0 s1  }
0x39: {  	[bflag:$0x3] =	sbarrier.arrive $0xFFFF  }
0x3a: {  	_ =	shalt  }

// kernel: kernel.13.cloned.1.call-start
scs
__scs_entry_jumppad:
0x0: {  	(pc) =	sbr.rel $0x88, $3  }
0x1: {  	(tag) =	ssettag $0x0;
	lr =	simm.s32 $0x1  }
0x2: {  	[smem:$0x3F97] =	sst lr;
	_ =	strace $0xD0000000  }
0x3: {  	_ = 	snop  }
0x4: {  	_ = 	snop  }
0x5: {  	_ = 	snop  }
0x6: {  	_ = 	snop  }
0x7: {  	_ = 	snop  }
__scs_overlays_trampoline_lowered:
0x8: {  	[smem:$0x3FA6] =	sst s0  }
0x9: {  	[smem:$0x3FA7] =	sst s1  }
0xa: {  	[smem:$0x3FA8] =	sst s2  }
0xb: {  	[smem:$0x3FA9] =	sst s3  }
0xc: {  	[smem:$0x3FAA] =	sst s4  }
0xd: {  	[smem:$0x3FAB] =	sst s5  }
0xe: {  	[smem:$0x3FAC] =	sst s6  }
0xf: {  	[smem:$0x3FAD] =	sst s7  }
0x10: {  	[smem:$0x3FAE] =	sst s8  }
0x11: {  	[smem:$0x3FAF] =	sst s9;
	s0 =	simm.s32 @!p0 $0x0  }
0x12: {  	s1 =	sld [smem:$0x3F95];
	s0 =	simm.s32 @p0 $0x1  }
0x13: {  	[smem:$0x3FB0] =	sst s0;
	s0 =	simm.s32 @!p1 $0x0  }
0x14: {  	s2 =	sld [smem:$0x3F94];
	s0 =	simm.s32 @p1 $0x1  }
0x15: {  	[smem:$0x3FB1] =	sst s0;
	s0 =	simm.s32 @!p2 $0x0  }
0x16: {  	s3 =	sld [smem:$0x3FDB];
	s0 =	simm.s32 @p2 $0x1  }
0x17: {  	s4 =	simm.s32 $0x1BF5;
	[smem:$0x3FB3] =	sst s0  }
0x18: {  	s0 =	sld [smem:$0x3F96];
	_ =	swait.ge [sflag:s4], $0x0  }
0x19: {  	s7 =	sld [smem:$0x3F97]  }
0x1a: {  	s8 =	sadd.s32 $0xFFFFE003, lr  }
0x1b: {  	s9 =	sadd.s32 $0xFFFFFEF7, lr;
	s5 =	simm.s32 $0xFFFFFFFF;
	p2 =	slt.u32 s8, $0xFFFFF086  }
0x1c: {  	p1 =	slt.u32 s9, $0xF7A;
	s5 =	simm.s32 @!p2 $0x0  }
0x1d: {  	s5 =	simm.s32 @p1 $0x1;
	p0 =	seq.s32 s7, s2  }
0x1e: {  	s7 =	smul.u32 @!p0 $0xF7A, s2;
	p2 =	seq.s32 @!p0 s5, $0x0  }
0x1f: {  	s9 =	smul.u32 $0xF7A, s1;
	s8 =	simm.s32 @!p0 $0x1BF5;
	p2 =	por !p2, p0  }
0x20: {  	[sflag:s8] =	ssyncset.s32 @!p0 $0xFFFFF086;
	s6 =	sadd.s32 @!p0 s3, s7;
	s7 =	simm.s32 @!p0 $0x108  }
0x21: {  	s3 =	sadd.s32 s3, s9;
	s6 =	sadd.s32 @!p0 $0x88, s6;
	s7 =	simm.s32 @p2 $0x1082  }
0x22: {  	[simem:s7], [sflag:s8] =	dma.local @!p0 [hbm:s6], $0xF7A  }
0x23: {  	s9 =	sor.u32 $0xD0000000, s2;
	s6 =	simm.s32 $0x108;
	_ =	swait.ge @!p0 [sflag:s8], $0x0  }
0x24: {  	s3 =	sadd.s32 $0x88, s3;
	s6 =	simm.s32 @!p1 $0x1082;
	[sflag:s4] =	ssyncset.s32 $0xFFFFF086  }
0x25: {  	[simem:s6], [sflag:s4] =	dma.local [hbm:s3], $0xF7A  }
0x26: {  	[smem:$0x3F97] =	sst s1;
	(tag) =	ssettag s2;
	_ =	strace s9  }
0x27: {  	s1 =	sld [smem:$0x3FA7]  }
0x28: {  	s2 =	sld [smem:$0x3FA8]  }
0x29: {  	s4 =	sld [smem:$0x3FAA]  }
0x2a: {  	p0 =	seq.s32 s5, $0x0;
	s5 =	sld [smem:$0x3FAB]  }
0x2b: {  	s6 =	sld [smem:$0x3FAC]  }
0x2c: {  	s7 =	sld [smem:$0x3FAD]  }
0x2d: {  	s3 =	simm.s32 $0x108;
	s8 =	sld [smem:$0x3FAE]  }
0x2e: {  	s3 =	simm.s32 @!p0 $0x1082;
	s9 =	sld [smem:$0x3FAF]  }
0x2f: {  	lr =	sadd.s32 s0, s3;
	s0 =	sld [smem:$0x3FA6]  }
0x30: {  	s3 =	sld [smem:$0x3FA9]  }
0x31: {  	[smem:$0x3FB2] =	sst s10  }
0x32: {  	s10 =	sld [smem:$0x3FB0];
	_ =	sdelay $0x3  }
0x33: {  	p0 =	seq.s32 s10, $0x1;
	s10 =	sld [smem:$0x3FB2];
	_ =	sdelay $0x3  }
0x34: {  	[smem:$0x3FB2] =	sst s10  }
0x35: {  	s10 =	sld [smem:$0x3FB1];
	_ =	sdelay $0x3  }
0x36: {  	p1 =	seq.s32 s10, $0x1;
	s10 =	sld [smem:$0x3FB2];
	_ =	sdelay $0x3  }
0x37: {  	[smem:$0x3FB2] =	sst s10  }
0x38: {  	s10 =	sld [smem:$0x3FB3]  }
0x39: {  	_ = 	snop;
	(pc) =	sbr.ind lr, $3  }
0x3a: {  	_ = 	snop  }
0x3b: {  	_ = 	snop  }
0x3c: {  	p2 =	seq.s32 s10, $0x1;
	s10 =	sld [smem:$0x3FB2]  }
0x3d: {  	_ =	shalt  }
0x3e: {  	_ =	shalt  }
0x3f: {  	_ =	shalt  }
0x40: {  	_ =	shalt  }
0x41: {  	_ =	shalt  }
0x42: {  	_ =	shalt  }
0x43: {  	_ =	shalt  }
0x44: {  	_ =	shalt  }
0x45: {  	_ =	shalt  }
0x46: {  	_ =	shalt  }
0x47: {  	_ =	shalt  }
0x48: {  	_ =	shalt  }
0x49: {  	_ =	shalt  }
0x4a: {  	_ =	shalt  }
0x4b: {  	_ =	shalt  }
0x4c: {  	_ =	shalt  }
0x4d: {  	_ =	shalt  }
0x4e: {  	_ =	shalt  }
0x4f: {  	_ =	shalt  }
0x50: {  	_ =	shalt  }
0x51: {  	_ =	shalt  }
0x52: {  	_ =	shalt  }
0x53: {  	_ =	shalt  }
0x54: {  	_ =	shalt  }
0x55: {  	_ =	shalt  }
0x56: {  	_ =	shalt  }
0x57: {  	_ =	shalt  }
0x58: {  	_ =	shalt  }
0x59: {  	_ =	shalt  }
0x5a: {  	_ =	shalt  }
0x5b: {  	_ =	shalt  }
0x5c: {  	_ =	shalt  }
0x5d: {  	_ =	shalt  }
0x5e: {  	_ =	shalt  }
0x5f: {  	_ =	shalt  }
0x60: {  	_ =	shalt  }
0x61: {  	_ =	shalt  }
0x62: {  	_ =	shalt  }
0x63: {  	_ =	shalt  }
0x64: {  	_ =	shalt  }
0x65: {  	_ =	shalt  }
0x66: {  	_ =	shalt  }
0x67: {  	_ =	shalt  }
0x68: {  	_ =	shalt  }
0x69: {  	_ =	shalt  }
0x6a: {  	_ =	shalt  }
0x6b: {  	_ =	shalt  }
0x6c: {  	_ =	shalt  }
0x6d: {  	_ =	shalt  }
0x6e: {  	_ =	shalt  }
0x6f: {  	_ =	shalt  }
0x70: {  	_ =	shalt  }
0x71: {  	_ =	shalt  }
0x72: {  	_ =	shalt  }
0x73: {  	_ =	shalt  }
0x74: {  	_ =	shalt  }
0x75: {  	_ =	shalt  }
0x76: {  	_ =	shalt  }
0x77: {  	_ =	shalt  }
0x78: {  	_ =	shalt  }
0x79: {  	_ =	shalt  }
0x7a: {  	_ =	shalt  }
0x7b: {  	_ =	shalt  }
0x7c: {  	_ =	shalt  }
0x7d: {  	_ =	shalt  }
0x7e: {  	_ =	shalt  }
0x7f: {  	_ =	shalt  }
0x80: {  	_ =	shalt  }
0x81: {  	_ =	shalt  }
0x82: {  	_ =	shalt  }
0x83: {  	_ =	shalt  }
0x84: {  	_ =	shalt  }
0x85: {  	_ =	shalt  }
0x86: {  	_ =	shalt  }
0x87: {  	_ =	shalt  }
.Lfunc_end0:
.L_simem_size_0:
called_computation.1_lowered:
.L_overlay_start_0:
0x88: {  	s2 =	sld [smem:$0x3FD9]  }
0x89: {  	s3 =	sld [smem:$0x3FFE];
	_ =	sdelay $0x1  }
0x8a: {  	s1 =	srdreg.scid  }
0x8b: {  	s0 =	sand.u32 $0x1, s1  }
0x8c: {  	s17 =	sshll.u32 s0, $0xA;
	s2 =	sadd.s32 s3, s2  }
0x8d: {  	s2 =	sadd.s32 s2, s17  }
0x8e: {  	[smem:$0x3FBE] =	sst s2  }
0x8f: {  	_ = 	snop  }
0x90: {  	s2 =	sld [smem:$0x3FD0];
	(tm) =	ssettm $0x1  }
0x91: {  	s18 =	sld [smem:$0x3FFB];
	_ =	sdelay $0x3  }
0x92: {  	_ =	strace s18  }
0x93: {  	s3 =	sld [smem:$0x3FFC];
	_ =	sdelay $0x3  }
0x94: {  	_ =	strace s3  }
0x95: {  	s3 =	sld [smem:$0x3FFD];
	_ =	sdelay $0x3  }
0x96: {  	_ =	strace s3  }
0x97: {  	_ =	strace $0x8FFFFFFF  }
0x98: {  	s19 =	sld [smem:$0x3FDB];
	_ =	sdelay $0x1  }
0x99: {  	s4 =	simm.s32 $_scs_section_size  }
0x9a: {  	s5 =	simm.s32 $_size__tile_overlayer_lowered;
	s6 =	simm.s32 $_tile_overlayer_lowered  }
0x9b: {  	s22 =	simm.s32 $0x1BFF;
	s21 =	sshll.u32 s6, $0x1;
	s3 =	sadd.s32 s4, s19  }
0x9c: {  	s7 =	simm.s32 $0x0;
	s20 =	sshll.u32 s5, $0x1;
	s5 =	sadd.s32 s21, s3  }
0x9d: {  	[timem:s7], [sflag:s22] =	dma.local [hbm:s5], s20  }
0x9e: {  	_ =	swait.ge [sflag:s22], s20  }
0x9f: {  	s4 =	ssub.s32 $0x0, s20;
	[sflag:s22] =	ssyncset.done $0x0  }
0xa0: {  	[sflag:s22] =	ssyncadd.s32 s4;
	_ =	sdelay $0x1  }
0xa1: {  	s23 =	simm.s32 $0x1B8B  }
0xa2: {  	_ =	swait.ge [sflag:s23], $0x1  }
0xa3: {  	[sflag:s23] =	ssyncset.done $0x0  }
0xa4: {  	s25 =	simm.s32 $0x1B8E;
	s24 =	sld [smem:$0x3FFE];
	[sflag:s23] =	ssyncadd.s32 $0xFFFFFFFF  }
0xa5: {  	s26 =	simm.s32 $execute0_lowered;
	[smem:$0x3FD2] =	sst s25  }
0xa6: {  	s5 =	sshll.u32 s26, $0x1;
	_ =	strace $0x80000049;
	[dreg:$0x1] =	wrdreg $0xFFFFFFFF  }
0xa7: {  	s28 =	simm.s32 $_size_execute0_lowered;
	s3 =	sadd.s32 s3, s5;
	[dreg:$0x0] =	wrdreg $0x0  }
0xa8: {  	s5 =	sshll.u32 s28, $0x1;
	[dreg:$0x2] =	wrdreg s3  }
0xa9: {  	[dreg:$0x3] =	wrdreg s5  }
0xaa: {  	[dreg:$0x4] =	wrdreg $0xC0  }
0xab: {  	_ =	task [dreg:s7], $0x5FFFF  }
0xac: {  	[dreg:$0x1] =	wrdreg $0xFFFFFFFF  }
0xad: {  	[dreg:$0x0] =	wrdreg $0x60  }
0xae: {  	[dreg:$0x2] =	wrdreg s24  }
0xaf: {  	[dreg:$0x3] =	wrdreg s2  }
0xb0: {  	[dreg:$0x4] =	wrdreg $0xEE200  }
0xb1: {  	[dreg:$0x5] =	wrdreg $0x9  }
0xb2: {  	_ =	task.clear_ibuf [dreg:s7], $0x6FFFF;
	_ =	strace $0x90000049  }
0xb3: {  	s29 =	simm.s32 $0x9;
	_ =	strace $0x8000004B  }
0xb4: {  	_ =	swait.ge [sflag:s29], $0x1  }
0xb5: {  	[sflag:s29] =	ssyncadd.s32 $0xFFFFFFFF  }
0xb6: {  	_ =	strace $0x9000004B  }
0xb7: {  	_ =	sfence  }
0xb8: {  	s30 =	sld [smem:$0x0];
	_ =	sdelay $0x2  }
0xb9: {  	s31 =	sshll.u32 s1, $0xD;
	s1 =	sshrl.u32 s1, $0x2  }
0xba: {  	s3 =	sand.u32 $0x4000, s31;
	s1 =	sadd.s32 s1, s30  }
0xbb: {  	s0 =	sor.u32 s3, s0;
	s1 =	sshll.u32 s1, $0x11  }
0xbc: {  	s0 =	sor.u32 s1, s0  }
0xbd: {  	s0 =	sadd.s32 $0x8F2B, s0  }
0xbe: {  	[sflag:s0] =	ssyncadd.remote.s32 $0x1  }
0xbf: {  	_ =	sfence.sel $0xFFFF  }
0xc0: {  	[dreg:$0x0] =	wrdreg $0xFFFFFFFF;
	(pc) =	sbr.abs _section_cstart, $3  }
0xc1: {  	[dreg:$0x1] =	wrdreg $0xFFFFFFFF  }
0xc2: {  	_ =	task.clear_ibuf [dreg:s7], $0x2FFFF;
	_ =	strace $0x9FFFFFFF  }
0xc3: {  	(tm) =	ssettm $0x7FFFFFFF  }
tec
execute0_lowered:
.L_overlay_start_1:
0x0: {  	(tag) =	ssettag $0x1  }
0x1: {  	s0 =	rddreg [dreg:$0x0]  }
0x2: {  	s1 =	rddreg [dreg:$0x1]  }
0x3: {  	s2 =	rddreg [dreg:$0x2]  }
0x4: {  	s3 =	srdreg.scid;
	s10 =	stileid.u32  }
0x5: {  	s14 =	simm.s32 $0x1;
	s15 =	simm.s32 $0x2;
	s16 =	simm.s32 $0x9  }
0x6: {  	s17 =	simm.s32 $0x50;
	s18 =	simm.s32 $0x4E20;
	s19 =	simm.s32 $0x6220  }
0x7: {  	s21 =	simm.s32 $0x7620;
	s31 =	simm.s32 $0xDA20;
	s13 =	simm.s32 $0x5  }
0x8: {  	s20 =	simm.s32 $0x4DD0;
	s28 =	simm.s32 $0x0;
	s5 =	sand.u32 $0x1, s3  }
0x9: {  	s3 =	simm.s32 $0x0;
	s6 =	smul.u32 $0x13900, s10;
	s24 =	sshll.u32 s10, $0x6  }
0xa: {  	s4 =	sshll.u32 s5, $0x4;
	[smem:$0x7FF] =	sst s3;
	s7 =	smul.u32 $0x139000, s5  }
0xb: {  	s5 =	ssub.s32 $0x2, s5;
	s25 =	sor.u32 $0x1C01, s24;
	s4 =	sor.u32 s10, s4  }
0xc: {  	_ =	strace $0x8000004A;
	s9 =	sshrl.u32 s5, $0x1;
	[dreg:$0x4] =	wrdreg s24  }
0xd: {  	s23 =	sshrl.u32 s6, $0x1;
	[dreg:$0x6] =	wrdreg s25;
	s25 =	simm.s32 $0x9E20  }
0xe: {  	s24 =	simm.s32 $0xD;
	s8 =	smul.u32 $0x4E2, s4;
	s4 =	sadd.s32 $0x74200, s0  }
0xf: {  	s7 =	sadd.s32 s6, s7;
	s22 =	ssub.s32 s5, s9;
	s12 =	sadd.s32 s23, s2  }
0x10: {  	s6 =	sshrl.u32 s6, $0x4;
	s23 =	simm.s32 $0x8A20;
	s7 =	sshrl.u32 s7, $0x4  }
0x11: {  	s1 =	sadd.s32 s1, s6;
	s30 =	smax.u32 s22, $0x1;
	s12 =	sshrl.u32 s12, $0x3  }
.Ltmp0:
0x12: {  	s8 =	sadd.s32 s8, s0;
	[dreg:$0x5] =	wrdreg s1;
	(pc) =	sbr.rel .LBB2_1-.Ltmp0, $4  }
0x13: {  	s22 =	simm.s32 $0xC;
	[dreg:$0xa] =	wrdreg s30;
	s26 =	sadd.s32 $0x3200, s8  }
0x14: {  	s0 =	sadd.s32 s7, s0;
	s29 =	sadd.s32 $0xD000, s8;
	[dreg:$0x7] =	wrdreg s26  }
0x15: {  	s1 =	simm.s32 $0xB;
	s0 =	sadd.s32 $0x87C00, s0;
	[dreg:$0x8] =	wrdreg s29  }
0x16: {  	[dreg:$0x9] =	wrdreg s0;
	s0 =	simm.s32 $0x4;
	s26 =	simm.s32 $0x11  }
.LBB2_7:
0x17: {  	[bflag:$0x0] =	sbarrier.arrive $0xFFFF  }
0x18: {  	s5 =	rddreg [dreg:$0x4]  }
0x19: {  	s6 =	rddreg [dreg:$0x9];
	s5 =	sor.u32 $0x1C11, s5  }
0x1a: {  	[hbm:s6], [sflag:s5] =	dma.local [spmem:s12], $0x1390  }
0x1b: {  	_ =	swait.ge [sflag:s26], $0x1390  }
0x1c: {  	s28 =	sadd.s32 $0x1, s28;
	s30 =	rddreg [dreg:$0xa]  }
0x1d: {  	p0 =	sne.s32 s28, s30  }
.Ltmp1:
0x1e: {  	_ = 	snop;
	(pc) =	sbr.rel @!p0 .LBB2_8-.Ltmp1, $3  }
0x1f: {  	_ =	sdelay $0x1  }
0x20: {  	[sflag:s26] =	ssyncset.done $0x0  }
0x21: {  	[sflag:s26] =	ssyncadd.s32 $0xFFFFEC70  }
.LBB2_1:
0x22: {  	s5 =	rddreg [dreg:$0x5]  }
0x23: {  	s6 =	rddreg [dreg:$0x6]  }
0x24: {  	[spmem:s12], [sflag:s6] =	dma.local [hbm:s5], $0x1390  }
0x25: {  	s5 =	rddreg [dreg:$0x7]  }
0x26: {  	[tilespmem:s3], [sflag:$0x2] =	stream.linear.gather [hbm4b:s5+s3], $0x2710, $0x38;
	[tilespmem:$0x18AA0] =	vst v63  }
0x27: {  	s10 =	simm.s32 $0x2710;
	s9 =	rddreg [dreg:$0x8]  }
0x28: {  	[tilespmem:s10], [sflag:$0x9] =	stream.linear.gather [hbm4b:s9+s3], $0x2710, $0x38;
	[tilespmem:$0x18AA0] =	vst v63  }
0x29: {  	_ =	swait.ge [sflag:s14], $0x1390  }
0x2a: {  	[sflag:s14] =	ssyncset.done $0x0  }
0x2b: {  	[sflag:s14] =	ssyncadd.s32 $0xFFFFEC70  }
0x2c: {  	_ =	swait.ge [sflag:s15], $0x2710  }
0x2d: {  	[sflag:s15] =	ssyncset.done $0x0  }
0x2e: {  	[sflag:s15] =	ssyncadd.s32 $0xFFFFD8F0  }
0x2f: {  	_ =	swait.ge [sflag:s16], $0x2710  }
0x30: {  	[sflag:s16] =	ssyncset.done $0x0  }
0x31: {  	[sflag:s16] =	ssyncadd.s32 $0xFFFFD8F0  }
0x32: {  	[bflag:$0x0] =	sbarrier.arrive $0xFFFF  }
0x33: {  	[tilespmem:s18], [sflag:$0x1] =	stream.indirect.gather [hbm4b:s4+s17], $0x40, s3, s17, $0xb8;
	[tilespmem:$0x18AA0] =	vst v63  }
0x34: {  	_ = 	snop  }
0x35: {  	[tilespmem:s19], [sflag:$0x2] =	stream.indirect.gather [hbm4b:s4+s17], $0x40, s17, s17, $0xb8;
	[tilespmem:$0x18AA0] =	vst v63  }
0x36: {  	s11 =	simm.s32 $0xA0  }
0x37: {  	[tilespmem:s21], [sflag:$0x3] =	stream.indirect.gather [hbm4b:s4+s17], $0x40, s11, s17, $0xb8;
	[tilespmem:$0x18AA0] =	vst v63  }
0x38: {  	s6 =	simm.s32 $0xF0  }
0x39: {  	[tilespmem:s23], [sflag:$0x4] =	stream.indirect.gather [hbm4b:s4+s17], $0x40, s6, s17, $0xb8;
	[tilespmem:$0x18AA0] =	vst v63  }
0x3a: {  	s7 =	simm.s32 $0x140  }
0x3b: {  	[tilespmem:s25], [sflag:$0x5] =	stream.indirect.gather [hbm4b:s4+s17], $0x40, s7, s17, $0xb8;
	[tilespmem:$0x18AA0] =	vst v63  }
.Ltmp2:
0x3c: {  	s8 =	simm.s32 $0x190;
	(pc) =	sbr.rel .LBB2_2-.Ltmp2, $4  }
0x3d: {  	s29 =	simm.s32 $0x7;
	s30 =	simm.s32 $0x0;
	s9 =	simm.s32 $0xB220  }
0x3e: {  	[tilespmem:s9], [sflag:$0x6] =	stream.indirect.gather [hbm4b:s4+s17], $0x40, s8, s17, $0xb8;
	[tilespmem:$0x18AA0] =	vst v63  }
0x3f: {  	s10 =	simm.s32 $0x1E0;
	s11 =	simm.s32 $0xC620;
	s6 =	simm.s32 $0x0  }
0x40: {  	[tilespmem:s11], [sflag:$0x7] =	stream.indirect.gather [hbm4b:s4+s17], $0x40, s10, s17, $0xb8;
	[tilespmem:$0x18AA0] =	vst v63  }
.LBB2_5:
0x41: {  	s5 =	sadd.s32 $0x320, s8  }
0x42: {  	[tilespmem:s21], [sflag:$0x3] =	stream.indirect.gather [hbm4b:s4+s17], $0x40, s5, s17, $0xb8;
	[tilespmem:$0x18AA0] =	vst v63  }
0x43: {  	_ =	swait.ge [sflag:s13], $0x1400  }
0x44: {  	[sflag:s13] =	ssyncset.done $0x0  }
0x45: {  	s9 =	sadd.s32 $0x2850, s8;
	[sflag:s13] =	ssyncadd.s32 $0xFFFFEC00  }
0x46: {  	[spmem:s2] =	stream.indirect.scatter.add.bf16 [tilespmem:s25], [sflag:$0xD], $0x40, s9, s17, $0xb8;
	[tilespmem:$0x18AA0] =	vst v63  }
0x47: {  	s11 =	sadd.s32 $0xFFFFFFFE, s29;
	_ =	swait.ge [sflag:s22], $0x1400  }
0x48: {  	p1 =	slt.u32 s11, $0x7D;
	[sflag:s22] =	ssyncset.done $0x0  }
0x49: {  	s10 =	sadd.s32 $0x370, s8;
	s5 =	simm.s32 @p1 $0x6;
	[sflag:s22] =	ssyncadd.s32 $0xFFFFEC00  }
0x4a: {  	[tilespmem:s23], [sflag:$0x4] =	stream.indirect.gather [hbm4b:s4+s17], $0x40, s10, s17, $0xb8;
	[tilespmem:$0x18AA0] =	vst v63  }
0x4b: {  	_ =	swait.ge @p1 [sflag:s5], $0x1400  }
0x4c: {  	[sflag:s5] =	ssyncset.done @p1 $0x0  }
0x4d: {  	[sflag:s5] =	ssyncadd.s32 @p1 $0xFFFFEC00;
	s5 =	sshra.s32 @p1 s30, $0x2  }
0x4e: {  	s9 =	simm.s32 @p1 $0x50;
	s10 =	simm.s32 @p1 $0xB220;
	s8 =	sadd.s32 @p1 $0x28A0, s5  }
0x4f: {  	[spmem:s2] =	stream.indirect.scatter.add.bf16 @p1 [tilespmem:s10], [sflag:$0xE], $0x40, s8, s9, $0xb8;
	[tilespmem:$0x18AA0] =	vst v63  }
0x50: {  	s8 =	simm.s32 @p1 $0xD  }
0x51: {  	_ =	swait.ge @p1 [sflag:s8], $0x1400  }
0x52: {  	[sflag:s8] =	ssyncset.done @p1 $0x0  }
0x53: {  	s10 =	simm.s32 @p1 $0x9E20;
	[sflag:s8] =	ssyncadd.s32 @p1 $0xFFFFEC00;
	s8 =	sadd.s32 @p1 $0x3C0, s5  }
0x54: {  	[tilespmem:s10], [sflag:$0x5] =	stream.indirect.gather @p1 [hbm4b:s4+s9], $0x40, s8, s9, $0xb8;
	[tilespmem:$0x18AA0] =	vst v63  }
0x55: {  	s8 =	simm.s32 @p1 $0x7  }
0x56: {  	_ =	swait.ge @p1 [sflag:s8], $0x1400  }
0x57: {  	[sflag:s8] =	ssyncset.done @p1 $0x0  }
0x58: {  	s5 =	sadd.s32 @p1 $0x28F0, s5;
	[sflag:s8] =	ssyncadd.s32 @p1 $0xFFFFEC00;
	s8 =	simm.s32 @p1 $0xC620  }
0x59: {  	[spmem:s2] =	stream.indirect.scatter.add.bf16 @p1 [tilespmem:s8], [sflag:$0xF], $0x40, s5, s9, $0xb8;
	[tilespmem:$0x18AA0] =	vst v63  }
0x5a: {  	s5 =	simm.s32 @p1 $0xE  }
0x5b: {  	_ =	swait.ge @p1 [sflag:s5], $0x1400  }
0x5c: {  	[sflag:s5] =	ssyncset.done @p1 $0x0  }
0x5d: {  	[sflag:s5] =	ssyncadd.s32 @p1 $0xFFFFEC00;
	s5 =	simm.s32 @!p1 $0xD  }
0x5e: {  	_ =	swait.ge @!p1 [sflag:s5], $0x1400  }
0x5f: {  	p2 =	sgt.u32 s6, $0xD;
	[sflag:s5] =	ssyncset.done @!p1 $0x0  }
0x60: {  	p3 =	por @!p2 $0x1, $0x1;
	[sflag:s5] =	ssyncadd.s32 @!p1 $0xFFFFEC00;
	s5 =	sshra.s32 @!p1 s30, $0x2  }
0x61: {  	s8 =	simm.s32 @!p1 $0x50;
	s9 =	simm.s32 @!p1 $0x9E20;
	s5 =	sadd.s32 @!p1 $0x3C0, s5  }
0x62: {  	[tilespmem:s9], [sflag:$0x5] =	stream.indirect.gather @!p1 [hbm4b:s4+s8], $0x40, s5, s8, $0xb8;
	[tilespmem:$0x18AA0] =	vst v63  }
0x63: {  	s5 =	sshra.s32 @!p2 s30, $0x2;
	s8 =	simm.s32 @!p2 $0x50;
	p1 =	por $0x0, $0x0  }
0x64: {  	s9 =	simm.s32 @!p2 $0xB220;
	s5 =	sadd.s32 @!p2 $0x410, s5;
	p1 =	por @!p2 p3, p3  }
0x65: {  	[tilespmem:s9], [sflag:$0x6] =	stream.indirect.gather @!p2 [hbm4b:s4+s8], $0x40, s5, s8, $0xb8;
	[tilespmem:$0x18AA0] =	vst v63  }
.LBB2_6:
0x66: {  	s5 =	simm.s32 @p0 $0x8  }
0x67: {  	s8 =	smul.u32 @p0 $0x140, s7;
	_ =	swait.ge @p0 [sflag:s5], $0x1400  }
0x68: {  	[sflag:s5] =	ssyncset.done @p0 $0x0  }
0x69: {  	[sflag:s5] =	ssyncadd.s32 @p0 $0xFFFFEC00;
	s5 =	sshra.s32 @p0 s8, $0x2  }
0x6a: {  	s9 =	simm.s32 @p0 $0xDA20;
	s8 =	simm.s32 @p0 $0x50;
	s5 =	sadd.s32 @p0 $0x2710, s5  }
0x6b: {  	[spmem:s2] =	stream.indirect.scatter.add.bf16 @p0 [tilespmem:s9], [sflag:$0x10], $0x40, s5, s8, $0xb8;
	[tilespmem:$0x18AA0] =	vst v63  }
0x6c: {  	p0 =	sgt.u32 s7, $0x7D  }
0x6d: {  	s5 =	simm.s32 @!p0 $0xF  }
0x6e: {  	_ =	swait.ge @!p0 [sflag:s5], $0x1400  }
0x6f: {  	[sflag:s5] =	ssyncset.done @!p0 $0x0  }
0x70: {  	[sflag:s5] =	ssyncadd.s32 @!p0 $0xFFFFEC00;
	s5 =	sshra.s32 @p1 s30, $0x2;
	s30 =	sadd.s32 $0xA00, s30  }
0x71: {  	p0 =	sne.s32 s30, $0xA000  }
.Ltmp3:
0x72: {  	_ = 	snop;
	(pc) =	sbr.rel @!p0 .LBB2_7-.Ltmp3, $4  }
0x73: {  	_ = 	snop  }
0x74: {  	s6 =	sadd.s32 $0x1, s6;
	s29 =	sadd.s32 $0x8, s29  }
0x75: {  	s7 =	simm.s32 @p1 $0x50;
	s8 =	simm.s32 @p1 $0xC620;
	s5 =	sadd.s32 @p1 $0x460, s5  }
0x76: {  	[tilespmem:s8], [sflag:$0x7] =	stream.indirect.gather @p1 [hbm4b:s4+s7], $0x40, s5, s7, $0xb8;
	[tilespmem:$0x18AA0] =	vst v63  }
.LBB2_2:
0x77: {  	_ =	swait.ge [sflag:s14], $0x1400;
	s11 =	sadd.s32 $0xFFFFFFF8, s29  }
0x78: {  	s8 =	sshra.s32 s30, $0x2;
	[sflag:s14] =	ssyncset.done $0x0;
	p1 =	sgt.u32 s11, $0x7C  }
0x79: {  	s7 =	sadd.s32 $0x2710, s8;
	[sflag:s14] =	ssyncadd.s32 $0xFFFFEC00;
	p0 =	sgt.u32 @!p1 s29, $0x7C  }
0x7a: {  	[spmem:s2] =	stream.indirect.scatter.add.bf16 [tilespmem:s18], [sflag:$0x9], $0x40, s7, s17, $0xb8;
	[tilespmem:$0x18AA0] =	vst v63  }
0x7b: {  	p2 =	por p1, !p0  }
.Ltmp4:
0x7c: {  	_ = 	snop;
	(pc) =	sbr.rel @!p2 .LBB2_4-.Ltmp4, $4  }
0x7d: {  	s7 =	simm.s32 @!p1 $0x10  }
0x7e: {  	_ =	swait.ge @!p1 [sflag:s7], $0x1400  }
0x7f: {  	[sflag:s7] =	ssyncset.done @!p1 $0x0  }
0x80: {  	p0 =	por @!p1 $0x0, $0x0;
	[sflag:s7] =	ssyncadd.s32 @!p1 $0xFFFFEC00;
	s7 =	smov.u32 s29  }
0x81: {  	s7 =	smov.u32 s29  }
0x82: {  	s7 =	simm.s32 @p1 $0x7  }
0x83: {  	s9 =	smul.u32 $0x140, s7;
	_ =	sdelay $0x1  }
0x84: {  	p0 =	por $0x1, $0x1;
	s9 =	sshra.s32 s9, $0x2  }
0x85: {  	[tilespmem:s31], [sflag:$0x8] =	stream.indirect.gather [hbm4b:s4+s17], $0x40, s9, s17, $0xb8;
	[tilespmem:$0x18AA0] =	vst v63  }
.LBB2_4:
0x86: {  	_ =	swait.ge [sflag:s15], $0x1400  }
0x87: {  	[sflag:s15] =	ssyncset.done $0x0  }
0x88: {  	s9 =	sadd.s32 $0x2760, s8;
	[sflag:s15] =	ssyncadd.s32 $0xFFFFEC00  }
0x89: {  	[spmem:s2] =	stream.indirect.scatter.add.bf16 [tilespmem:s19], [sflag:$0xA], $0x40, s9, s17, $0xb8;
	[tilespmem:$0x18AA0] =	vst v63  }
0x8a: {  	_ =	swait.ge [sflag:s16], $0x1400  }
0x8b: {  	p1 =	seq.s32 s30, $0x9600;
	[sflag:s16] =	ssyncset.done $0x0  }
0x8c: {  	s9 =	simm.s32 @p1 $0x3;
	[sflag:s16] =	ssyncadd.s32 $0xFFFFEC00  }
0x8d: {  	_ =	swait.ge @p1 [sflag:s9], $0x1400  }
0x8e: {  	s10 =	simm.s32 @p1 $0x4D30;
	[sflag:s9] =	ssyncset.done @p1 $0x0  }
0x8f: {  	s11 =	simm.s32 @p1 $0x7620;
	[sflag:s9] =	ssyncadd.s32 @p1 $0xFFFFEC00;
	s9 =	simm.s32 @p1 $0x50  }
0x90: {  	[spmem:s2] =	stream.indirect.scatter.add.bf16 @p1 [tilespmem:s11], [sflag:$0xB], $0x40, s10, s9, $0xb8;
	[tilespmem:$0x18AA0] =	vst v63  }
0x91: {  	s9 =	simm.s32 @p1 $0xA  }
0x92: {  	_ =	swait.ge @p1 [sflag:s9], $0x1400  }
0x93: {  	[sflag:s9] =	ssyncset.done @p1 $0x0  }
0x94: {  	[sflag:s9] =	ssyncadd.s32 @p1 $0xFFFFEC00;
	s9 =	sshra.s32 @!p1 s30, $0x2  }
0x95: {  	s5 =	simm.s32 @!p1 $0x4E20;
	s11 =	simm.s32 @!p1 $0x50;
	s10 =	sadd.s32 @!p1 $0x280, s9  }
0x96: {  	[tilespmem:s5], [sflag:$0x1] =	stream.indirect.gather @!p1 [hbm4b:s4+s11], $0x40, s10, s11, $0xb8;
	[tilespmem:$0x18AA0] =	vst v63  }
0x97: {  	s5 =	simm.s32 @!p1 $0x3  }
0x98: {  	_ =	swait.ge @!p1 [sflag:s5], $0x1400  }
0x99: {  	[sflag:s5] =	ssyncset.done @!p1 $0x0  }
0x9a: {  	s10 =	simm.s32 @!p1 $0x7620;
	[sflag:s5] =	ssyncadd.s32 @!p1 $0xFFFFEC00;
	s5 =	sadd.s32 @!p1 $0x27B0, s9  }
0x9b: {  	[spmem:s2] =	stream.indirect.scatter.add.bf16 @!p1 [tilespmem:s10], [sflag:$0xB], $0x40, s5, s11, $0xb8;
	[tilespmem:$0x18AA0] =	vst v63  }
0x9c: {  	s5 =	simm.s32 @!p1 $0xA  }
0x9d: {  	_ =	swait.ge @!p1 [sflag:s5], $0x1400  }
0x9e: {  	[sflag:s5] =	ssyncset.done @!p1 $0x0  }
0x9f: {  	[sflag:s5] =	ssyncadd.s32 @!p1 $0xFFFFEC00;
	s5 =	sadd.s32 @!p1 $0x2D0, s9;
	s9 =	simm.s32 @!p1 $0x6220  }
0xa0: {  	[tilespmem:s9], [sflag:$0x2] =	stream.indirect.gather @!p1 [hbm4b:s4+s11], $0x40, s5, s11, $0xb8;
	[tilespmem:$0x18AA0] =	vst v63  }
0xa1: {  	s5 =	sadd.s32 @!p1 $0x3C0, s30  }
0xa2: {  	s5 =	simm.s32 @p1 $0x99C0;
	_ =	swait.ge [sflag:s0], $0x1400  }
0xa3: {  	[sflag:s0] =	ssyncset.done $0x0;
	s5 =	sshra.s32 s5, $0x2  }
.Ltmp5:
0xa4: {  	[sflag:s0] =	ssyncadd.s32 $0xFFFFEC00;
	s5 =	sadd.s32 $0x2710, s5;
	(pc) =	sbr.rel @!p1 .LBB2_5-.Ltmp5, $4  }
0xa5: {  	[spmem:s2] =	stream.indirect.scatter.add.bf16 [tilespmem:s23], [sflag:$0xC], $0x40, s5, s17, $0xb8;
	[tilespmem:$0x18AA0] =	vst v63  }
0xa6: {  	_ =	swait.ge [sflag:s1], $0x1400  }
0xa7: {  	[sflag:s1] =	ssyncset.done $0x0  }
0xa8: {  	[sflag:s1] =	ssyncadd.s32 $0xFFFFEC00  }
0xa9: {  	_ =	swait.ge [sflag:s13], $0x1400  }
0xaa: {  	[sflag:s13] =	ssyncset.done $0x0  }
0xab: {  	[sflag:s13] =	ssyncadd.s32 $0xFFFFEC00  }
0xac: {  	[spmem:s2] =	stream.indirect.scatter.add.bf16 [tilespmem:s25], [sflag:$0xD], $0x40, s20, s17, $0xb8;
	[tilespmem:$0x18AA0] =	vst v63  }
0xad: {  	_ =	swait.ge [sflag:s22], $0x1400  }
.Ltmp6:
0xae: {  	[sflag:s22] =	ssyncset.done $0x0;
	(pc) =	sbr.rel .LBB2_6-.Ltmp6, $4  }
0xaf: {  	[sflag:s22] =	ssyncadd.s32 $0xFFFFEC00  }
0xb0: {  	_ =	swait.ge [sflag:s24], $0x1400  }
0xb1: {  	[sflag:s24] =	ssyncset.done $0x0  }
0xb2: {  	p1 =	por $0x0, $0x0;
	[sflag:s24] =	ssyncadd.s32 $0xFFFFEC00  }
.LBB2_8:
0xb3: {  	_ =	sfence.sel $0x180000  }
0xb4: {  	[bflag:$0x0] =	sbarrier.arrive $0xFFFF  }
0xb5: {  	_ =	strace $0x9000004A  }
0xb6: {  	s0 =	stileid.u32;
	[bflag:$0x2] =	sbarrier.arrive $0xFFFF  }
0xb7: {  	p0 =	sne.s32 s0, $0x0;
	s0 =	rddreg [dreg:$0x3]  }
0xb8: {  	s0 =	sadd.s32 @!p0 $0x100000, s0  }
0xb9: {  	[sflag:s0] =	ssyncadd.tile.s32 @!p0 $0x1;
	_ =	shalt  }
.Lfunc_end2:
_tile_overlayer_lowered:
.L_overlay_start_2:
0xba: {  	(tag) =	ssettag $0x2  }
0xbb: {  	s0 =	rddreg [dreg:$0x0];
	s2 =	stileid.u32  }
0xbc: {  	s1 =	rddreg [dreg:$0x1];
	p0 =	sne.s32 s2, $0x0  }
0xbd: {  	s3 =	rddreg [dreg:$0x2];
	[bflag:$0x3] =	sbarrier.arrive $0xFFFF;
	s2 =	simm.s32 @!p0 $0x1C11  }
0xbe: {  	[timem:s3], [sflag:s2] =	dma.local @!p0 [hbm:s0], s1  }
0xbf: {  	s0 =	simm.s32 @!p0 $0x11  }
0xc0: {  	_ =	swait.ge @!p0 [sflag:s0], s1  }
0xc1: {  	s1 =	ssub.s32 @!p0 $0x0, s1;
	[sflag:s0] =	ssyncset.done @!p0 $0x0  }
0xc2: {  	[sflag:s0] =	ssyncadd.s32 @!p0 s1  }
0xc3: {  	[bflag:$0x3] =	sbarrier.arrive $0xFFFF  }
0xc4: {  	_ =	shalt  }

// kernel: kernel.16.cloned.1.call-start
scs
__scs_entry_jumppad:
0x0: {  	(pc) =	sbr.rel $0x88, $3  }
0x1: {  	(tag) =	ssettag $0x0;
	lr =	simm.s32 $0x1  }
0x2: {  	[smem:$0x3F97] =	sst lr;
	_ =	strace $0xD0000000  }
0x3: {  	_ = 	snop  }
0x4: {  	_ = 	snop  }
0x5: {  	_ = 	snop  }
0x6: {  	_ = 	snop  }
0x7: {  	_ = 	snop  }
__scs_overlays_trampoline_lowered:
0x8: {  	[smem:$0x3FA6] =	sst s0  }
0x9: {  	[smem:$0x3FA7] =	sst s1  }
0xa: {  	[smem:$0x3FA8] =	sst s2  }
0xb: {  	[smem:$0x3FA9] =	sst s3  }
0xc: {  	[smem:$0x3FAA] =	sst s4  }
0xd: {  	[smem:$0x3FAB] =	sst s5  }
0xe: {  	[smem:$0x3FAC] =	sst s6  }
0xf: {  	[smem:$0x3FAD] =	sst s7  }
0x10: {  	[smem:$0x3FAE] =	sst s8  }
0x11: {  	[smem:$0x3FAF] =	sst s9;
	s0 =	simm.s32 @!p0 $0x0  }
0x12: {  	s1 =	sld [smem:$0x3F95];
	s0 =	simm.s32 @p0 $0x1  }
0x13: {  	[smem:$0x3FB0] =	sst s0;
	s0 =	simm.s32 @!p1 $0x0  }
0x14: {  	s2 =	sld [smem:$0x3F94];
	s0 =	simm.s32 @p1 $0x1  }
0x15: {  	[smem:$0x3FB1] =	sst s0;
	s0 =	simm.s32 @!p2 $0x0  }
0x16: {  	s3 =	sld [smem:$0x3FDB];
	s0 =	simm.s32 @p2 $0x1  }
0x17: {  	s4 =	simm.s32 $0x1BF5;
	[smem:$0x3FB3] =	sst s0  }
0x18: {  	s0 =	sld [smem:$0x3F96];
	_ =	swait.ge [sflag:s4], $0x0  }
0x19: {  	s7 =	sld [smem:$0x3F97]  }
0x1a: {  	s8 =	sadd.s32 $0xFFFFE003, lr  }
0x1b: {  	s9 =	sadd.s32 $0xFFFFFEF7, lr;
	s5 =	simm.s32 $0xFFFFFFFF;
	p2 =	slt.u32 s8, $0xFFFFF086  }
0x1c: {  	p1 =	slt.u32 s9, $0xF7A;
	s5 =	simm.s32 @!p2 $0x0  }
0x1d: {  	s5 =	simm.s32 @p1 $0x1;
	p0 =	seq.s32 s7, s2  }
0x1e: {  	s7 =	smul.u32 @!p0 $0xF7A, s2;
	p2 =	seq.s32 @!p0 s5, $0x0  }
0x1f: {  	s9 =	smul.u32 $0xF7A, s1;
	s8 =	simm.s32 @!p0 $0x1BF5;
	p2 =	por !p2, p0  }
0x20: {  	[sflag:s8] =	ssyncset.s32 @!p0 $0xFFFFF086;
	s6 =	sadd.s32 @!p0 s3, s7;
	s7 =	simm.s32 @!p0 $0x108  }
0x21: {  	s3 =	sadd.s32 s3, s9;
	s6 =	sadd.s32 @!p0 $0x88, s6;
	s7 =	simm.s32 @p2 $0x1082  }
0x22: {  	[simem:s7], [sflag:s8] =	dma.local @!p0 [hbm:s6], $0xF7A  }
0x23: {  	s9 =	sor.u32 $0xD0000000, s2;
	s6 =	simm.s32 $0x108;
	_ =	swait.ge @!p0 [sflag:s8], $0x0  }
0x24: {  	s3 =	sadd.s32 $0x88, s3;
	s6 =	simm.s32 @!p1 $0x1082;
	[sflag:s4] =	ssyncset.s32 $0xFFFFF086  }
0x25: {  	[simem:s6], [sflag:s4] =	dma.local [hbm:s3], $0xF7A  }
0x26: {  	[smem:$0x3F97] =	sst s1;
	(tag) =	ssettag s2;
	_ =	strace s9  }
0x27: {  	s1 =	sld [smem:$0x3FA7]  }
0x28: {  	s2 =	sld [smem:$0x3FA8]  }
0x29: {  	s4 =	sld [smem:$0x3FAA]  }
0x2a: {  	p0 =	seq.s32 s5, $0x0;
	s5 =	sld [smem:$0x3FAB]  }
0x2b: {  	s6 =	sld [smem:$0x3FAC]  }
0x2c: {  	s7 =	sld [smem:$0x3FAD]  }
0x2d: {  	s3 =	simm.s32 $0x108;
	s8 =	sld [smem:$0x3FAE]  }
0x2e: {  	s3 =	simm.s32 @!p0 $0x1082;
	s9 =	sld [smem:$0x3FAF]  }
0x2f: {  	lr =	sadd.s32 s0, s3;
	s0 =	sld [smem:$0x3FA6]  }
0x30: {  	s3 =	sld [smem:$0x3FA9]  }
0x31: {  	[smem:$0x3FB2] =	sst s10  }
0x32: {  	s10 =	sld [smem:$0x3FB0];
	_ =	sdelay $0x3  }
0x33: {  	p0 =	seq.s32 s10, $0x1;
	s10 =	sld [smem:$0x3FB2];
	_ =	sdelay $0x3  }
0x34: {  	[smem:$0x3FB2] =	sst s10  }
0x35: {  	s10 =	sld [smem:$0x3FB1];
	_ =	sdelay $0x3  }
0x36: {  	p1 =	seq.s32 s10, $0x1;
	s10 =	sld [smem:$0x3FB2];
	_ =	sdelay $0x3  }
0x37: {  	[smem:$0x3FB2] =	sst s10  }
0x38: {  	s10 =	sld [smem:$0x3FB3]  }
0x39: {  	_ = 	snop;
	(pc) =	sbr.ind lr, $3  }
0x3a: {  	_ = 	snop  }
0x3b: {  	_ = 	snop  }
0x3c: {  	p2 =	seq.s32 s10, $0x1;
	s10 =	sld [smem:$0x3FB2]  }
0x3d: {  	_ =	shalt  }
0x3e: {  	_ =	shalt  }
0x3f: {  	_ =	shalt  }
0x40: {  	_ =	shalt  }
0x41: {  	_ =	shalt  }
0x42: {  	_ =	shalt  }
0x43: {  	_ =	shalt  }
0x44: {  	_ =	shalt  }
0x45: {  	_ =	shalt  }
0x46: {  	_ =	shalt  }
0x47: {  	_ =	shalt  }
0x48: {  	_ =	shalt  }
0x49: {  	_ =	shalt  }
0x4a: {  	_ =	shalt  }
0x4b: {  	_ =	shalt  }
0x4c: {  	_ =	shalt  }
0x4d: {  	_ =	shalt  }
0x4e: {  	_ =	shalt  }
0x4f: {  	_ =	shalt  }
0x50: {  	_ =	shalt  }
0x51: {  	_ =	shalt  }
0x52: {  	_ =	shalt  }
0x53: {  	_ =	shalt  }
0x54: {  	_ =	shalt  }
0x55: {  	_ =	shalt  }
0x56: {  	_ =	shalt  }
0x57: {  	_ =	shalt  }
0x58: {  	_ =	shalt  }
0x59: {  	_ =	shalt  }
0x5a: {  	_ =	shalt  }
0x5b: {  	_ =	shalt  }
0x5c: {  	_ =	shalt  }
0x5d: {  	_ =	shalt  }
0x5e: {  	_ =	shalt  }
0x5f: {  	_ =	shalt  }
0x60: {  	_ =	shalt  }
0x61: {  	_ =	shalt  }
0x62: {  	_ =	shalt  }
0x63: {  	_ =	shalt  }
0x64: {  	_ =	shalt  }
0x65: {  	_ =	shalt  }
0x66: {  	_ =	shalt  }
0x67: {  	_ =	shalt  }
0x68: {  	_ =	shalt  }
0x69: {  	_ =	shalt  }
0x6a: {  	_ =	shalt  }
0x6b: {  	_ =	shalt  }
0x6c: {  	_ =	shalt  }
0x6d: {  	_ =	shalt  }
0x6e: {  	_ =	shalt  }
0x6f: {  	_ =	shalt  }
0x70: {  	_ =	shalt  }
0x71: {  	_ =	shalt  }
0x72: {  	_ =	shalt  }
0x73: {  	_ =	shalt  }
0x74: {  	_ =	shalt  }
0x75: {  	_ =	shalt  }
0x76: {  	_ =	shalt  }
0x77: {  	_ =	shalt  }
0x78: {  	_ =	shalt  }
0x79: {  	_ =	shalt  }
0x7a: {  	_ =	shalt  }
0x7b: {  	_ =	shalt  }
0x7c: {  	_ =	shalt  }
0x7d: {  	_ =	shalt  }
0x7e: {  	_ =	shalt  }
0x7f: {  	_ =	shalt  }
0x80: {  	_ =	shalt  }
0x81: {  	_ =	shalt  }
0x82: {  	_ =	shalt  }
0x83: {  	_ =	shalt  }
0x84: {  	_ =	shalt  }
0x85: {  	_ =	shalt  }
0x86: {  	_ =	shalt  }
0x87: {  	_ =	shalt  }
.Lfunc_end0:
.L_simem_size_0:
called_computation.2_lowered:
.L_overlay_start_0:
0x88: {  	s2 =	sld [smem:$0x3FD9]  }
0x89: {  	s3 =	sld [smem:$0x3FFE];
	_ =	sdelay $0x1  }
0x8a: {  	s1 =	srdreg.scid  }
0x8b: {  	s0 =	sand.u32 $0x1, s1  }
0x8c: {  	s17 =	sshll.u32 s0, $0xA;
	s2 =	sadd.s32 s3, s2  }
0x8d: {  	s2 =	sadd.s32 s2, s17  }
0x8e: {  	[smem:$0x3FBE] =	sst s2  }
0x8f: {  	_ = 	snop  }
0x90: {  	s2 =	sld [smem:$0x3FD0];
	(tm) =	ssettm $0x1  }
0x91: {  	s18 =	sld [smem:$0x3FFB];
	_ =	sdelay $0x3  }
0x92: {  	_ =	strace s18  }
0x93: {  	s3 =	sld [smem:$0x3FFC];
	_ =	sdelay $0x3  }
0x94: {  	_ =	strace s3  }
0x95: {  	s3 =	sld [smem:$0x3FFD];
	_ =	sdelay $0x3  }
0x96: {  	_ =	strace s3  }
0x97: {  	_ =	strace $0x8FFFFFFF  }
0x98: {  	s19 =	sld [smem:$0x3FDB];
	_ =	sdelay $0x1  }
0x99: {  	s4 =	simm.s32 $_scs_section_size  }
0x9a: {  	s5 =	simm.s32 $_size__tile_overlayer_lowered;
	s6 =	simm.s32 $_tile_overlayer_lowered  }
0x9b: {  	s22 =	simm.s32 $0x1BFF;
	s21 =	sshll.u32 s6, $0x1;
	s3 =	sadd.s32 s4, s19  }
0x9c: {  	s7 =	simm.s32 $0x0;
	s20 =	sshll.u32 s5, $0x1;
	s5 =	sadd.s32 s21, s3  }
0x9d: {  	[timem:s7], [sflag:s22] =	dma.local [hbm:s5], s20  }
0x9e: {  	_ =	swait.ge [sflag:s22], s20  }
0x9f: {  	s4 =	ssub.s32 $0x0, s20;
	[sflag:s22] =	ssyncset.done $0x0  }
0xa0: {  	[sflag:s22] =	ssyncadd.s32 s4;
	_ =	sdelay $0x1  }
0xa1: {  	s23 =	simm.s32 $0x1B8B  }
0xa2: {  	_ =	swait.ge [sflag:s23], $0x1  }
0xa3: {  	[sflag:s23] =	ssyncset.done $0x0  }
0xa4: {  	s25 =	simm.s32 $0x1B8E;
	s24 =	sld [smem:$0x3FFE];
	[sflag:s23] =	ssyncadd.s32 $0xFFFFFFFF  }
0xa5: {  	s26 =	simm.s32 $execute0_lowered;
	[smem:$0x3FD2] =	sst s25  }
0xa6: {  	s5 =	sshll.u32 s26, $0x1;
	_ =	strace $0x8000004C;
	[dreg:$0x1] =	wrdreg $0xFFFFFFFF  }
0xa7: {  	s28 =	simm.s32 $_size_execute0_lowered;
	s3 =	sadd.s32 s3, s5;
	[dreg:$0x0] =	wrdreg $0x0  }
0xa8: {  	s5 =	sshll.u32 s28, $0x1;
	[dreg:$0x2] =	wrdreg s3  }
0xa9: {  	[dreg:$0x3] =	wrdreg s5  }
0xaa: {  	[dreg:$0x4] =	wrdreg $0xC0  }
0xab: {  	_ =	task [dreg:s7], $0x5FFFF  }
0xac: {  	[dreg:$0x1] =	wrdreg $0xFFFFFFFF  }
0xad: {  	[dreg:$0x0] =	wrdreg $0x60  }
0xae: {  	[dreg:$0x2] =	wrdreg s24  }
0xaf: {  	[dreg:$0x3] =	wrdreg s2  }
0xb0: {  	[dreg:$0x4] =	wrdreg $0xEE200  }
0xb1: {  	[dreg:$0x5] =	wrdreg $0x9  }
0xb2: {  	_ =	task.clear_ibuf [dreg:s7], $0x6FFFF;
	_ =	strace $0x9000004C  }
0xb3: {  	s29 =	simm.s32 $0x9;
	_ =	strace $0x8000004E  }
0xb4: {  	_ =	swait.ge [sflag:s29], $0x1  }
0xb5: {  	[sflag:s29] =	ssyncadd.s32 $0xFFFFFFFF  }
0xb6: {  	_ =	strace $0x9000004E  }
0xb7: {  	_ =	sfence  }
0xb8: {  	s30 =	sld [smem:$0x0];
	_ =	sdelay $0x2  }
0xb9: {  	s31 =	sshll.u32 s1, $0xD;
	s1 =	sshrl.u32 s1, $0x2  }
0xba: {  	s3 =	sand.u32 $0x4000, s31;
	s1 =	sadd.s32 s1, s30  }
0xbb: {  	s0 =	sor.u32 s3, s0;
	s1 =	sshll.u32 s1, $0x11  }
0xbc: {  	s0 =	sor.u32 s1, s0  }
0xbd: {  	s0 =	sadd.s32 $0x8F2B, s0  }
0xbe: {  	[sflag:s0] =	ssyncadd.remote.s32 $0x1  }
0xbf: {  	_ =	sfence.sel $0xFFFF  }
0xc0: {  	[dreg:$0x0] =	wrdreg $0xFFFFFFFF;
	(pc) =	sbr.abs _section_cstart, $3  }
0xc1: {  	[dreg:$0x1] =	wrdreg $0xFFFFFFFF  }
0xc2: {  	_ =	task.clear_ibuf [dreg:s7], $0x2FFFF;
	_ =	strace $0x9FFFFFFF  }
0xc3: {  	(tm) =	ssettm $0x7FFFFFFF  }
tec
execute0_lowered:
.L_overlay_start_1:
0x0: {  	(tag) =	ssettag $0x1  }
0x1: {  	s0 =	rddreg [dreg:$0x0]  }
0x2: {  	s1 =	rddreg [dreg:$0x1]  }
0x3: {  	s2 =	rddreg [dreg:$0x2]  }
0x4: {  	s3 =	srdreg.scid;
	s10 =	stileid.u32  }
0x5: {  	s14 =	simm.s32 $0x1;
	s15 =	simm.s32 $0x2;
	s16 =	simm.s32 $0x9  }
0x6: {  	s17 =	simm.s32 $0x50;
	s18 =	simm.s32 $0x4E20;
	s19 =	simm.s32 $0x6220  }
0x7: {  	s21 =	simm.s32 $0x7620;
	s31 =	simm.s32 $0xDA20;
	s13 =	simm.s32 $0x5  }
0x8: {  	s20 =	simm.s32 $0x4DD0;
	s28 =	simm.s32 $0x0;
	s5 =	sand.u32 $0x1, s3  }
0x9: {  	s3 =	simm.s32 $0x0;
	s6 =	smul.u32 $0x13900, s10;
	s24 =	sshll.u32 s10, $0x6  }
0xa: {  	s4 =	sshll.u32 s5, $0x4;
	[smem:$0x7FF] =	sst s3;
	s7 =	smul.u32 $0x139000, s5  }
0xb: {  	s5 =	ssub.s32 $0x2, s5;
	s25 =	sor.u32 $0x1C01, s24;
	s4 =	sor.u32 s10, s4  }
0xc: {  	_ =	strace $0x8000004D;
	s9 =	sshrl.u32 s5, $0x1;
	[dreg:$0x4] =	wrdreg s24  }
0xd: {  	s23 =	sshrl.u32 s6, $0x1;
	[dreg:$0x6] =	wrdreg s25;
	s25 =	simm.s32 $0x9E20  }
0xe: {  	s24 =	simm.s32 $0xD;
	s8 =	smul.u32 $0x4E2, s4;
	s4 =	sadd.s32 $0x74200, s0  }
0xf: {  	s7 =	sadd.s32 s6, s7;
	s22 =	ssub.s32 s5, s9;
	s12 =	sadd.s32 s23, s2  }
0x10: {  	s6 =	sshrl.u32 s6, $0x4;
	s23 =	simm.s32 $0x8A20;
	s7 =	sshrl.u32 s7, $0x4  }
0x11: {  	s1 =	sadd.s32 s1, s6;
	s30 =	smax.u32 s22, $0x1;
	s12 =	sshrl.u32 s12, $0x3  }
.Ltmp0:
0x12: {  	s8 =	sadd.s32 s8, s0;
	[dreg:$0x5] =	wrdreg s1;
	(pc) =	sbr.rel .LBB2_1-.Ltmp0, $4  }
0x13: {  	s22 =	simm.s32 $0xC;
	[dreg:$0xa] =	wrdreg s30;
	s26 =	sadd.s32 $0x3200, s8  }
0x14: {  	s0 =	sadd.s32 s7, s0;
	s29 =	sadd.s32 $0xD000, s8;
	[dreg:$0x7] =	wrdreg s26  }
0x15: {  	s1 =	simm.s32 $0xB;
	s0 =	sadd.s32 $0x87C00, s0;
	[dreg:$0x8] =	wrdreg s29  }
0x16: {  	[dreg:$0x9] =	wrdreg s0;
	s0 =	simm.s32 $0x4;
	s26 =	simm.s32 $0x11  }
.LBB2_7:
0x17: {  	[bflag:$0x0] =	sbarrier.arrive $0xFFFF  }
0x18: {  	s5 =	rddreg [dreg:$0x4]  }
0x19: {  	s6 =	rddreg [dreg:$0x9];
	s5 =	sor.u32 $0x1C11, s5  }
0x1a: {  	[hbm:s6], [sflag:s5] =	dma.local [spmem:s12], $0x1390  }
0x1b: {  	_ =	swait.ge [sflag:s26], $0x1390  }
0x1c: {  	s28 =	sadd.s32 $0x1, s28;
	s30 =	rddreg [dreg:$0xa]  }
0x1d: {  	p0 =	sne.s32 s28, s30  }
.Ltmp1:
0x1e: {  	_ = 	snop;
	(pc) =	sbr.rel @!p0 .LBB2_8-.Ltmp1, $3  }
0x1f: {  	_ =	sdelay $0x1  }
0x20: {  	[sflag:s26] =	ssyncset.done $0x0  }
0x21: {  	[sflag:s26] =	ssyncadd.s32 $0xFFFFEC70  }
.LBB2_1:
0x22: {  	s5 =	rddreg [dreg:$0x5]  }
0x23: {  	s6 =	rddreg [dreg:$0x6]  }
0x24: {  	[spmem:s12], [sflag:s6] =	dma.local [hbm:s5], $0x1390  }
0x25: {  	s5 =	rddreg [dreg:$0x7]  }
0x26: {  	[tilespmem:s3], [sflag:$0x2] =	stream.linear.gather [hbm4b:s5+s3], $0x2710, $0x38;
	[tilespmem:$0x18AA0] =	vst v63  }
0x27: {  	s10 =	simm.s32 $0x2710;
	s9 =	rddreg [dreg:$0x8]  }
0x28: {  	[tilespmem:s10], [sflag:$0x9] =	stream.linear.gather [hbm4b:s9+s3], $0x2710, $0x38;
	[tilespmem:$0x18AA0] =	vst v63  }
0x29: {  	_ =	swait.ge [sflag:s14], $0x1390  }
0x2a: {  	[sflag:s14] =	ssyncset.done $0x0  }
0x2b: {  	[sflag:s14] =	ssyncadd.s32 $0xFFFFEC70  }
0x2c: {  	_ =	swait.ge [sflag:s15], $0x2710  }
0x2d: {  	[sflag:s15] =	ssyncset.done $0x0  }
0x2e: {  	[sflag:s15] =	ssyncadd.s32 $0xFFFFD8F0  }
0x2f: {  	_ =	swait.ge [sflag:s16], $0x2710  }
0x30: {  	[sflag:s16] =	ssyncset.done $0x0  }
0x31: {  	[sflag:s16] =	ssyncadd.s32 $0xFFFFD8F0  }
0x32: {  	[bflag:$0x0] =	sbarrier.arrive $0xFFFF  }
0x33: {  	[tilespmem:s18], [sflag:$0x1] =	stream.indirect.gather [hbm4b:s4+s17], $0x40, s3, s17, $0xb8;
	[tilespmem:$0x18AA0] =	vst v63  }
0x34: {  	_ = 	snop  }
0x35: {  	[tilespmem:s19], [sflag:$0x2] =	stream.indirect.gather [hbm4b:s4+s17], $0x40, s17, s17, $0xb8;
	[tilespmem:$0x18AA0] =	vst v63  }
0x36: {  	s11 =	simm.s32 $0xA0  }
0x37: {  	[tilespmem:s21], [sflag:$0x3] =	stream.indirect.gather [hbm4b:s4+s17], $0x40, s11, s17, $0xb8;
	[tilespmem:$0x18AA0] =	vst v63  }
0x38: {  	s6 =	simm.s32 $0xF0  }
0x39: {  	[tilespmem:s23], [sflag:$0x4] =	stream.indirect.gather [hbm4b:s4+s17], $0x40, s6, s17, $0xb8;
	[tilespmem:$0x18AA0] =	vst v63  }
0x3a: {  	s7 =	simm.s32 $0x140  }
0x3b: {  	[tilespmem:s25], [sflag:$0x5] =	stream.indirect.gather [hbm4b:s4+s17], $0x40, s7, s17, $0xb8;
	[tilespmem:$0x18AA0] =	vst v63  }
.Ltmp2:
0x3c: {  	s8 =	simm.s32 $0x190;
	(pc) =	sbr.rel .LBB2_2-.Ltmp2, $4  }
0x3d: {  	s29 =	simm.s32 $0x7;
	s30 =	simm.s32 $0x0;
	s9 =	simm.s32 $0xB220  }
0x3e: {  	[tilespmem:s9], [sflag:$0x6] =	stream.indirect.gather [hbm4b:s4+s17], $0x40, s8, s17, $0xb8;
	[tilespmem:$0x18AA0] =	vst v63  }
0x3f: {  	s10 =	simm.s32 $0x1E0;
	s11 =	simm.s32 $0xC620;
	s6 =	simm.s32 $0x0  }
0x40: {  	[tilespmem:s11], [sflag:$0x7] =	stream.indirect.gather [hbm4b:s4+s17], $0x40, s10, s17, $0xb8;
	[tilespmem:$0x18AA0] =	vst v63  }
.LBB2_5:
0x41: {  	s5 =	sadd.s32 $0x320, s8  }
0x42: {  	[tilespmem:s21], [sflag:$0x3] =	stream.indirect.gather [hbm4b:s4+s17], $0x40, s5, s17, $0xb8;
	[tilespmem:$0x18AA0] =	vst v63  }
0x43: {  	_ =	swait.ge [sflag:s13], $0x1400  }
0x44: {  	[sflag:s13] =	ssyncset.done $0x0  }
0x45: {  	s9 =	sadd.s32 $0x2850, s8;
	[sflag:s13] =	ssyncadd.s32 $0xFFFFEC00  }
0x46: {  	[spmem:s2] =	stream.indirect.scatter.add.bf16 [tilespmem:s25], [sflag:$0xD], $0x40, s9, s17, $0xb8;
	[tilespmem:$0x18AA0] =	vst v63  }
0x47: {  	s11 =	sadd.s32 $0xFFFFFFFE, s29;
	_ =	swait.ge [sflag:s22], $0x1400  }
0x48: {  	p1 =	slt.u32 s11, $0x7D;
	[sflag:s22] =	ssyncset.done $0x0  }
0x49: {  	s10 =	sadd.s32 $0x370, s8;
	s5 =	simm.s32 @p1 $0x6;
	[sflag:s22] =	ssyncadd.s32 $0xFFFFEC00  }
0x4a: {  	[tilespmem:s23], [sflag:$0x4] =	stream.indirect.gather [hbm4b:s4+s17], $0x40, s10, s17, $0xb8;
	[tilespmem:$0x18AA0] =	vst v63  }
0x4b: {  	_ =	swait.ge @p1 [sflag:s5], $0x1400  }
0x4c: {  	[sflag:s5] =	ssyncset.done @p1 $0x0  }
0x4d: {  	[sflag:s5] =	ssyncadd.s32 @p1 $0xFFFFEC00;
	s5 =	sshra.s32 @p1 s30, $0x2  }
0x4e: {  	s9 =	simm.s32 @p1 $0x50;
	s10 =	simm.s32 @p1 $0xB220;
	s8 =	sadd.s32 @p1 $0x28A0, s5  }
0x4f: {  	[spmem:s2] =	stream.indirect.scatter.add.bf16 @p1 [tilespmem:s10], [sflag:$0xE], $0x40, s8, s9, $0xb8;
	[tilespmem:$0x18AA0] =	vst v63  }
0x50: {  	s8 =	simm.s32 @p1 $0xD  }
0x51: {  	_ =	swait.ge @p1 [sflag:s8], $0x1400  }
0x52: {  	[sflag:s8] =	ssyncset.done @p1 $0x0  }
0x53: {  	s10 =	simm.s32 @p1 $0x9E20;
	[sflag:s8] =	ssyncadd.s32 @p1 $0xFFFFEC00;
	s8 =	sadd.s32 @p1 $0x3C0, s5  }
0x54: {  	[tilespmem:s10], [sflag:$0x5] =	stream.indirect.gather @p1 [hbm4b:s4+s9], $0x40, s8, s9, $0xb8;
	[tilespmem:$0x18AA0] =	vst v63  }
0x55: {  	s8 =	simm.s32 @p1 $0x7  }
0x56: {  	_ =	swait.ge @p1 [sflag:s8], $0x1400  }
0x57: {  	[sflag:s8] =	ssyncset.done @p1 $0x0  }
0x58: {  	s5 =	sadd.s32 @p1 $0x28F0, s5;
	[sflag:s8] =	ssyncadd.s32 @p1 $0xFFFFEC00;
	s8 =	simm.s32 @p1 $0xC620  }
0x59: {  	[spmem:s2] =	stream.indirect.scatter.add.bf16 @p1 [tilespmem:s8], [sflag:$0xF], $0x40, s5, s9, $0xb8;
	[tilespmem:$0x18AA0] =	vst v63  }
0x5a: {  	s5 =	simm.s32 @p1 $0xE  }
0x5b: {  	_ =	swait.ge @p1 [sflag:s5], $0x1400  }
0x5c: {  	[sflag:s5] =	ssyncset.done @p1 $0x0  }
0x5d: {  	[sflag:s5] =	ssyncadd.s32 @p1 $0xFFFFEC00;
	s5 =	simm.s32 @!p1 $0xD  }
0x5e: {  	_ =	swait.ge @!p1 [sflag:s5], $0x1400  }
0x5f: {  	p2 =	sgt.u32 s6, $0xD;
	[sflag:s5] =	ssyncset.done @!p1 $0x0  }
0x60: {  	p3 =	por @!p2 $0x1, $0x1;
	[sflag:s5] =	ssyncadd.s32 @!p1 $0xFFFFEC00;
	s5 =	sshra.s32 @!p1 s30, $0x2  }
0x61: {  	s8 =	simm.s32 @!p1 $0x50;
	s9 =	simm.s32 @!p1 $0x9E20;
	s5 =	sadd.s32 @!p1 $0x3C0, s5  }
0x62: {  	[tilespmem:s9], [sflag:$0x5] =	stream.indirect.gather @!p1 [hbm4b:s4+s8], $0x40, s5, s8, $0xb8;
	[tilespmem:$0x18AA0] =	vst v63  }
0x63: {  	s5 =	sshra.s32 @!p2 s30, $0x2;
	s8 =	simm.s32 @!p2 $0x50;
	p1 =	por $0x0, $0x0  }
0x64: {  	s9 =	simm.s32 @!p2 $0xB220;
	s5 =	sadd.s32 @!p2 $0x410, s5;
	p1 =	por @!p2 p3, p3  }
0x65: {  	[tilespmem:s9], [sflag:$0x6] =	stream.indirect.gather @!p2 [hbm4b:s4+s8], $0x40, s5, s8, $0xb8;
	[tilespmem:$0x18AA0] =	vst v63  }
.LBB2_6:
0x66: {  	s5 =	simm.s32 @p0 $0x8  }
0x67: {  	s8 =	smul.u32 @p0 $0x140, s7;
	_ =	swait.ge @p0 [sflag:s5], $0x1400  }
0x68: {  	[sflag:s5] =	ssyncset.done @p0 $0x0  }
0x69: {  	[sflag:s5] =	ssyncadd.s32 @p0 $0xFFFFEC00;
	s5 =	sshra.s32 @p0 s8, $0x2  }
0x6a: {  	s9 =	simm.s32 @p0 $0xDA20;
	s8 =	simm.s32 @p0 $0x50;
	s5 =	sadd.s32 @p0 $0x2710, s5  }
0x6b: {  	[spmem:s2] =	stream.indirect.scatter.add.bf16 @p0 [tilespmem:s9], [sflag:$0x10], $0x40, s5, s8, $0xb8;
	[tilespmem:$0x18AA0] =	vst v63  }
0x6c: {  	p0 =	sgt.u32 s7, $0x7D  }
0x6d: {  	s5 =	simm.s32 @!p0 $0xF  }
0x6e: {  	_ =	swait.ge @!p0 [sflag:s5], $0x1400  }
0x6f: {  	[sflag:s5] =	ssyncset.done @!p0 $0x0  }
0x70: {  	[sflag:s5] =	ssyncadd.s32 @!p0 $0xFFFFEC00;
	s5 =	sshra.s32 @p1 s30, $0x2;
	s30 =	sadd.s32 $0xA00, s30  }
0x71: {  	p0 =	sne.s32 s30, $0xA000  }
.Ltmp3:
0x72: {  	_ = 	snop;
	(pc) =	sbr.rel @!p0 .LBB2_7-.Ltmp3, $4  }
0x73: {  	_ = 	snop  }
0x74: {  	s6 =	sadd.s32 $0x1, s6;
	s29 =	sadd.s32 $0x8, s29  }
0x75: {  	s7 =	simm.s32 @p1 $0x50;
	s8 =	simm.s32 @p1 $0xC620;
	s5 =	sadd.s32 @p1 $0x460, s5  }
0x76: {  	[tilespmem:s8], [sflag:$0x7] =	stream.indirect.gather @p1 [hbm4b:s4+s7], $0x40, s5, s7, $0xb8;
	[tilespmem:$0x18AA0] =	vst v63  }
.LBB2_2:
0x77: {  	_ =	swait.ge [sflag:s14], $0x1400;
	s11 =	sadd.s32 $0xFFFFFFF8, s29  }
0x78: {  	s8 =	sshra.s32 s30, $0x2;
	[sflag:s14] =	ssyncset.done $0x0;
	p1 =	sgt.u32 s11, $0x7C  }
0x79: {  	s7 =	sadd.s32 $0x2710, s8;
	[sflag:s14] =	ssyncadd.s32 $0xFFFFEC00;
	p0 =	sgt.u32 @!p1 s29, $0x7C  }
0x7a: {  	[spmem:s2] =	stream.indirect.scatter.add.bf16 [tilespmem:s18], [sflag:$0x9], $0x40, s7, s17, $0xb8;
	[tilespmem:$0x18AA0] =	vst v63  }
0x7b: {  	p2 =	por p1, !p0  }
.Ltmp4:
0x7c: {  	_ = 	snop;
	(pc) =	sbr.rel @!p2 .LBB2_4-.Ltmp4, $4  }
0x7d: {  	s7 =	simm.s32 @!p1 $0x10  }
0x7e: {  	_ =	swait.ge @!p1 [sflag:s7], $0x1400  }
0x7f: {  	[sflag:s7] =	ssyncset.done @!p1 $0x0  }
0x80: {  	p0 =	por @!p1 $0x0, $0x0;
	[sflag:s7] =	ssyncadd.s32 @!p1 $0xFFFFEC00;
	s7 =	smov.u32 s29  }
0x81: {  	s7 =	smov.u32 s29  }
0x82: {  	s7 =	simm.s32 @p1 $0x7  }
0x83: {  	s9 =	smul.u32 $0x140, s7;
	_ =	sdelay $0x1  }
0x84: {  	p0 =	por $0x1, $0x1;
	s9 =	sshra.s32 s9, $0x2  }
0x85: {  	[tilespmem:s31], [sflag:$0x8] =	stream.indirect.gather [hbm4b:s4+s17], $0x40, s9, s17, $0xb8;
	[tilespmem:$0x18AA0] =	vst v63  }
.LBB2_4:
0x86: {  	_ =	swait.ge [sflag:s15], $0x1400  }
0x87: {  	[sflag:s15] =	ssyncset.done $0x0  }
0x88: {  	s9 =	sadd.s32 $0x2760, s8;
	[sflag:s15] =	ssyncadd.s32 $0xFFFFEC00  }
0x89: {  	[spmem:s2] =	stream.indirect.scatter.add.bf16 [tilespmem:s19], [sflag:$0xA], $0x40, s9, s17, $0xb8;
	[tilespmem:$0x18AA0] =	vst v63  }
0x8a: {  	_ =	swait.ge [sflag:s16], $0x1400  }
0x8b: {  	p1 =	seq.s32 s30, $0x9600;
	[sflag:s16] =	ssyncset.done $0x0  }
0x8c: {  	s9 =	simm.s32 @p1 $0x3;
	[sflag:s16] =	ssyncadd.s32 $0xFFFFEC00  }
0x8d: {  	_ =	swait.ge @p1 [sflag:s9], $0x1400  }
0x8e: {  	s10 =	simm.s32 @p1 $0x4D30;
	[sflag:s9] =	ssyncset.done @p1 $0x0  }
0x8f: {  	s11 =	simm.s32 @p1 $0x7620;
	[sflag:s9] =	ssyncadd.s32 @p1 $0xFFFFEC00;
	s9 =	simm.s32 @p1 $0x50  }
0x90: {  	[spmem:s2] =	stream.indirect.scatter.add.bf16 @p1 [tilespmem:s11], [sflag:$0xB], $0x40, s10, s9, $0xb8;
	[tilespmem:$0x18AA0] =	vst v63  }
0x91: {  	s9 =	simm.s32 @p1 $0xA  }
0x92: {  	_ =	swait.ge @p1 [sflag:s9], $0x1400  }
0x93: {  	[sflag:s9] =	ssyncset.done @p1 $0x0  }
0x94: {  	[sflag:s9] =	ssyncadd.s32 @p1 $0xFFFFEC00;
	s9 =	sshra.s32 @!p1 s30, $0x2  }
0x95: {  	s5 =	simm.s32 @!p1 $0x4E20;
	s11 =	simm.s32 @!p1 $0x50;
	s10 =	sadd.s32 @!p1 $0x280, s9  }
0x96: {  	[tilespmem:s5], [sflag:$0x1] =	stream.indirect.gather @!p1 [hbm4b:s4+s11], $0x40, s10, s11, $0xb8;
	[tilespmem:$0x18AA0] =	vst v63  }
0x97: {  	s5 =	simm.s32 @!p1 $0x3  }
0x98: {  	_ =	swait.ge @!p1 [sflag:s5], $0x1400  }
0x99: {  	[sflag:s5] =	ssyncset.done @!p1 $0x0  }
0x9a: {  	s10 =	simm.s32 @!p1 $0x7620;
	[sflag:s5] =	ssyncadd.s32 @!p1 $0xFFFFEC00;
	s5 =	sadd.s32 @!p1 $0x27B0, s9  }
0x9b: {  	[spmem:s2] =	stream.indirect.scatter.add.bf16 @!p1 [tilespmem:s10], [sflag:$0xB], $0x40, s5, s11, $0xb8;
	[tilespmem:$0x18AA0] =	vst v63  }
0x9c: {  	s5 =	simm.s32 @!p1 $0xA  }
0x9d: {  	_ =	swait.ge @!p1 [sflag:s5], $0x1400  }
0x9e: {  	[sflag:s5] =	ssyncset.done @!p1 $0x0  }
0x9f: {  	[sflag:s5] =	ssyncadd.s32 @!p1 $0xFFFFEC00;
	s5 =	sadd.s32 @!p1 $0x2D0, s9;
	s9 =	simm.s32 @!p1 $0x6220  }
0xa0: {  	[tilespmem:s9], [sflag:$0x2] =	stream.indirect.gather @!p1 [hbm4b:s4+s11], $0x40, s5, s11, $0xb8;
	[tilespmem:$0x18AA0] =	vst v63  }
0xa1: {  	s5 =	sadd.s32 @!p1 $0x3C0, s30  }
0xa2: {  	s5 =	simm.s32 @p1 $0x99C0;
	_ =	swait.ge [sflag:s0], $0x1400  }
0xa3: {  	[sflag:s0] =	ssyncset.done $0x0;
	s5 =	sshra.s32 s5, $0x2  }
.Ltmp5:
0xa4: {  	[sflag:s0] =	ssyncadd.s32 $0xFFFFEC00;
	s5 =	sadd.s32 $0x2710, s5;
	(pc) =	sbr.rel @!p1 .LBB2_5-.Ltmp5, $4  }
0xa5: {  	[spmem:s2] =	stream.indirect.scatter.add.bf16 [tilespmem:s23], [sflag:$0xC], $0x40, s5, s17, $0xb8;
	[tilespmem:$0x18AA0] =	vst v63  }
0xa6: {  	_ =	swait.ge [sflag:s1], $0x1400  }
0xa7: {  	[sflag:s1] =	ssyncset.done $0x0  }
0xa8: {  	[sflag:s1] =	ssyncadd.s32 $0xFFFFEC00  }
0xa9: {  	_ =	swait.ge [sflag:s13], $0x1400  }
0xaa: {  	[sflag:s13] =	ssyncset.done $0x0  }
0xab: {  	[sflag:s13] =	ssyncadd.s32 $0xFFFFEC00  }
0xac: {  	[spmem:s2] =	stream.indirect.scatter.add.bf16 [tilespmem:s25], [sflag:$0xD], $0x40, s20, s17, $0xb8;
	[tilespmem:$0x18AA0] =	vst v63  }
0xad: {  	_ =	swait.ge [sflag:s22], $0x1400  }
.Ltmp6:
0xae: {  	[sflag:s22] =	ssyncset.done $0x0;
	(pc) =	sbr.rel .LBB2_6-.Ltmp6, $4  }
0xaf: {  	[sflag:s22] =	ssyncadd.s32 $0xFFFFEC00  }
0xb0: {  	_ =	swait.ge [sflag:s24], $0x1400  }
0xb1: {  	[sflag:s24] =	ssyncset.done $0x0  }
0xb2: {  	p1 =	por $0x0, $0x0;
	[sflag:s24] =	ssyncadd.s32 $0xFFFFEC00  }
.LBB2_8:
0xb3: {  	_ =	sfence.sel $0x180000  }
0xb4: {  	[bflag:$0x0] =	sbarrier.arrive $0xFFFF  }
0xb5: {  	_ =	strace $0x9000004D  }
0xb6: {  	s0 =	stileid.u32;
	[bflag:$0x2] =	sbarrier.arrive $0xFFFF  }
0xb7: {  	p0 =	sne.s32 s0, $0x0;
	s0 =	rddreg [dreg:$0x3]  }
0xb8: {  	s0 =	sadd.s32 @!p0 $0x100000, s0  }
0xb9: {  	[sflag:s0] =	ssyncadd.tile.s32 @!p0 $0x1;
	_ =	shalt  }
.Lfunc_end2:
_tile_overlayer_lowered:
.L_overlay_start_2:
0xba: {  	(tag) =	ssettag $0x2  }
0xbb: {  	s0 =	rddreg [dreg:$0x0];
	s2 =	stileid.u32  }
0xbc: {  	s1 =	rddreg [dreg:$0x1];
	p0 =	sne.s32 s2, $0x0  }
0xbd: {  	s3 =	rddreg [dreg:$0x2];
	[bflag:$0x3] =	sbarrier.arrive $0xFFFF;
	s2 =	simm.s32 @!p0 $0x1C11  }
0xbe: {  	[timem:s3], [sflag:s2] =	dma.local @!p0 [hbm:s0], s1  }
0xbf: {  	s0 =	simm.s32 @!p0 $0x11  }
0xc0: {  	_ =	swait.ge @!p0 [sflag:s0], s1  }
0xc1: {  	s1 =	ssub.s32 @!p0 $0x0, s1;
	[sflag:s0] =	ssyncset.done @!p0 $0x0  }
0xc2: {  	[sflag:s0] =	ssyncadd.s32 @!p0 s1  }
0xc3: {  	[bflag:$0x3] =	sbarrier.arrive $0xFFFF  }
0xc4: {  	_ =	shalt  }

// kernel: kernel.19.cloned.1.call-start
scs
__scs_entry_jumppad:
0x0: {  	(pc) =	sbr.rel $0x88, $3  }
0x1: {  	(tag) =	ssettag $0x0;
	lr =	simm.s32 $0x1  }
0x2: {  	[smem:$0x3F97] =	sst lr;
	_ =	strace $0xD0000000  }
0x3: {  	_ = 	snop  }
0x4: {  	_ = 	snop  }
0x5: {  	_ = 	snop  }
0x6: {  	_ = 	snop  }
0x7: {  	_ = 	snop  }
__scs_overlays_trampoline_lowered:
0x8: {  	[smem:$0x3FA6] =	sst s0  }
0x9: {  	[smem:$0x3FA7] =	sst s1  }
0xa: {  	[smem:$0x3FA8] =	sst s2  }
0xb: {  	[smem:$0x3FA9] =	sst s3  }
0xc: {  	[smem:$0x3FAA] =	sst s4  }
0xd: {  	[smem:$0x3FAB] =	sst s5  }
0xe: {  	[smem:$0x3FAC] =	sst s6  }
0xf: {  	[smem:$0x3FAD] =	sst s7  }
0x10: {  	[smem:$0x3FAE] =	sst s8  }
0x11: {  	[smem:$0x3FAF] =	sst s9;
	s0 =	simm.s32 @!p0 $0x0  }
0x12: {  	s1 =	sld [smem:$0x3F95];
	s0 =	simm.s32 @p0 $0x1  }
0x13: {  	[smem:$0x3FB0] =	sst s0;
	s0 =	simm.s32 @!p1 $0x0  }
0x14: {  	s2 =	sld [smem:$0x3F94];
	s0 =	simm.s32 @p1 $0x1  }
0x15: {  	[smem:$0x3FB1] =	sst s0;
	s0 =	simm.s32 @!p2 $0x0  }
0x16: {  	s3 =	sld [smem:$0x3FDB];
	s0 =	simm.s32 @p2 $0x1  }
0x17: {  	s4 =	simm.s32 $0x1BF5;
	[smem:$0x3FB3] =	sst s0  }
0x18: {  	s0 =	sld [smem:$0x3F96];
	_ =	swait.ge [sflag:s4], $0x0  }
0x19: {  	s7 =	sld [smem:$0x3F97]  }
0x1a: {  	s8 =	sadd.s32 $0xFFFFE003, lr  }
0x1b: {  	s9 =	sadd.s32 $0xFFFFFEF7, lr;
	s5 =	simm.s32 $0xFFFFFFFF;
	p2 =	slt.u32 s8, $0xFFFFF086  }
0x1c: {  	p1 =	slt.u32 s9, $0xF7A;
	s5 =	simm.s32 @!p2 $0x0  }
0x1d: {  	s5 =	simm.s32 @p1 $0x1;
	p0 =	seq.s32 s7, s2  }
0x1e: {  	s7 =	smul.u32 @!p0 $0xF7A, s2;
	p2 =	seq.s32 @!p0 s5, $0x0  }
0x1f: {  	s9 =	smul.u32 $0xF7A, s1;
	s8 =	simm.s32 @!p0 $0x1BF5;
	p2 =	por !p2, p0  }
0x20: {  	[sflag:s8] =	ssyncset.s32 @!p0 $0xFFFFF086;
	s6 =	sadd.s32 @!p0 s3, s7;
	s7 =	simm.s32 @!p0 $0x108  }
0x21: {  	s3 =	sadd.s32 s3, s9;
	s6 =	sadd.s32 @!p0 $0x88, s6;
	s7 =	simm.s32 @p2 $0x1082  }
0x22: {  	[simem:s7], [sflag:s8] =	dma.local @!p0 [hbm:s6], $0xF7A  }
0x23: {  	s9 =	sor.u32 $0xD0000000, s2;
	s6 =	simm.s32 $0x108;
	_ =	swait.ge @!p0 [sflag:s8], $0x0  }
0x24: {  	s3 =	sadd.s32 $0x88, s3;
	s6 =	simm.s32 @!p1 $0x1082;
	[sflag:s4] =	ssyncset.s32 $0xFFFFF086  }
0x25: {  	[simem:s6], [sflag:s4] =	dma.local [hbm:s3], $0xF7A  }
0x26: {  	[smem:$0x3F97] =	sst s1;
	(tag) =	ssettag s2;
	_ =	strace s9  }
0x27: {  	s1 =	sld [smem:$0x3FA7]  }
0x28: {  	s2 =	sld [smem:$0x3FA8]  }
0x29: {  	s4 =	sld [smem:$0x3FAA]  }
0x2a: {  	p0 =	seq.s32 s5, $0x0;
	s5 =	sld [smem:$0x3FAB]  }
0x2b: {  	s6 =	sld [smem:$0x3FAC]  }
0x2c: {  	s7 =	sld [smem:$0x3FAD]  }
0x2d: {  	s3 =	simm.s32 $0x108;
	s8 =	sld [smem:$0x3FAE]  }
0x2e: {  	s3 =	simm.s32 @!p0 $0x1082;
	s9 =	sld [smem:$0x3FAF]  }
0x2f: {  	lr =	sadd.s32 s0, s3;
	s0 =	sld [smem:$0x3FA6]  }
0x30: {  	s3 =	sld [smem:$0x3FA9]  }
0x31: {  	[smem:$0x3FB2] =	sst s10  }
0x32: {  	s10 =	sld [smem:$0x3FB0];
	_ =	sdelay $0x3  }
0x33: {  	p0 =	seq.s32 s10, $0x1;
	s10 =	sld [smem:$0x3FB2];
	_ =	sdelay $0x3  }
0x34: {  	[smem:$0x3FB2] =	sst s10  }
0x35: {  	s10 =	sld [smem:$0x3FB1];
	_ =	sdelay $0x3  }
0x36: {  	p1 =	seq.s32 s10, $0x1;
	s10 =	sld [smem:$0x3FB2];
	_ =	sdelay $0x3  }
0x37: {  	[smem:$0x3FB2] =	sst s10  }
0x38: {  	s10 =	sld [smem:$0x3FB3]  }
0x39: {  	_ = 	snop;
	(pc) =	sbr.ind lr, $3  }
0x3a: {  	_ = 	snop  }
0x3b: {  	_ = 	snop  }
0x3c: {  	p2 =	seq.s32 s10, $0x1;
	s10 =	sld [smem:$0x3FB2]  }
0x3d: {  	_ =	shalt  }
0x3e: {  	_ =	shalt  }
0x3f: {  	_ =	shalt  }
0x40: {  	_ =	shalt  }
0x41: {  	_ =	shalt  }
0x42: {  	_ =	shalt  }
0x43: {  	_ =	shalt  }
0x44: {  	_ =	shalt  }
0x45: {  	_ =	shalt  }
0x46: {  	_ =	shalt  }
0x47: {  	_ =	shalt  }
0x48: {  	_ =	shalt  }
0x49: {  	_ =	shalt  }
0x4a: {  	_ =	shalt  }
0x4b: {  	_ =	shalt  }
0x4c: {  	_ =	shalt  }
0x4d: {  	_ =	shalt  }
0x4e: {  	_ =	shalt  }
0x4f: {  	_ =	shalt  }
0x50: {  	_ =	shalt  }
0x51: {  	_ =	shalt  }
0x52: {  	_ =	shalt  }
0x53: {  	_ =	shalt  }
0x54: {  	_ =	shalt  }
0x55: {  	_ =	shalt  }
0x56: {  	_ =	shalt  }
0x57: {  	_ =	shalt  }
0x58: {  	_ =	shalt  }
0x59: {  	_ =	shalt  }
0x5a: {  	_ =	shalt  }
0x5b: {  	_ =	shalt  }
0x5c: {  	_ =	shalt  }
0x5d: {  	_ =	shalt  }
0x5e: {  	_ =	shalt  }
0x5f: {  	_ =	shalt  }
0x60: {  	_ =	shalt  }
0x61: {  	_ =	shalt  }
0x62: {  	_ =	shalt  }
0x63: {  	_ =	shalt  }
0x64: {  	_ =	shalt  }
0x65: {  	_ =	shalt  }
0x66: {  	_ =	shalt  }
0x67: {  	_ =	shalt  }
0x68: {  	_ =	shalt  }
0x69: {  	_ =	shalt  }
0x6a: {  	_ =	shalt  }
0x6b: {  	_ =	shalt  }
0x6c: {  	_ =	shalt  }
0x6d: {  	_ =	shalt  }
0x6e: {  	_ =	shalt  }
0x6f: {  	_ =	shalt  }
0x70: {  	_ =	shalt  }
0x71: {  	_ =	shalt  }
0x72: {  	_ =	shalt  }
0x73: {  	_ =	shalt  }
0x74: {  	_ =	shalt  }
0x75: {  	_ =	shalt  }
0x76: {  	_ =	shalt  }
0x77: {  	_ =	shalt  }
0x78: {  	_ =	shalt  }
0x79: {  	_ =	shalt  }
0x7a: {  	_ =	shalt  }
0x7b: {  	_ =	shalt  }
0x7c: {  	_ =	shalt  }
0x7d: {  	_ =	shalt  }
0x7e: {  	_ =	shalt  }
0x7f: {  	_ =	shalt  }
0x80: {  	_ =	shalt  }
0x81: {  	_ =	shalt  }
0x82: {  	_ =	shalt  }
0x83: {  	_ =	shalt  }
0x84: {  	_ =	shalt  }
0x85: {  	_ =	shalt  }
0x86: {  	_ =	shalt  }
0x87: {  	_ =	shalt  }
.Lfunc_end0:
.L_simem_size_0:
called_computation.3_lowered:
.L_overlay_start_0:
0x88: {  	s2 =	sld [smem:$0x3FD9]  }
0x89: {  	s3 =	sld [smem:$0x3FFE];
	_ =	sdelay $0x1  }
0x8a: {  	s1 =	srdreg.scid  }
0x8b: {  	s0 =	sand.u32 $0x1, s1  }
0x8c: {  	s17 =	sshll.u32 s0, $0xA;
	s2 =	sadd.s32 s3, s2  }
0x8d: {  	s2 =	sadd.s32 s2, s17  }
0x8e: {  	[smem:$0x3FBE] =	sst s2  }
0x8f: {  	_ = 	snop  }
0x90: {  	s2 =	sld [smem:$0x3FD0];
	(tm) =	ssettm $0x1  }
0x91: {  	s18 =	sld [smem:$0x3FFB];
	_ =	sdelay $0x3  }
0x92: {  	_ =	strace s18  }
0x93: {  	s3 =	sld [smem:$0x3FFC];
	_ =	sdelay $0x3  }
0x94: {  	_ =	strace s3  }
0x95: {  	s3 =	sld [smem:$0x3FFD];
	_ =	sdelay $0x3  }
0x96: {  	_ =	strace s3  }
0x97: {  	_ =	strace $0x8FFFFFFF  }
0x98: {  	s19 =	sld [smem:$0x3FDB];
	_ =	sdelay $0x1  }
0x99: {  	s4 =	simm.s32 $_scs_section_size  }
0x9a: {  	s5 =	simm.s32 $_size__tile_overlayer_lowered;
	s6 =	simm.s32 $_tile_overlayer_lowered  }
0x9b: {  	s22 =	simm.s32 $0x1BFF;
	s21 =	sshll.u32 s6, $0x1;
	s3 =	sadd.s32 s4, s19  }
0x9c: {  	s7 =	simm.s32 $0x0;
	s20 =	sshll.u32 s5, $0x1;
	s5 =	sadd.s32 s21, s3  }
0x9d: {  	[timem:s7], [sflag:s22] =	dma.local [hbm:s5], s20  }
0x9e: {  	_ =	swait.ge [sflag:s22], s20  }
0x9f: {  	s4 =	ssub.s32 $0x0, s20;
	[sflag:s22] =	ssyncset.done $0x0  }
0xa0: {  	[sflag:s22] =	ssyncadd.s32 s4;
	_ =	sdelay $0x1  }
0xa1: {  	s23 =	simm.s32 $0x1B8B  }
0xa2: {  	_ =	swait.ge [sflag:s23], $0x1  }
0xa3: {  	[sflag:s23] =	ssyncset.done $0x0  }
0xa4: {  	s25 =	simm.s32 $0x1B8E;
	s24 =	sld [smem:$0x3FFE];
	[sflag:s23] =	ssyncadd.s32 $0xFFFFFFFF  }
0xa5: {  	s26 =	simm.s32 $execute0_lowered;
	[smem:$0x3FD2] =	sst s25  }
0xa6: {  	s5 =	sshll.u32 s26, $0x1;
	_ =	strace $0x8000004F;
	[dreg:$0x1] =	wrdreg $0xFFFFFFFF  }
0xa7: {  	s28 =	simm.s32 $_size_execute0_lowered;
	s3 =	sadd.s32 s3, s5;
	[dreg:$0x0] =	wrdreg $0x0  }
0xa8: {  	s5 =	sshll.u32 s28, $0x1;
	[dreg:$0x2] =	wrdreg s3  }
0xa9: {  	[dreg:$0x3] =	wrdreg s5  }
0xaa: {  	[dreg:$0x4] =	wrdreg $0xC0  }
0xab: {  	_ =	task [dreg:s7], $0x5FFFF  }
0xac: {  	[dreg:$0x1] =	wrdreg $0xFFFFFFFF  }
0xad: {  	[dreg:$0x0] =	wrdreg $0x60  }
0xae: {  	[dreg:$0x2] =	wrdreg s24  }
0xaf: {  	[dreg:$0x3] =	wrdreg s2  }
0xb0: {  	[dreg:$0x4] =	wrdreg $0xEE200  }
0xb1: {  	[dreg:$0x5] =	wrdreg $0x9  }
0xb2: {  	_ =	task.clear_ibuf [dreg:s7], $0x6FFFF;
	_ =	strace $0x9000004F  }
0xb3: {  	s29 =	simm.s32 $0x9;
	_ =	strace $0x80000051  }
0xb4: {  	_ =	swait.ge [sflag:s29], $0x1  }
0xb5: {  	[sflag:s29] =	ssyncadd.s32 $0xFFFFFFFF  }
0xb6: {  	_ =	strace $0x90000051  }
0xb7: {  	_ =	sfence  }
0xb8: {  	s30 =	sld [smem:$0x0];
	_ =	sdelay $0x2  }
0xb9: {  	s31 =	sshll.u32 s1, $0xD;
	s1 =	sshrl.u32 s1, $0x2  }
0xba: {  	s3 =	sand.u32 $0x4000, s31;
	s1 =	sadd.s32 s1, s30  }
0xbb: {  	s0 =	sor.u32 s3, s0;
	s1 =	sshll.u32 s1, $0x11  }
0xbc: {  	s0 =	sor.u32 s1, s0  }
0xbd: {  	s0 =	sadd.s32 $0x8F2B, s0  }
0xbe: {  	[sflag:s0] =	ssyncadd.remote.s32 $0x1  }
0xbf: {  	_ =	sfence.sel $0xFFFF  }
0xc0: {  	[dreg:$0x0] =	wrdreg $0xFFFFFFFF;
	(pc) =	sbr.abs _section_cstart, $3  }
0xc1: {  	[dreg:$0x1] =	wrdreg $0xFFFFFFFF  }
0xc2: {  	_ =	task.clear_ibuf [dreg:s7], $0x2FFFF;
	_ =	strace $0x9FFFFFFF  }
0xc3: {  	(tm) =	ssettm $0x7FFFFFFF  }
tec
execute0_lowered:
.L_overlay_start_1:
0x0: {  	(tag) =	ssettag $0x1  }
0x1: {  	s0 =	rddreg [dreg:$0x0]  }
0x2: {  	s1 =	rddreg [dreg:$0x1]  }
0x3: {  	s2 =	rddreg [dreg:$0x2]  }
0x4: {  	s3 =	srdreg.scid;
	s10 =	stileid.u32  }
0x5: {  	s14 =	simm.s32 $0x1;
	s15 =	simm.s32 $0x2;
	s16 =	simm.s32 $0x9  }
0x6: {  	s17 =	simm.s32 $0x50;
	s18 =	simm.s32 $0x4E20;
	s19 =	simm.s32 $0x6220  }
0x7: {  	s21 =	simm.s32 $0x7620;
	s31 =	simm.s32 $0xDA20;
	s13 =	simm.s32 $0x5  }
0x8: {  	s20 =	simm.s32 $0x4DD0;
	s28 =	simm.s32 $0x0;
	s5 =	sand.u32 $0x1, s3  }
0x9: {  	s3 =	simm.s32 $0x0;
	s6 =	smul.u32 $0x13900, s10;
	s24 =	sshll.u32 s10, $0x6  }
0xa: {  	s4 =	sshll.u32 s5, $0x4;
	[smem:$0x7FF] =	sst s3;
	s7 =	smul.u32 $0x139000, s5  }
0xb: {  	s5 =	ssub.s32 $0x2, s5;
	s25 =	sor.u32 $0x1C01, s24;
	s4 =	sor.u32 s10, s4  }
0xc: {  	_ =	strace $0x80000050;
	s9 =	sshrl.u32 s5, $0x1;
	[dreg:$0x4] =	wrdreg s24  }
0xd: {  	s23 =	sshrl.u32 s6, $0x1;
	[dreg:$0x6] =	wrdreg s25;
	s25 =	simm.s32 $0x9E20  }
0xe: {  	s24 =	simm.s32 $0xD;
	s8 =	smul.u32 $0x4E2, s4;
	s4 =	sadd.s32 $0x74200, s0  }
0xf: {  	s7 =	sadd.s32 s6, s7;
	s22 =	ssub.s32 s5, s9;
	s12 =	sadd.s32 s23, s2  }
0x10: {  	s6 =	sshrl.u32 s6, $0x4;
	s23 =	simm.s32 $0x8A20;
	s7 =	sshrl.u32 s7, $0x4  }
0x11: {  	s1 =	sadd.s32 s1, s6;
	s30 =	smax.u32 s22, $0x1;
	s12 =	sshrl.u32 s12, $0x3  }
.Ltmp0:
0x12: {  	s8 =	sadd.s32 s8, s0;
	[dreg:$0x5] =	wrdreg s1;
	(pc) =	sbr.rel .LBB2_1-.Ltmp0, $4  }
0x13: {  	s22 =	simm.s32 $0xC;
	[dreg:$0xa] =	wrdreg s30;
	s26 =	sadd.s32 $0x3200, s8  }
0x14: {  	s0 =	sadd.s32 s7, s0;
	s29 =	sadd.s32 $0xD000, s8;
	[dreg:$0x7] =	wrdreg s26  }
0x15: {  	s1 =	simm.s32 $0xB;
	s0 =	sadd.s32 $0x87C00, s0;
	[dreg:$0x8] =	wrdreg s29  }
0x16: {  	[dreg:$0x9] =	wrdreg s0;
	s0 =	simm.s32 $0x4;
	s26 =	simm.s32 $0x11  }
.LBB2_7:
0x17: {  	[bflag:$0x0] =	sbarrier.arrive $0xFFFF  }
0x18: {  	s5 =	rddreg [dreg:$0x4]  }
0x19: {  	s6 =	rddreg [dreg:$0x9];
	s5 =	sor.u32 $0x1C11, s5  }
0x1a: {  	[hbm:s6], [sflag:s5] =	dma.local [spmem:s12], $0x1390  }
0x1b: {  	_ =	swait.ge [sflag:s26], $0x1390  }
0x1c: {  	s28 =	sadd.s32 $0x1, s28;
	s30 =	rddreg [dreg:$0xa]  }
0x1d: {  	p0 =	sne.s32 s28, s30  }
.Ltmp1:
0x1e: {  	_ = 	snop;
	(pc) =	sbr.rel @!p0 .LBB2_8-.Ltmp1, $3  }
0x1f: {  	_ =	sdelay $0x1  }
0x20: {  	[sflag:s26] =	ssyncset.done $0x0  }
0x21: {  	[sflag:s26] =	ssyncadd.s32 $0xFFFFEC70  }
.LBB2_1:
0x22: {  	s5 =	rddreg [dreg:$0x5]  }
0x23: {  	s6 =	rddreg [dreg:$0x6]  }
0x24: {  	[spmem:s12], [sflag:s6] =	dma.local [hbm:s5], $0x1390  }
0x25: {  	s5 =	rddreg [dreg:$0x7]  }
0x26: {  	[tilespmem:s3], [sflag:$0x2] =	stream.linear.gather [hbm4b:s5+s3], $0x2710, $0x38;
	[tilespmem:$0x18AA0] =	vst v63  }
0x27: {  	s10 =	simm.s32 $0x2710;
	s9 =	rddreg [dreg:$0x8]  }
0x28: {  	[tilespmem:s10], [sflag:$0x9] =	stream.linear.gather [hbm4b:s9+s3], $0x2710, $0x38;
	[tilespmem:$0x18AA0] =	vst v63  }
0x29: {  	_ =	swait.ge [sflag:s14], $0x1390  }
0x2a: {  	[sflag:s14] =	ssyncset.done $0x0  }
0x2b: {  	[sflag:s14] =	ssyncadd.s32 $0xFFFFEC70  }
0x2c: {  	_ =	swait.ge [sflag:s15], $0x2710  }
0x2d: {  	[sflag:s15] =	ssyncset.done $0x0  }
0x2e: {  	[sflag:s15] =	ssyncadd.s32 $0xFFFFD8F0  }
0x2f: {  	_ =	swait.ge [sflag:s16], $0x2710  }
0x30: {  	[sflag:s16] =	ssyncset.done $0x0  }
0x31: {  	[sflag:s16] =	ssyncadd.s32 $0xFFFFD8F0  }
0x32: {  	[bflag:$0x0] =	sbarrier.arrive $0xFFFF  }
0x33: {  	[tilespmem:s18], [sflag:$0x1] =	stream.indirect.gather [hbm4b:s4+s17], $0x40, s3, s17, $0xb8;
	[tilespmem:$0x18AA0] =	vst v63  }
0x34: {  	_ = 	snop  }
0x35: {  	[tilespmem:s19], [sflag:$0x2] =	stream.indirect.gather [hbm4b:s4+s17], $0x40, s17, s17, $0xb8;
	[tilespmem:$0x18AA0] =	vst v63  }
0x36: {  	s11 =	simm.s32 $0xA0  }
0x37: {  	[tilespmem:s21], [sflag:$0x3] =	stream.indirect.gather [hbm4b:s4+s17], $0x40, s11, s17, $0xb8;
	[tilespmem:$0x18AA0] =	vst v63  }
0x38: {  	s6 =	simm.s32 $0xF0  }
0x39: {  	[tilespmem:s23], [sflag:$0x4] =	stream.indirect.gather [hbm4b:s4+s17], $0x40, s6, s17, $0xb8;
	[tilespmem:$0x18AA0] =	vst v63  }
0x3a: {  	s7 =	simm.s32 $0x140  }
0x3b: {  	[tilespmem:s25], [sflag:$0x5] =	stream.indirect.gather [hbm4b:s4+s17], $0x40, s7, s17, $0xb8;
	[tilespmem:$0x18AA0] =	vst v63  }
.Ltmp2:
0x3c: {  	s8 =	simm.s32 $0x190;
	(pc) =	sbr.rel .LBB2_2-.Ltmp2, $4  }
0x3d: {  	s29 =	simm.s32 $0x7;
	s30 =	simm.s32 $0x0;
	s9 =	simm.s32 $0xB220  }
0x3e: {  	[tilespmem:s9], [sflag:$0x6] =	stream.indirect.gather [hbm4b:s4+s17], $0x40, s8, s17, $0xb8;
	[tilespmem:$0x18AA0] =	vst v63  }
0x3f: {  	s10 =	simm.s32 $0x1E0;
	s11 =	simm.s32 $0xC620;
	s6 =	simm.s32 $0x0  }
0x40: {  	[tilespmem:s11], [sflag:$0x7] =	stream.indirect.gather [hbm4b:s4+s17], $0x40, s10, s17, $0xb8;
	[tilespmem:$0x18AA0] =	vst v63  }
.LBB2_5:
0x41: {  	s5 =	sadd.s32 $0x320, s8  }
0x42: {  	[tilespmem:s21], [sflag:$0x3] =	stream.indirect.gather [hbm4b:s4+s17], $0x40, s5, s17, $0xb8;
	[tilespmem:$0x18AA0] =	vst v63  }
0x43: {  	_ =	swait.ge [sflag:s13], $0x1400  }
0x44: {  	[sflag:s13] =	ssyncset.done $0x0  }
0x45: {  	s9 =	sadd.s32 $0x2850, s8;
	[sflag:s13] =	ssyncadd.s32 $0xFFFFEC00  }
0x46: {  	[spmem:s2] =	stream.indirect.scatter.add.bf16 [tilespmem:s25], [sflag:$0xD], $0x40, s9, s17, $0xb8;
	[tilespmem:$0x18AA0] =	vst v63  }
0x47: {  	s11 =	sadd.s32 $0xFFFFFFFE, s29;
	_ =	swait.ge [sflag:s22], $0x1400  }
0x48: {  	p1 =	slt.u32 s11, $0x7D;
	[sflag:s22] =	ssyncset.done $0x0  }
0x49: {  	s10 =	sadd.s32 $0x370, s8;
	s5 =	simm.s32 @p1 $0x6;
	[sflag:s22] =	ssyncadd.s32 $0xFFFFEC00  }
0x4a: {  	[tilespmem:s23], [sflag:$0x4] =	stream.indirect.gather [hbm4b:s4+s17], $0x40, s10, s17, $0xb8;
	[tilespmem:$0x18AA0] =	vst v63  }
0x4b: {  	_ =	swait.ge @p1 [sflag:s5], $0x1400  }
0x4c: {  	[sflag:s5] =	ssyncset.done @p1 $0x0  }
0x4d: {  	[sflag:s5] =	ssyncadd.s32 @p1 $0xFFFFEC00;
	s5 =	sshra.s32 @p1 s30, $0x2  }
0x4e: {  	s9 =	simm.s32 @p1 $0x50;
	s10 =	simm.s32 @p1 $0xB220;
	s8 =	sadd.s32 @p1 $0x28A0, s5  }
0x4f: {  	[spmem:s2] =	stream.indirect.scatter.add.bf16 @p1 [tilespmem:s10], [sflag:$0xE], $0x40, s8, s9, $0xb8;
	[tilespmem:$0x18AA0] =	vst v63  }
0x50: {  	s8 =	simm.s32 @p1 $0xD  }
0x51: {  	_ =	swait.ge @p1 [sflag:s8], $0x1400  }
0x52: {  	[sflag:s8] =	ssyncset.done @p1 $0x0  }
0x53: {  	s10 =	simm.s32 @p1 $0x9E20;
	[sflag:s8] =	ssyncadd.s32 @p1 $0xFFFFEC00;
	s8 =	sadd.s32 @p1 $0x3C0, s5  }
0x54: {  	[tilespmem:s10], [sflag:$0x5] =	stream.indirect.gather @p1 [hbm4b:s4+s9], $0x40, s8, s9, $0xb8;
	[tilespmem:$0x18AA0] =	vst v63  }
0x55: {  	s8 =	simm.s32 @p1 $0x7  }
0x56: {  	_ =	swait.ge @p1 [sflag:s8], $0x1400  }
0x57: {  	[sflag:s8] =	ssyncset.done @p1 $0x0  }
0x58: {  	s5 =	sadd.s32 @p1 $0x28F0, s5;
	[sflag:s8] =	ssyncadd.s32 @p1 $0xFFFFEC00;
	s8 =	simm.s32 @p1 $0xC620  }
0x59: {  	[spmem:s2] =	stream.indirect.scatter.add.bf16 @p1 [tilespmem:s8], [sflag:$0xF], $0x40, s5, s9, $0xb8;
	[tilespmem:$0x18AA0] =	vst v63  }
0x5a: {  	s5 =	simm.s32 @p1 $0xE  }
0x5b: {  	_ =	swait.ge @p1 [sflag:s5], $0x1400  }
0x5c: {  	[sflag:s5] =	ssyncset.done @p1 $0x0  }
0x5d: {  	[sflag:s5] =	ssyncadd.s32 @p1 $0xFFFFEC00;
	s5 =	simm.s32 @!p1 $0xD  }
0x5e: {  	_ =	swait.ge @!p1 [sflag:s5], $0x1400  }
0x5f: {  	p2 =	sgt.u32 s6, $0xD;
	[sflag:s5] =	ssyncset.done @!p1 $0x0  }
0x60: {  	p3 =	por @!p2 $0x1, $0x1;
	[sflag:s5] =	ssyncadd.s32 @!p1 $0xFFFFEC00;
	s5 =	sshra.s32 @!p1 s30, $0x2  }
0x61: {  	s8 =	simm.s32 @!p1 $0x50;
	s9 =	simm.s32 @!p1 $0x9E20;
	s5 =	sadd.s32 @!p1 $0x3C0, s5  }
0x62: {  	[tilespmem:s9], [sflag:$0x5] =	stream.indirect.gather @!p1 [hbm4b:s4+s8], $0x40, s5, s8, $0xb8;
	[tilespmem:$0x18AA0] =	vst v63  }
0x63: {  	s5 =	sshra.s32 @!p2 s30, $0x2;
	s8 =	simm.s32 @!p2 $0x50;
	p1 =	por $0x0, $0x0  }
0x64: {  	s9 =	simm.s32 @!p2 $0xB220;
	s5 =	sadd.s32 @!p2 $0x410, s5;
	p1 =	por @!p2 p3, p3  }
0x65: {  	[tilespmem:s9], [sflag:$0x6] =	stream.indirect.gather @!p2 [hbm4b:s4+s8], $0x40, s5, s8, $0xb8;
	[tilespmem:$0x18AA0] =	vst v63  }
.LBB2_6:
0x66: {  	s5 =	simm.s32 @p0 $0x8  }
0x67: {  	s8 =	smul.u32 @p0 $0x140, s7;
	_ =	swait.ge @p0 [sflag:s5], $0x1400  }
0x68: {  	[sflag:s5] =	ssyncset.done @p0 $0x0  }
0x69: {  	[sflag:s5] =	ssyncadd.s32 @p0 $0xFFFFEC00;
	s5 =	sshra.s32 @p0 s8, $0x2  }
0x6a: {  	s9 =	simm.s32 @p0 $0xDA20;
	s8 =	simm.s32 @p0 $0x50;
	s5 =	sadd.s32 @p0 $0x2710, s5  }
0x6b: {  	[spmem:s2] =	stream.indirect.scatter.add.bf16 @p0 [tilespmem:s9], [sflag:$0x10], $0x40, s5, s8, $0xb8;
	[tilespmem:$0x18AA0] =	vst v63  }
0x6c: {  	p0 =	sgt.u32 s7, $0x7D  }
0x6d: {  	s5 =	simm.s32 @!p0 $0xF  }
0x6e: {  	_ =	swait.ge @!p0 [sflag:s5], $0x1400  }
0x6f: {  	[sflag:s5] =	ssyncset.done @!p0 $0x0  }
0x70: {  	[sflag:s5] =	ssyncadd.s32 @!p0 $0xFFFFEC00;
	s5 =	sshra.s32 @p1 s30, $0x2;
	s30 =	sadd.s32 $0xA00, s30  }
0x71: {  	p0 =	sne.s32 s30, $0xA000  }
.Ltmp3:
0x72: {  	_ = 	snop;
	(pc) =	sbr.rel @!p0 .LBB2_7-.Ltmp3, $4  }
0x73: {  	_ = 	snop  }
0x74: {  	s6 =	sadd.s32 $0x1, s6;
	s29 =	sadd.s32 $0x8, s29  }
0x75: {  	s7 =	simm.s32 @p1 $0x50;
	s8 =	simm.s32 @p1 $0xC620;
	s5 =	sadd.s32 @p1 $0x460, s5  }
0x76: {  	[tilespmem:s8], [sflag:$0x7] =	stream.indirect.gather @p1 [hbm4b:s4+s7], $0x40, s5, s7, $0xb8;
	[tilespmem:$0x18AA0] =	vst v63  }
.LBB2_2:
0x77: {  	_ =	swait.ge [sflag:s14], $0x1400;
	s11 =	sadd.s32 $0xFFFFFFF8, s29  }
0x78: {  	s8 =	sshra.s32 s30, $0x2;
	[sflag:s14] =	ssyncset.done $0x0;
	p1 =	sgt.u32 s11, $0x7C  }
0x79: {  	s7 =	sadd.s32 $0x2710, s8;
	[sflag:s14] =	ssyncadd.s32 $0xFFFFEC00;
	p0 =	sgt.u32 @!p1 s29, $0x7C  }
0x7a: {  	[spmem:s2] =	stream.indirect.scatter.add.bf16 [tilespmem:s18], [sflag:$0x9], $0x40, s7, s17, $0xb8;
	[tilespmem:$0x18AA0] =	vst v63  }
0x7b: {  	p2 =	por p1, !p0  }
.Ltmp4:
0x7c: {  	_ = 	snop;
	(pc) =	sbr.rel @!p2 .LBB2_4-.Ltmp4, $4  }
0x7d: {  	s7 =	simm.s32 @!p1 $0x10  }
0x7e: {  	_ =	swait.ge @!p1 [sflag:s7], $0x1400  }
0x7f: {  	[sflag:s7] =	ssyncset.done @!p1 $0x0  }
0x80: {  	p0 =	por @!p1 $0x0, $0x0;
	[sflag:s7] =	ssyncadd.s32 @!p1 $0xFFFFEC00;
	s7 =	smov.u32 s29  }
0x81: {  	s7 =	smov.u32 s29  }
0x82: {  	s7 =	simm.s32 @p1 $0x7  }
0x83: {  	s9 =	smul.u32 $0x140, s7;
	_ =	sdelay $0x1  }
0x84: {  	p0 =	por $0x1, $0x1;
	s9 =	sshra.s32 s9, $0x2  }
0x85: {  	[tilespmem:s31], [sflag:$0x8] =	stream.indirect.gather [hbm4b:s4+s17], $0x40, s9, s17, $0xb8;
	[tilespmem:$0x18AA0] =	vst v63  }
.LBB2_4:
0x86: {  	_ =	swait.ge [sflag:s15], $0x1400  }
0x87: {  	[sflag:s15] =	ssyncset.done $0x0  }
0x88: {  	s9 =	sadd.s32 $0x2760, s8;
	[sflag:s15] =	ssyncadd.s32 $0xFFFFEC00  }
0x89: {  	[spmem:s2] =	stream.indirect.scatter.add.bf16 [tilespmem:s19], [sflag:$0xA], $0x40, s9, s17, $0xb8;
	[tilespmem:$0x18AA0] =	vst v63  }
0x8a: {  	_ =	swait.ge [sflag:s16], $0x1400  }
0x8b: {  	p1 =	seq.s32 s30, $0x9600;
	[sflag:s16] =	ssyncset.done $0x0  }
0x8c: {  	s9 =	simm.s32 @p1 $0x3;
	[sflag:s16] =	ssyncadd.s32 $0xFFFFEC00  }
0x8d: {  	_ =	swait.ge @p1 [sflag:s9], $0x1400  }
0x8e: {  	s10 =	simm.s32 @p1 $0x4D30;
	[sflag:s9] =	ssyncset.done @p1 $0x0  }
0x8f: {  	s11 =	simm.s32 @p1 $0x7620;
	[sflag:s9] =	ssyncadd.s32 @p1 $0xFFFFEC00;
	s9 =	simm.s32 @p1 $0x50  }
0x90: {  	[spmem:s2] =	stream.indirect.scatter.add.bf16 @p1 [tilespmem:s11], [sflag:$0xB], $0x40, s10, s9, $0xb8;
	[tilespmem:$0x18AA0] =	vst v63  }
0x91: {  	s9 =	simm.s32 @p1 $0xA  }
0x92: {  	_ =	swait.ge @p1 [sflag:s9], $0x1400  }
0x93: {  	[sflag:s9] =	ssyncset.done @p1 $0x0  }
0x94: {  	[sflag:s9] =	ssyncadd.s32 @p1 $0xFFFFEC00;
	s9 =	sshra.s32 @!p1 s30, $0x2  }
0x95: {  	s5 =	simm.s32 @!p1 $0x4E20;
	s11 =	simm.s32 @!p1 $0x50;
	s10 =	sadd.s32 @!p1 $0x280, s9  }
0x96: {  	[tilespmem:s5], [sflag:$0x1] =	stream.indirect.gather @!p1 [hbm4b:s4+s11], $0x40, s10, s11, $0xb8;
	[tilespmem:$0x18AA0] =	vst v63  }
0x97: {  	s5 =	simm.s32 @!p1 $0x3  }
0x98: {  	_ =	swait.ge @!p1 [sflag:s5], $0x1400  }
0x99: {  	[sflag:s5] =	ssyncset.done @!p1 $0x0  }
0x9a: {  	s10 =	simm.s32 @!p1 $0x7620;
	[sflag:s5] =	ssyncadd.s32 @!p1 $0xFFFFEC00;
	s5 =	sadd.s32 @!p1 $0x27B0, s9  }
0x9b: {  	[spmem:s2] =	stream.indirect.scatter.add.bf16 @!p1 [tilespmem:s10], [sflag:$0xB], $0x40, s5, s11, $0xb8;
	[tilespmem:$0x18AA0] =	vst v63  }
0x9c: {  	s5 =	simm.s32 @!p1 $0xA  }
0x9d: {  	_ =	swait.ge @!p1 [sflag:s5], $0x1400  }
0x9e: {  	[sflag:s5] =	ssyncset.done @!p1 $0x0  }
0x9f: {  	[sflag:s5] =	ssyncadd.s32 @!p1 $0xFFFFEC00;
	s5 =	sadd.s32 @!p1 $0x2D0, s9;
	s9 =	simm.s32 @!p1 $0x6220  }
0xa0: {  	[tilespmem:s9], [sflag:$0x2] =	stream.indirect.gather @!p1 [hbm4b:s4+s11], $0x40, s5, s11, $0xb8;
	[tilespmem:$0x18AA0] =	vst v63  }
0xa1: {  	s5 =	sadd.s32 @!p1 $0x3C0, s30  }
0xa2: {  	s5 =	simm.s32 @p1 $0x99C0;
	_ =	swait.ge [sflag:s0], $0x1400  }
0xa3: {  	[sflag:s0] =	ssyncset.done $0x0;
	s5 =	sshra.s32 s5, $0x2  }
.Ltmp5:
0xa4: {  	[sflag:s0] =	ssyncadd.s32 $0xFFFFEC00;
	s5 =	sadd.s32 $0x2710, s5;
	(pc) =	sbr.rel @!p1 .LBB2_5-.Ltmp5, $4  }
0xa5: {  	[spmem:s2] =	stream.indirect.scatter.add.bf16 [tilespmem:s23], [sflag:$0xC], $0x40, s5, s17, $0xb8;
	[tilespmem:$0x18AA0] =	vst v63  }
0xa6: {  	_ =	swait.ge [sflag:s1], $0x1400  }
0xa7: {  	[sflag:s1] =	ssyncset.done $0x0  }
0xa8: {  	[sflag:s1] =	ssyncadd.s32 $0xFFFFEC00  }
0xa9: {  	_ =	swait.ge [sflag:s13], $0x1400  }
0xaa: {  	[sflag:s13] =	ssyncset.done $0x0  }
0xab: {  	[sflag:s13] =	ssyncadd.s32 $0xFFFFEC00  }
0xac: {  	[spmem:s2] =	stream.indirect.scatter.add.bf16 [tilespmem:s25], [sflag:$0xD], $0x40, s20, s17, $0xb8;
	[tilespmem:$0x18AA0] =	vst v63  }
0xad: {  	_ =	swait.ge [sflag:s22], $0x1400  }
.Ltmp6:
0xae: {  	[sflag:s22] =	ssyncset.done $0x0;
	(pc) =	sbr.rel .LBB2_6-.Ltmp6, $4  }
0xaf: {  	[sflag:s22] =	ssyncadd.s32 $0xFFFFEC00  }
0xb0: {  	_ =	swait.ge [sflag:s24], $0x1400  }
0xb1: {  	[sflag:s24] =	ssyncset.done $0x0  }
0xb2: {  	p1 =	por $0x0, $0x0;
	[sflag:s24] =	ssyncadd.s32 $0xFFFFEC00  }
.LBB2_8:
0xb3: {  	_ =	sfence.sel $0x180000  }
0xb4: {  	[bflag:$0x0] =	sbarrier.arrive $0xFFFF  }
0xb5: {  	_ =	strace $0x90000050  }
0xb6: {  	s0 =	stileid.u32;
	[bflag:$0x2] =	sbarrier.arrive $0xFFFF  }
0xb7: {  	p0 =	sne.s32 s0, $0x0;
	s0 =	rddreg [dreg:$0x3]  }
0xb8: {  	s0 =	sadd.s32 @!p0 $0x100000, s0  }
0xb9: {  	[sflag:s0] =	ssyncadd.tile.s32 @!p0 $0x1;
	_ =	shalt  }
.Lfunc_end2:
_tile_overlayer_lowered:
.L_overlay_start_2:
0xba: {  	(tag) =	ssettag $0x2  }
0xbb: {  	s0 =	rddreg [dreg:$0x0];
	s2 =	stileid.u32  }
0xbc: {  	s1 =	rddreg [dreg:$0x1];
	p0 =	sne.s32 s2, $0x0  }
0xbd: {  	s3 =	rddreg [dreg:$0x2];
	[bflag:$0x3] =	sbarrier.arrive $0xFFFF;
	s2 =	simm.s32 @!p0 $0x1C11  }
0xbe: {  	[timem:s3], [sflag:s2] =	dma.local @!p0 [hbm:s0], s1  }
0xbf: {  	s0 =	simm.s32 @!p0 $0x11  }
0xc0: {  	_ =	swait.ge @!p0 [sflag:s0], s1  }
0xc1: {  	s1 =	ssub.s32 @!p0 $0x0, s1;
	[sflag:s0] =	ssyncset.done @!p0 $0x0  }
0xc2: {  	[sflag:s0] =	ssyncadd.s32 @!p0 s1  }
0xc3: {  	[bflag:$0x3] =	sbarrier.arrive $0xFFFF  }
0xc4: {  	_ =	shalt  }

</sc_bundles>
